<compile_context>
chip_gen: v7x
topology: tpu7x:2x2x1
jax: 0.10.2.dev20260603
libtpu: 0.0.44.dev20260713+nightly
codegen_flags: <defaults>
</compile_context>

<pallas_src>
import functools

import jax
import jax.numpy as jnp
from jax import lax
from jax.experimental import pallas as pl
from jax.experimental.pallas import tpu as pltpu
from jax.experimental.pallas import tpu_sc as plsc

VOCAB_SIZE = 1000


def _build_sc_lookup(R, S, V, D, NC, NS, L):
    NW = NC * NS
    ST = S // 8
    CT = 1024
    TBW = ((V + 1) * D + 7) // 8 * 8

    mesh = plsc.VectorSubcoreMesh(core_axis_name="c", subcore_axis_name="s")

    @functools.partial(
        pl.kernel,
        mesh=mesh,
        compiler_params=pltpu.CompilerParams(
            use_tc_tiling_on_sc=False, needs_layout_passes=False),
        out_type=jax.ShapeDtypeStruct((D, ST * NW * CT), jnp.float32),
        scratch_types=[
            pltpu.VMEM((TBW,), jnp.float32),
            pltpu.VMEM((ST, CT), jnp.int32),
            pltpu.VMEM((D, CT), jnp.float32),
            pltpu.VMEM((D, CT), jnp.float32),
            pltpu.SemaphoreType.DMA,
            pltpu.SemaphoreType.DMA,
        ],
    )
    def sc_lookup(idx_hbm, table_hbm, out_hbm, table_v, idx_v,
                  trans_a, trans_b, sem_a, sem_b):
        wid = lax.axis_index("s") * NC + lax.axis_index("c")
        pltpu.sync_copy(table_hbm, table_v)
        pltpu.sync_copy(idx_hbm.at[:, pl.ds(wid * CT, CT)], idx_v)

        def compute_chunk(st, trans_v):
            def kbody(k, _):
                v = idx_v[st, pl.ds(k * L, L)]
                ok = (v >= 0) & (v < V)
                base = jnp.where(ok, v + 1, jnp.zeros_like(v)) * D
                vals = [plsc.load_gather(table_v, [base + d])
                        for d in range(D)]
                for d in range(D):
                    trans_v[d, pl.ds(k * L, L)] = vals[d]
                return 0

            lax.fori_loop(0, CT // L, kbody, 0, unroll=2)

        def fire_chunk(st, trans_v, sem):
            blk = (st * NW + wid) * CT
            pltpu.async_copy(trans_v, out_hbm.at[:, pl.ds(blk, CT)], sem)

        def drain(trans_v, sem):
            pltpu.make_async_copy(
                out_hbm.at[:, pl.ds(0, CT)], trans_v, sem).wait()

        def pair(p, _):
            @pl.when(p > 0)
            def _():
                drain(trans_a, sem_a)

            compute_chunk(2 * p, trans_a)
            fire_chunk(2 * p, trans_a, sem_a)

            @pl.when(p > 0)
            def _():
                drain(trans_b, sem_b)

            compute_chunk(2 * p + 1, trans_b)
            fire_chunk(2 * p + 1, trans_b, sem_b)
            return 0

        lax.fori_loop(0, ST // 2, pair, 0)
        drain(trans_a, sem_a)
        compute_chunk(ST - 1, trans_a)
        fire_chunk(ST - 1, trans_a, sem_a)
        drain(trans_a, sem_a)
        drain(trans_b, sem_b)

    return sc_lookup


def kernel(indices, table):
    R, S = indices.shape
    V = VOCAB_SIZE
    D = table.shape[1]
    info = plsc.get_sparse_core_info()
    NC, NS, L = info.num_cores, info.num_subcores, info.num_lanes
    NW = NC * NS
    ST = S // 8
    sc_lookup = _build_sc_lookup(R, S, V, D, NC, NS, L)
    idx_r = (indices.reshape(NW, 128, ST, 8)
             .transpose(2, 0, 3, 1)
             .reshape(ST, NW * 128 * 8))
    TBW = ((V + 1) * D + 7) // 8 * 8
    table_f = jnp.pad(table.reshape(-1), (0, TBW - (V + 1) * D))
    out5 = sc_lookup(idx_r, table_f).reshape(D, ST, NW, 8, 128)
    return out5.transpose(2, 4, 1, 3, 0).reshape(R, S, D)

# --- scband reference (transcript-rebuilt; emitter-appended) ---
"""Pipeline reference for scband-categorical-embedding-block-63995012710866 (READ-ONLY COPY).

The authoritative reference and input builder live on the scoring server;
editing this copy changes nothing except your own understanding.
"""

import jax, jax.numpy as jnp
import numpy as np

VOCAB_SIZE = 1000  # len(feat_vocab) = [0..999]
EMBED_DIM = int(6 * VOCAB_SIZE ** 0.25)  # = 33, matches module's derivation


def setup_inputs(seed: int = 0) -> dict:
    key = jax.random.key(seed)
    k1, k2 = jax.random.split(key)
    indices = jax.random.randint(k1, (4096, 200), 0, VOCAB_SIZE, dtype=jnp.int32)
    # Embedding table: (len(feat_vocab) + 1, embed_dim); row 0 is the OOV row
    # created by IntegerLookup(num_oov_indices=1).
    table = (jax.random.uniform(k2, (VOCAB_SIZE + 1, EMBED_DIM), dtype=jnp.float32) - 0.5) * 0.1
    return {"indices": indices, "table": table}


def reference(indices, table):
    # IntegerLookup with vocabulary=[0..999], num_oov_indices=1, output_mode='int':
    # in-vocab value v maps to index v + 1; any OOV value maps to index 0.
    in_vocab = (indices >= 0) & (indices < VOCAB_SIZE)
    idx = jnp.where(in_vocab, indices + 1, 0)
    # Embedding lookup (gather rows of the table).
    return jnp.take(table, idx, axis=0)

if __name__ == "__main__":
    import jax
    _d = setup_inputs()
    print(jax.jit(kernel)(*tuple(_d.values())))

</pallas_src>

<mosaic_0001>
#map = affine_map<(d0, d1) -> (0, 0)>
#map1 = affine_map<(d0, d1) -> (0)>
module attributes {stable_mosaic.version = 14 : i64} {
  func.func @sc_lookup(%arg0: i32, %arg1: i32, %arg2: memref<25x32768xi32, #tpu.memory_space<hbm>>, %arg3: memref<33040xf32, #tpu.memory_space<hbm>>, %arg4: memref<33x819200xf32, #tpu.memory_space<hbm>>, %arg5: memref<33040xf32, #tpu.memory_space<vmem>>, %arg6: memref<25x1024xi32, #tpu.memory_space<vmem>>, %arg7: memref<33x1024xf32, #tpu.memory_space<vmem>>, %arg8: memref<33x1024xf32, #tpu.memory_space<vmem>>, %arg9: memref<!tpu.dma_semaphore, #tpu.memory_space<semaphore_mem>>, %arg10: memref<!tpu.dma_semaphore, #tpu.memory_space<semaphore_mem>>) attributes {dimension_semantics = [#tpu.dimension_semantics<core_parallel>, #tpu.dimension_semantics<subcore_parallel>], iteration_bounds = array<i64: 2, 16>, scalar_prefetch = 0 : i64, scratch_operands = 6 : i64, tpu.core_type = #tpu.core_type<sc_vector_subcore>, window_params = [{transform_indices = #map}, {transform_indices = #map1}, {transform_indices = #map}]} {
    %mul3A = arith.constant 2 : i32
    %mul3A_0 = arith.muli %arg1, %mul3A : i32
    %add3A = arith.addi %mul3A_0, %arg0 : i32
    "tpu.region"() ({
      %run_scoped3A = tpu.sem_alloc : memref<!tpu.dma_semaphore, #tpu.memory_space<semaphore_mem>>
      tpu.enqueue_dma source(%arg3 : memref<33040xf32, #tpu.memory_space<hbm>>) target(%arg5 : memref<33040xf32, #tpu.memory_space<vmem>>) target_semaphore(%run_scoped3A : memref<!tpu.dma_semaphore, #tpu.memory_space<semaphore_mem>>)
      tpu.wait_dma2 semaphore(%run_scoped3A : memref<!tpu.dma_semaphore, #tpu.memory_space<semaphore_mem>>) src(%arg3 : memref<33040xf32, #tpu.memory_space<hbm>>) dst(%arg5 : memref<33040xf32, #tpu.memory_space<vmem>>)
      tpu.yield
    }) : () -> ()
    %mul3A_1 = arith.constant 1024 : i32
    %mul3A_2 = arith.muli %add3A, %mul3A_1 : i32
    "tpu.region"() ({
      %run_scoped3A = tpu.sem_alloc : memref<!tpu.dma_semaphore, #tpu.memory_space<semaphore_mem>>
      %dma_start3A_40 = arith.constant 0 : i32
      %dma_start3A_41 = tpu.memref_slice %arg2[%dma_start3A_40, %mul3A_2] : memref<25x32768xi32, #tpu.memory_space<hbm>> -> memref<25x1024xi32, #tpu.memory_space<hbm>>
      %dma_start3A_42 = arith.constant 0 : i32
      %dma_start3A_43 = tpu.memref_slice %arg2[%dma_start3A_42, %mul3A_2] : memref<25x32768xi32, #tpu.memory_space<hbm>> -> memref<25x1024xi32, #tpu.memory_space<hbm>>
      tpu.enqueue_dma source(%dma_start3A_43 : memref<25x1024xi32, #tpu.memory_space<hbm>>) target(%arg6 : memref<25x1024xi32, #tpu.memory_space<vmem>>) target_semaphore(%run_scoped3A : memref<!tpu.dma_semaphore, #tpu.memory_space<semaphore_mem>>)
      %dma_wait3A_44 = arith.constant 0 : i32
      %dma_wait3A_45 = tpu.memref_slice %arg2[%dma_wait3A_44, %mul3A_2] : memref<25x32768xi32, #tpu.memory_space<hbm>> -> memref<25x1024xi32, #tpu.memory_space<hbm>>
      %dma_wait3A_46 = arith.constant 0 : i32
      %dma_wait3A_47 = tpu.memref_slice %arg2[%dma_wait3A_46, %mul3A_2] : memref<25x32768xi32, #tpu.memory_space<hbm>> -> memref<25x1024xi32, #tpu.memory_space<hbm>>
      tpu.wait_dma2 semaphore(%run_scoped3A : memref<!tpu.dma_semaphore, #tpu.memory_space<semaphore_mem>>) src(%dma_wait3A_47 : memref<25x1024xi32, #tpu.memory_space<hbm>>) dst(%arg6 : memref<25x1024xi32, #tpu.memory_space<vmem>>)
      tpu.yield
    }) : () -> ()
    %scan3A = arith.constant 0 : i32
    %scan3A_3 = arith.constant 0 : i32
    %scan3A_4 = arith.constant 12 : i32
    %scan3A_5 = arith.addi %scan3A_3, %scan3A_4 : i32
    %scan3A_6 = arith.constant 1 : i32
    %scan3A_7 = scf.for %scan3A_40 = %scan3A_3 to %scan3A_5 step %scan3A_6 iter_args(%scan3A_41 = %scan3A) -> (i32)  : i32 {
      %gt3A = arith.constant 0 : i32
      %gt3A_42 = arith.cmpi sgt, %scan3A_40, %gt3A : i32
      %convert_element_type3A = arith.extui %gt3A_42 : i1 to i32
      %cond3A = arith.constant 0 : i32
      %cond3A_43 = arith.cmpi ne, %convert_element_type3A, %cond3A : i32
      scf.if %cond3A_43 {
        %dma_wait3A_94 = arith.constant 0 : i32
        %dma_wait3A_95 = arith.constant 0 : i32
        %dma_wait3A_96 = tpu.memref_slice %arg4[%dma_wait3A_94, %dma_wait3A_95] : memref<33x819200xf32, #tpu.memory_space<hbm>> -> memref<33x1024xf32, #tpu.memory_space<hbm>>
        %dma_wait3A_97 = arith.constant 0 : i32
        %dma_wait3A_98 = arith.constant 0 : i32
        %dma_wait3A_99 = tpu.memref_slice %arg4[%dma_wait3A_97, %dma_wait3A_98] : memref<33x819200xf32, #tpu.memory_space<hbm>> -> memref<33x1024xf32, #tpu.memory_space<hbm>>
        tpu.wait_dma2 semaphore(%arg9 : memref<!tpu.dma_semaphore, #tpu.memory_space<semaphore_mem>>) src(%dma_wait3A_99 : memref<33x1024xf32, #tpu.memory_space<hbm>>) dst(%arg7 : memref<33x1024xf32, #tpu.memory_space<vmem>>)
      } else {
      }
      %mul3A_44 = arith.constant 2 : i32
      %mul3A_45 = arith.muli %mul3A_44, %scan3A_40 : i32
      %scan3A_46 = arith.constant 0 : i32
      %scan3A_47 = arith.constant 0 : i32
      %scan3A_48 = arith.constant 64 : i32
      %scan3A_49 = arith.addi %scan3A_47, %scan3A_48 : i32
      %scan3A_50 = arith.constant 2 : i32
      %scan3A_51 = scf.for %scan3A_94 = %scan3A_47 to %scan3A_49 step %scan3A_50 iter_args(%scan3A_95 = %scan3A_46) -> (i32)  : i32 {
        %mul3A_96 = arith.constant 16 : i32
        %mul3A_97 = arith.muli %scan3A_94, %mul3A_96 : i32
        %get3A = arith.index_cast %mul3A_45 : i32 to index
        %get3A_98 = arith.index_cast %mul3A_97 : i32 to index
        %get3A_99 = tpu.vector_load %arg6[%get3A, %get3A_98] {strides = array<i32>} : memref<25x1024xi32, #tpu.memory_space<vmem>>, vector<16xi32>,
        %ge3A = arith.constant 0 : i32
        %ge3A_100 = vector.broadcast %ge3A : i32 to vector<16xi32>
        %ge3A_101 = arith.cmpi sge, %get3A_99, %ge3A_100 : vector<16xi32>
        %lt3A = arith.constant 1000 : i32
        %lt3A_102 = vector.broadcast %lt3A : i32 to vector<16xi32>
        %lt3A_103 = arith.cmpi slt, %get3A_99, %lt3A_102 : vector<16xi32>
        %and3A = arith.andi %ge3A_101, %lt3A_103 : vector<16xi1>
        %add3A_104 = arith.constant 1 : i32
        %add3A_105 = vector.broadcast %add3A_104 : i32 to vector<16xi32>
        %add3A_106 = arith.addi %get3A_99, %add3A_105 : vector<16xi32>
        %broadcast_in_dim3A = arith.constant 0 : i32
        %broadcast_in_dim3A_107 = vector.broadcast %broadcast_in_dim3A : i32 to vector<16xi32>
        %select_n3A = arith.select %and3A, %add3A_106, %broadcast_in_dim3A_107 : vector<16xi1>, vector<16xi32>
        %mul3A_108 = arith.constant 33 : i32
        %mul3A_109 = vector.broadcast %mul3A_108 : i32 to vector<16xi32>
        %mul3A_110 = arith.muli %select_n3A, %mul3A_109 : vector<16xi32>
        %add3A_111 = arith.constant 0 : i32
        %add3A_112 = vector.broadcast %add3A_111 : i32 to vector<16xi32>
        %add3A_113 = arith.addi %mul3A_110, %add3A_112 : vector<16xi32>
        %gather3A = tpu.vector_load_idx %arg5[%add3A_113] : memref<33040xf32, #tpu.memory_space<vmem>>[vector<16xi32>], vector<16xf32>,
        %add3A_114 = arith.constant 1 : i32
        %add3A_115 = vector.broadcast %add3A_114 : i32 to vector<16xi32>
        %add3A_116 = arith.addi %mul3A_110, %add3A_115 : vector<16xi32>
        %gather3A_117 = tpu.vector_load_idx %arg5[%add3A_116] : memref<33040xf32, #tpu.memory_space<vmem>>[vector<16xi32>], vector<16xf32>,
        %add3A_118 = arith.constant 2 : i32
        %add3A_119 = vector.broadcast %add3A_118 : i32 to vector<16xi32>
        %add3A_120 = arith.addi %mul3A_110, %add3A_119 : vector<16xi32>
        %gather3A_121 = tpu.vector_load_idx %arg5[%add3A_120] : memref<33040xf32, #tpu.memory_space<vmem>>[vector<16xi32>], vector<16xf32>,
        %add3A_122 = arith.constant 3 : i32
        %add3A_123 = vector.broadcast %add3A_122 : i32 to vector<16xi32>
        %add3A_124 = arith.addi %mul3A_110, %add3A_123 : vector<16xi32>
        %gather3A_125 = tpu.vector_load_idx %arg5[%add3A_124] : memref<33040xf32, #tpu.memory_space<vmem>>[vector<16xi32>], vector<16xf32>,
        %add3A_126 = arith.constant 4 : i32
        %add3A_127 = vector.broadcast %add3A_126 : i32 to vector<16xi32>
        %add3A_128 = arith.addi %mul3A_110, %add3A_127 : vector<16xi32>
        %gather3A_129 = tpu.vector_load_idx %arg5[%add3A_128] : memref<33040xf32, #tpu.memory_space<vmem>>[vector<16xi32>], vector<16xf32>,
        %add3A_130 = arith.constant 5 : i32
        %add3A_131 = vector.broadcast %add3A_130 : i32 to vector<16xi32>
        %add3A_132 = arith.addi %mul3A_110, %add3A_131 : vector<16xi32>
        %gather3A_133 = tpu.vector_load_idx %arg5[%add3A_132] : memref<33040xf32, #tpu.memory_space<vmem>>[vector<16xi32>], vector<16xf32>,
        %add3A_134 = arith.constant 6 : i32
        %add3A_135 = vector.broadcast %add3A_134 : i32 to vector<16xi32>
        %add3A_136 = arith.addi %mul3A_110, %add3A_135 : vector<16xi32>
        %gather3A_137 = tpu.vector_load_idx %arg5[%add3A_136] : memref<33040xf32, #tpu.memory_space<vmem>>[vector<16xi32>], vector<16xf32>,
        %add3A_138 = arith.constant 7 : i32
        %add3A_139 = vector.broadcast %add3A_138 : i32 to vector<16xi32>
        %add3A_140 = arith.addi %mul3A_110, %add3A_139 : vector<16xi32>
        %gather3A_141 = tpu.vector_load_idx %arg5[%add3A_140] : memref<33040xf32, #tpu.memory_space<vmem>>[vector<16xi32>], vector<16xf32>,
        %add3A_142 = arith.constant 8 : i32
        %add3A_143 = vector.broadcast %add3A_142 : i32 to vector<16xi32>
        %add3A_144 = arith.addi %mul3A_110, %add3A_143 : vector<16xi32>
        %gather3A_145 = tpu.vector_load_idx %arg5[%add3A_144] : memref<33040xf32, #tpu.memory_space<vmem>>[vector<16xi32>], vector<16xf32>,
        %add3A_146 = arith.constant 9 : i32
        %add3A_147 = vector.broadcast %add3A_146 : i32 to vector<16xi32>
        %add3A_148 = arith.addi %mul3A_110, %add3A_147 : vector<16xi32>
        %gather3A_149 = tpu.vector_load_idx %arg5[%add3A_148] : memref<33040xf32, #tpu.memory_space<vmem>>[vector<16xi32>], vector<16xf32>,
        %add3A_150 = arith.constant 10 : i32
        %add3A_151 = vector.broadcast %add3A_150 : i32 to vector<16xi32>
        %add3A_152 = arith.addi %mul3A_110, %add3A_151 : vector<16xi32>
        %gather3A_153 = tpu.vector_load_idx %arg5[%add3A_152] : memref<33040xf32, #tpu.memory_space<vmem>>[vector<16xi32>], vector<16xf32>,
        %add3A_154 = arith.constant 11 : i32
        %add3A_155 = vector.broadcast %add3A_154 : i32 to vector<16xi32>
        %add3A_156 = arith.addi %mul3A_110, %add3A_155 : vector<16xi32>
        %gather3A_157 = tpu.vector_load_idx %arg5[%add3A_156] : memref<33040xf32, #tpu.memory_space<vmem>>[vector<16xi32>], vector<16xf32>,
        %add3A_158 = arith.constant 12 : i32
        %add3A_159 = vector.broadcast %add3A_158 : i32 to vector<16xi32>
        %add3A_160 = arith.addi %mul3A_110, %add3A_159 : vector<16xi32>
        %gather3A_161 = tpu.vector_load_idx %arg5[%add3A_160] : memref<33040xf32, #tpu.memory_space<vmem>>[vector<16xi32>], vector<16xf32>,
        %add3A_162 = arith.constant 13 : i32
        %add3A_163 = vector.broadcast %add3A_162 : i32 to vector<16xi32>
        %add3A_164 = arith.addi %mul3A_110, %add3A_163 : vector<16xi32>
        %gather3A_165 = tpu.vector_load_idx %arg5[%add3A_164] : memref<33040xf32, #tpu.memory_space<vmem>>[vector<16xi32>], vector<16xf32>,
        %add3A_166 = arith.constant 14 : i32
        %add3A_167 = vector.broadcast %add3A_166 : i32 to vector<16xi32>
        %add3A_168 = arith.addi %mul3A_110, %add3A_167 : vector<16xi32>
        %gather3A_169 = tpu.vector_load_idx %arg5[%add3A_168] : memref<33040xf32, #tpu.memory_space<vmem>>[vector<16xi32>], vector<16xf32>,
        %add3A_170 = arith.constant 15 : i32
        %add3A_171 = vector.broadcast %add3A_170 : i32 to vector<16xi32>
        %add3A_172 = arith.addi %mul3A_110, %add3A_171 : vector<16xi32>
        %gather3A_173 = tpu.vector_load_idx %arg5[%add3A_172] : memref<33040xf32, #tpu.memory_space<vmem>>[vector<16xi32>], vector<16xf32>,
        %add3A_174 = arith.constant 16 : i32
        %add3A_175 = vector.broadcast %add3A_174 : i32 to vector<16xi32>
        %add3A_176 = arith.addi %mul3A_110, %add3A_175 : vector<16xi32>
        %gather3A_177 = tpu.vector_load_idx %arg5[%add3A_176] : memref<33040xf32, #tpu.memory_space<vmem>>[vector<16xi32>], vector<16xf32>,
        %add3A_178 = arith.constant 17 : i32
        %add3A_179 = vector.broadcast %add3A_178 : i32 to vector<16xi32>
        %add3A_180 = arith.addi %mul3A_110, %add3A_179 : vector<16xi32>
        %gather3A_181 = tpu.vector_load_idx %arg5[%add3A_180] : memref<33040xf32, #tpu.memory_space<vmem>>[vector<16xi32>], vector<16xf32>,
        %add3A_182 = arith.constant 18 : i32
        %add3A_183 = vector.broadcast %add3A_182 : i32 to vector<16xi32>
        %add3A_184 = arith.addi %mul3A_110, %add3A_183 : vector<16xi32>
        %gather3A_185 = tpu.vector_load_idx %arg5[%add3A_184] : memref<33040xf32, #tpu.memory_space<vmem>>[vector<16xi32>], vector<16xf32>,
        %add3A_186 = arith.constant 19 : i32
        %add3A_187 = vector.broadcast %add3A_186 : i32 to vector<16xi32>
        %add3A_188 = arith.addi %mul3A_110, %add3A_187 : vector<16xi32>
        %gather3A_189 = tpu.vector_load_idx %arg5[%add3A_188] : memref<33040xf32, #tpu.memory_space<vmem>>[vector<16xi32>], vector<16xf32>,
        %add3A_190 = arith.constant 20 : i32
        %add3A_191 = vector.broadcast %add3A_190 : i32 to vector<16xi32>
        %add3A_192 = arith.addi %mul3A_110, %add3A_191 : vector<16xi32>
        %gather3A_193 = tpu.vector_load_idx %arg5[%add3A_192] : memref<33040xf32, #tpu.memory_space<vmem>>[vector<16xi32>], vector<16xf32>,
        %add3A_194 = arith.constant 21 : i32
        %add3A_195 = vector.broadcast %add3A_194 : i32 to vector<16xi32>
        %add3A_196 = arith.addi %mul3A_110, %add3A_195 : vector<16xi32>
        %gather3A_197 = tpu.vector_load_idx %arg5[%add3A_196] : memref<33040xf32, #tpu.memory_space<vmem>>[vector<16xi32>], vector<16xf32>,
        %add3A_198 = arith.constant 22 : i32
        %add3A_199 = vector.broadcast %add3A_198 : i32 to vector<16xi32>
        %add3A_200 = arith.addi %mul3A_110, %add3A_199 : vector<16xi32>
        %gather3A_201 = tpu.vector_load_idx %arg5[%add3A_200] : memref<33040xf32, #tpu.memory_space<vmem>>[vector<16xi32>], vector<16xf32>,
        %add3A_202 = arith.constant 23 : i32
        %add3A_203 = vector.broadcast %add3A_202 : i32 to vector<16xi32>
        %add3A_204 = arith.addi %mul3A_110, %add3A_203 : vector<16xi32>
        %gather3A_205 = tpu.vector_load_idx %arg5[%add3A_204] : memref<33040xf32, #tpu.memory_space<vmem>>[vector<16xi32>], vector<16xf32>,
        %add3A_206 = arith.constant 24 : i32
        %add3A_207 = vector.broadcast %add3A_206 : i32 to vector<16xi32>
        %add3A_208 = arith.addi %mul3A_110, %add3A_207 : vector<16xi32>
        %gather3A_209 = tpu.vector_load_idx %arg5[%add3A_208] : memref<33040xf32, #tpu.memory_space<vmem>>[vector<16xi32>], vector<16xf32>,
        %add3A_210 = arith.constant 25 : i32
        %add3A_211 = vector.broadcast %add3A_210 : i32 to vector<16xi32>
        %add3A_212 = arith.addi %mul3A_110, %add3A_211 : vector<16xi32>
        %gather3A_213 = tpu.vector_load_idx %arg5[%add3A_212] : memref<33040xf32, #tpu.memory_space<vmem>>[vector<16xi32>], vector<16xf32>,
        %add3A_214 = arith.constant 26 : i32
        %add3A_215 = vector.broadcast %add3A_214 : i32 to vector<16xi32>
        %add3A_216 = arith.addi %mul3A_110, %add3A_215 : vector<16xi32>
        %gather3A_217 = tpu.vector_load_idx %arg5[%add3A_216] : memref<33040xf32, #tpu.memory_space<vmem>>[vector<16xi32>], vector<16xf32>,
        %add3A_218 = arith.constant 27 : i32
        %add3A_219 = vector.broadcast %add3A_218 : i32 to vector<16xi32>
        %add3A_220 = arith.addi %mul3A_110, %add3A_219 : vector<16xi32>
        %gather3A_221 = tpu.vector_load_idx %arg5[%add3A_220] : memref<33040xf32, #tpu.memory_space<vmem>>[vector<16xi32>], vector<16xf32>,
        %add3A_222 = arith.constant 28 : i32
        %add3A_223 = vector.broadcast %add3A_222 : i32 to vector<16xi32>
        %add3A_224 = arith.addi %mul3A_110, %add3A_223 : vector<16xi32>
        %gather3A_225 = tpu.vector_load_idx %arg5[%add3A_224] : memref<33040xf32, #tpu.memory_space<vmem>>[vector<16xi32>], vector<16xf32>,
        %add3A_226 = arith.constant 29 : i32
        %add3A_227 = vector.broadcast %add3A_226 : i32 to vector<16xi32>
        %add3A_228 = arith.addi %mul3A_110, %add3A_227 : vector<16xi32>
        %gather3A_229 = tpu.vector_load_idx %arg5[%add3A_228] : memref<33040xf32, #tpu.memory_space<vmem>>[vector<16xi32>], vector<16xf32>,
        %add3A_230 = arith.constant 30 : i32
        %add3A_231 = vector.broadcast %add3A_230 : i32 to vector<16xi32>
        %add3A_232 = arith.addi %mul3A_110, %add3A_231 : vector<16xi32>
        %gather3A_233 = tpu.vector_load_idx %arg5[%add3A_232] : memref<33040xf32, #tpu.memory_space<vmem>>[vector<16xi32>], vector<16xf32>,
        %add3A_234 = arith.constant 31 : i32
        %add3A_235 = vector.broadcast %add3A_234 : i32 to vector<16xi32>
        %add3A_236 = arith.addi %mul3A_110, %add3A_235 : vector<16xi32>
        %gather3A_237 = tpu.vector_load_idx %arg5[%add3A_236] : memref<33040xf32, #tpu.memory_space<vmem>>[vector<16xi32>], vector<16xf32>,
        %add3A_238 = arith.constant 32 : i32
        %add3A_239 = vector.broadcast %add3A_238 : i32 to vector<16xi32>
        %add3A_240 = arith.addi %mul3A_110, %add3A_239 : vector<16xi32>
        %gather3A_241 = tpu.vector_load_idx %arg5[%add3A_240] : memref<33040xf32, #tpu.memory_space<vmem>>[vector<16xi32>], vector<16xf32>,
        %mul3A_242 = arith.constant 16 : i32
        %mul3A_243 = arith.muli %scan3A_94, %mul3A_242 : i32
        %swap3A = arith.constant 0 : i32
        %swap3A_244 = arith.index_cast %swap3A : i32 to index
        %swap3A_245 = arith.index_cast %mul3A_243 : i32 to index
        %swap3A_246 = tpu.vector_load %arg7[%swap3A_244, %swap3A_245] {strides = array<i32>} : memref<33x1024xf32, #tpu.memory_space<vmem>>, vector<16xf32>,
        tpu.vector_store %arg7[%swap3A_244, %swap3A_245], %gather3A {strides = array<i32>} : memref<33x1024xf32, #tpu.memory_space<vmem>>, vector<16xf32>,
        %mul3A_247 = arith.constant 16 : i32
        %mul3A_248 = arith.muli %scan3A_94, %mul3A_247 : i32
        %swap3A_249 = arith.constant 1 : i32
        %swap3A_250 = arith.index_cast %swap3A_249 : i32 to index
        %swap3A_251 = arith.index_cast %mul3A_248 : i32 to index
        %swap3A_252 = tpu.vector_load %arg7[%swap3A_250, %swap3A_251] {strides = array<i32>} : memref<33x1024xf32, #tpu.memory_space<vmem>>, vector<16xf32>,
        tpu.vector_store %arg7[%swap3A_250, %swap3A_251], %gather3A_117 {strides = array<i32>} : memref<33x1024xf32, #tpu.memory_space<vmem>>, vector<16xf32>,
        %mul3A_253 = arith.constant 16 : i32
        %mul3A_254 = arith.muli %scan3A_94, %mul3A_253 : i32
        %swap3A_255 = arith.constant 2 : i32
        %swap3A_256 = arith.index_cast %swap3A_255 : i32 to index
        %swap3A_257 = arith.index_cast %mul3A_254 : i32 to index
        %swap3A_258 = tpu.vector_load %arg7[%swap3A_256, %swap3A_257] {strides = array<i32>} : memref<33x1024xf32, #tpu.memory_space<vmem>>, vector<16xf32>,
        tpu.vector_store %arg7[%swap3A_256, %swap3A_257], %gather3A_121 {strides = array<i32>} : memref<33x1024xf32, #tpu.memory_space<vmem>>, vector<16xf32>,
        %mul3A_259 = arith.constant 16 : i32
        %mul3A_260 = arith.muli %scan3A_94, %mul3A_259 : i32
        %swap3A_261 = arith.constant 3 : i32
        %swap3A_262 = arith.index_cast %swap3A_261 : i32 to index
        %swap3A_263 = arith.index_cast %mul3A_260 : i32 to index
        %swap3A_264 = tpu.vector_load %arg7[%swap3A_262, %swap3A_263] {strides = array<i32>} : memref<33x1024xf32, #tpu.memory_space<vmem>>, vector<16xf32>,
        tpu.vector_store %arg7[%swap3A_262, %swap3A_263], %gather3A_125 {strides = array<i32>} : memref<33x1024xf32, #tpu.memory_space<vmem>>, vector<16xf32>,
        %mul3A_265 = arith.constant 16 : i32
        %mul3A_266 = arith.muli %scan3A_94, %mul3A_265 : i32
        %swap3A_267 = arith.constant 4 : i32
        %swap3A_268 = arith.index_cast %swap3A_267 : i32 to index
        %swap3A_269 = arith.index_cast %mul3A_266 : i32 to index
        %swap3A_270 = tpu.vector_load %arg7[%swap3A_268, %swap3A_269] {strides = array<i32>} : memref<33x1024xf32, #tpu.memory_space<vmem>>, vector<16xf32>,
        tpu.vector_store %arg7[%swap3A_268, %swap3A_269], %gather3A_129 {strides = array<i32>} : memref<33x1024xf32, #tpu.memory_space<vmem>>, vector<16xf32>,
        %mul3A_271 = arith.constant 16 : i32
        %mul3A_272 = arith.muli %scan3A_94, %mul3A_271 : i32
        %swap3A_273 = arith.constant 5 : i32
        %swap3A_274 = arith.index_cast %swap3A_273 : i32 to index
        %swap3A_275 = arith.index_cast %mul3A_272 : i32 to index
        %swap3A_276 = tpu.vector_load %arg7[%swap3A_274, %swap3A_275] {strides = array<i32>} : memref<33x1024xf32, #tpu.memory_space<vmem>>, vector<16xf32>,
        tpu.vector_store %arg7[%swap3A_274, %swap3A_275], %gather3A_133 {strides = array<i32>} : memref<33x1024xf32, #tpu.memory_space<vmem>>, vector<16xf32>,
        %mul3A_277 = arith.constant 16 : i32
        %mul3A_278 = arith.muli %scan3A_94, %mul3A_277 : i32
        %swap3A_279 = arith.constant 6 : i32
        %swap3A_280 = arith.index_cast %swap3A_279 : i32 to index
        %swap3A_281 = arith.index_cast %mul3A_278 : i32 to index
        %swap3A_282 = tpu.vector_load %arg7[%swap3A_280, %swap3A_281] {strides = array<i32>} : memref<33x1024xf32, #tpu.memory_space<vmem>>, vector<16xf32>,
        tpu.vector_store %arg7[%swap3A_280, %swap3A_281], %gather3A_137 {strides = array<i32>} : memref<33x1024xf32, #tpu.memory_space<vmem>>, vector<16xf32>,
        %mul3A_283 = arith.constant 16 : i32
        %mul3A_284 = arith.muli %scan3A_94, %mul3A_283 : i32
        %swap3A_285 = arith.constant 7 : i32
        %swap3A_286 = arith.index_cast %swap3A_285 : i32 to index
        %swap3A_287 = arith.index_cast %mul3A_284 : i32 to index
        %swap3A_288 = tpu.vector_load %arg7[%swap3A_286, %swap3A_287] {strides = array<i32>} : memref<33x1024xf32, #tpu.memory_space<vmem>>, vector<16xf32>,
        tpu.vector_store %arg7[%swap3A_286, %swap3A_287], %gather3A_141 {strides = array<i32>} : memref<33x1024xf32, #tpu.memory_space<vmem>>, vector<16xf32>,
        %mul3A_289 = arith.constant 16 : i32
        %mul3A_290 = arith.muli %scan3A_94, %mul3A_289 : i32
        %swap3A_291 = arith.constant 8 : i32
        %swap3A_292 = arith.index_cast %swap3A_291 : i32 to index
        %swap3A_293 = arith.index_cast %mul3A_290 : i32 to index
        %swap3A_294 = tpu.vector_load %arg7[%swap3A_292, %swap3A_293] {strides = array<i32>} : memref<33x1024xf32, #tpu.memory_space<vmem>>, vector<16xf32>,
        tpu.vector_store %arg7[%swap3A_292, %swap3A_293], %gather3A_145 {strides = array<i32>} : memref<33x1024xf32, #tpu.memory_space<vmem>>, vector<16xf32>,
        %mul3A_295 = arith.constant 16 : i32
        %mul3A_296 = arith.muli %scan3A_94, %mul3A_295 : i32
        %swap3A_297 = arith.constant 9 : i32
        %swap3A_298 = arith.index_cast %swap3A_297 : i32 to index
        %swap3A_299 = arith.index_cast %mul3A_296 : i32 to index
        %swap3A_300 = tpu.vector_load %arg7[%swap3A_298, %swap3A_299] {strides = array<i32>} : memref<33x1024xf32, #tpu.memory_space<vmem>>, vector<16xf32>,
        tpu.vector_store %arg7[%swap3A_298, %swap3A_299], %gather3A_149 {strides = array<i32>} : memref<33x1024xf32, #tpu.memory_space<vmem>>, vector<16xf32>,
        %mul3A_301 = arith.constant 16 : i32
        %mul3A_302 = arith.muli %scan3A_94, %mul3A_301 : i32
        %swap3A_303 = arith.constant 10 : i32
        %swap3A_304 = arith.index_cast %swap3A_303 : i32 to index
        %swap3A_305 = arith.index_cast %mul3A_302 : i32 to index
        %swap3A_306 = tpu.vector_load %arg7[%swap3A_304, %swap3A_305] {strides = array<i32>} : memref<33x1024xf32, #tpu.memory_space<vmem>>, vector<16xf32>,
        tpu.vector_store %arg7[%swap3A_304, %swap3A_305], %gather3A_153 {strides = array<i32>} : memref<33x1024xf32, #tpu.memory_space<vmem>>, vector<16xf32>,
        %mul3A_307 = arith.constant 16 : i32
        %mul3A_308 = arith.muli %scan3A_94, %mul3A_307 : i32
        %swap3A_309 = arith.constant 11 : i32
        %swap3A_310 = arith.index_cast %swap3A_309 : i32 to index
        %swap3A_311 = arith.index_cast %mul3A_308 : i32 to index
        %swap3A_312 = tpu.vector_load %arg7[%swap3A_310, %swap3A_311] {strides = array<i32>} : memref<33x1024xf32, #tpu.memory_space<vmem>>, vector<16xf32>,
        tpu.vector_store %arg7[%swap3A_310, %swap3A_311], %gather3A_157 {strides = array<i32>} : memref<33x1024xf32, #tpu.memory_space<vmem>>, vector<16xf32>,
        %mul3A_313 = arith.constant 16 : i32
        %mul3A_314 = arith.muli %scan3A_94, %mul3A_313 : i32
        %swap3A_315 = arith.constant 12 : i32
        %swap3A_316 = arith.index_cast %swap3A_315 : i32 to index
        %swap3A_317 = arith.index_cast %mul3A_314 : i32 to index
        %swap3A_318 = tpu.vector_load %arg7[%swap3A_316, %swap3A_317] {strides = array<i32>} : memref<33x1024xf32, #tpu.memory_space<vmem>>, vector<16xf32>,
        tpu.vector_store %arg7[%swap3A_316, %swap3A_317], %gather3A_161 {strides = array<i32>} : memref<33x1024xf32, #tpu.memory_space<vmem>>, vector<16xf32>,
        %mul3A_319 = arith.constant 16 : i32
        %mul3A_320 = arith.muli %scan3A_94, %mul3A_319 : i32
        %swap3A_321 = arith.constant 13 : i32
        %swap3A_322 = arith.index_cast %swap3A_321 : i32 to index
        %swap3A_323 = arith.index_cast %mul3A_320 : i32 to index
        %swap3A_324 = tpu.vector_load %arg7[%swap3A_322, %swap3A_323] {strides = array<i32>} : memref<33x1024xf32, #tpu.memory_space<vmem>>, vector<16xf32>,
        tpu.vector_store %arg7[%swap3A_322, %swap3A_323], %gather3A_165 {strides = array<i32>} : memref<33x1024xf32, #tpu.memory_space<vmem>>, vector<16xf32>,
        %mul3A_325 = arith.constant 16 : i32
        %mul3A_326 = arith.muli %scan3A_94, %mul3A_325 : i32
        %swap3A_327 = arith.constant 14 : i32
        %swap3A_328 = arith.index_cast %swap3A_327 : i32 to index
        %swap3A_329 = arith.index_cast %mul3A_326 : i32 to index
        %swap3A_330 = tpu.vector_load %arg7[%swap3A_328, %swap3A_329] {strides = array<i32>} : memref<33x1024xf32, #tpu.memory_space<vmem>>, vector<16xf32>,
        tpu.vector_store %arg7[%swap3A_328, %swap3A_329], %gather3A_169 {strides = array<i32>} : memref<33x1024xf32, #tpu.memory_space<vmem>>, vector<16xf32>,
        %mul3A_331 = arith.constant 16 : i32
        %mul3A_332 = arith.muli %scan3A_94, %mul3A_331 : i32
        %swap3A_333 = arith.constant 15 : i32
        %swap3A_334 = arith.index_cast %swap3A_333 : i32 to index
        %swap3A_335 = arith.index_cast %mul3A_332 : i32 to index
        %swap3A_336 = tpu.vector_load %arg7[%swap3A_334, %swap3A_335] {strides = array<i32>} : memref<33x1024xf32, #tpu.memory_space<vmem>>, vector<16xf32>,
        tpu.vector_store %arg7[%swap3A_334, %swap3A_335], %gather3A_173 {strides = array<i32>} : memref<33x1024xf32, #tpu.memory_space<vmem>>, vector<16xf32>,
        %mul3A_337 = arith.constant 16 : i32
        %mul3A_338 = arith.muli %scan3A_94, %mul3A_337 : i32
        %swap3A_339 = arith.constant 16 : i32
        %swap3A_340 = arith.index_cast %swap3A_339 : i32 to index
        %swap3A_341 = arith.index_cast %mul3A_338 : i32 to index
        %swap3A_342 = tpu.vector_load %arg7[%swap3A_340, %swap3A_341] {strides = array<i32>} : memref<33x1024xf32, #tpu.memory_space<vmem>>, vector<16xf32>,
        tpu.vector_store %arg7[%swap3A_340, %swap3A_341], %gather3A_177 {strides = array<i32>} : memref<33x1024xf32, #tpu.memory_space<vmem>>, vector<16xf32>,
        %mul3A_343 = arith.constant 16 : i32
        %mul3A_344 = arith.muli %scan3A_94, %mul3A_343 : i32
        %swap3A_345 = arith.constant 17 : i32
        %swap3A_346 = arith.index_cast %swap3A_345 : i32 to index
        %swap3A_347 = arith.index_cast %mul3A_344 : i32 to index
        %swap3A_348 = tpu.vector_load %arg7[%swap3A_346, %swap3A_347] {strides = array<i32>} : memref<33x1024xf32, #tpu.memory_space<vmem>>, vector<16xf32>,
        tpu.vector_store %arg7[%swap3A_346, %swap3A_347], %gather3A_181 {strides = array<i32>} : memref<33x1024xf32, #tpu.memory_space<vmem>>, vector<16xf32>,
        %mul3A_349 = arith.constant 16 : i32
        %mul3A_350 = arith.muli %scan3A_94, %mul3A_349 : i32
        %swap3A_351 = arith.constant 18 : i32
        %swap3A_352 = arith.index_cast %swap3A_351 : i32 to index
        %swap3A_353 = arith.index_cast %mul3A_350 : i32 to index
        %swap3A_354 = tpu.vector_load %arg7[%swap3A_352, %swap3A_353] {strides = array<i32>} : memref<33x1024xf32, #tpu.memory_space<vmem>>, vector<16xf32>,
        tpu.vector_store %arg7[%swap3A_352, %swap3A_353], %gather3A_185 {strides = array<i32>} : memref<33x1024xf32, #tpu.memory_space<vmem>>, vector<16xf32>,
        %mul3A_355 = arith.constant 16 : i32
        %mul3A_356 = arith.muli %scan3A_94, %mul3A_355 : i32
        %swap3A_357 = arith.constant 19 : i32
        %swap3A_358 = arith.index_cast %swap3A_357 : i32 to index
        %swap3A_359 = arith.index_cast %mul3A_356 : i32 to index
        %swap3A_360 = tpu.vector_load %arg7[%swap3A_358, %swap3A_359] {strides = array<i32>} : memref<33x1024xf32, #tpu.memory_space<vmem>>, vector<16xf32>,
        tpu.vector_store %arg7[%swap3A_358, %swap3A_359], %gather3A_189 {strides = array<i32>} : memref<33x1024xf32, #tpu.memory_space<vmem>>, vector<16xf32>,
        %mul3A_361 = arith.constant 16 : i32
        %mul3A_362 = arith.muli %scan3A_94, %mul3A_361 : i32
        %swap3A_363 = arith.constant 20 : i32
        %swap3A_364 = arith.index_cast %swap3A_363 : i32 to index
        %swap3A_365 = arith.index_cast %mul3A_362 : i32 to index
        %swap3A_366 = tpu.vector_load %arg7[%swap3A_364, %swap3A_365] {strides = array<i32>} : memref<33x1024xf32, #tpu.memory_space<vmem>>, vector<16xf32>,
        tpu.vector_store %arg7[%swap3A_364, %swap3A_365], %gather3A_193 {strides = array<i32>} : memref<33x1024xf32, #tpu.memory_space<vmem>>, vector<16xf32>,
        %mul3A_367 = arith.constant 16 : i32
        %mul3A_368 = arith.muli %scan3A_94, %mul3A_367 : i32
        %swap3A_369 = arith.constant 21 : i32
        %swap3A_370 = arith.index_cast %swap3A_369 : i32 to index
        %swap3A_371 = arith.index_cast %mul3A_368 : i32 to index
        %swap3A_372 = tpu.vector_load %arg7[%swap3A_370, %swap3A_371] {strides = array<i32>} : memref<33x1024xf32, #tpu.memory_space<vmem>>, vector<16xf32>,
        tpu.vector_store %arg7[%swap3A_370, %swap3A_371], %gather3A_197 {strides = array<i32>} : memref<33x1024xf32, #tpu.memory_space<vmem>>, vector<16xf32>,
        %mul3A_373 = arith.constant 16 : i32
        %mul3A_374 = arith.muli %scan3A_94, %mul3A_373 : i32
        %swap3A_375 = arith.constant 22 : i32
        %swap3A_376 = arith.index_cast %swap3A_375 : i32 to index
        %swap3A_377 = arith.index_cast %mul3A_374 : i32 to index
        %swap3A_378 = tpu.vector_load %arg7[%swap3A_376, %swap3A_377] {strides = array<i32>} : memref<33x1024xf32, #tpu.memory_space<vmem>>, vector<16xf32>,
        tpu.vector_store %arg7[%swap3A_376, %swap3A_377], %gather3A_201 {strides = array<i32>} : memref<33x1024xf32, #tpu.memory_space<vmem>>, vector<16xf32>,
        %mul3A_379 = arith.constant 16 : i32
        %mul3A_380 = arith.muli %scan3A_94, %mul3A_379 : i32
        %swap3A_381 = arith.constant 23 : i32
        %swap3A_382 = arith.index_cast %swap3A_381 : i32 to index
        %swap3A_383 = arith.index_cast %mul3A_380 : i32 to index
        %swap3A_384 = tpu.vector_load %arg7[%swap3A_382, %swap3A_383] {strides = array<i32>} : memref<33x1024xf32, #tpu.memory_space<vmem>>, vector<16xf32>,
        tpu.vector_store %arg7[%swap3A_382, %swap3A_383], %gather3A_205 {strides = array<i32>} : memref<33x1024xf32, #tpu.memory_space<vmem>>, vector<16xf32>,
        %mul3A_385 = arith.constant 16 : i32
        %mul3A_386 = arith.muli %scan3A_94, %mul3A_385 : i32
        %swap3A_387 = arith.constant 24 : i32
        %swap3A_388 = arith.index_cast %swap3A_387 : i32 to index
        %swap3A_389 = arith.index_cast %mul3A_386 : i32 to index
        %swap3A_390 = tpu.vector_load %arg7[%swap3A_388, %swap3A_389] {strides = array<i32>} : memref<33x1024xf32, #tpu.memory_space<vmem>>, vector<16xf32>,
        tpu.vector_store %arg7[%swap3A_388, %swap3A_389], %gather3A_209 {strides = array<i32>} : memref<33x1024xf32, #tpu.memory_space<vmem>>, vector<16xf32>,
        %mul3A_391 = arith.constant 16 : i32
        %mul3A_392 = arith.muli %scan3A_94, %mul3A_391 : i32
        %swap3A_393 = arith.constant 25 : i32
        %swap3A_394 = arith.index_cast %swap3A_393 : i32 to index
        %swap3A_395 = arith.index_cast %mul3A_392 : i32 to index
        %swap3A_396 = tpu.vector_load %arg7[%swap3A_394, %swap3A_395] {strides = array<i32>} : memref<33x1024xf32, #tpu.memory_space<vmem>>, vector<16xf32>,
        tpu.vector_store %arg7[%swap3A_394, %swap3A_395], %gather3A_213 {strides = array<i32>} : memref<33x1024xf32, #tpu.memory_space<vmem>>, vector<16xf32>,
        %mul3A_397 = arith.constant 16 : i32
        %mul3A_398 = arith.muli %scan3A_94, %mul3A_397 : i32
        %swap3A_399 = arith.constant 26 : i32
        %swap3A_400 = arith.index_cast %swap3A_399 : i32 to index
        %swap3A_401 = arith.index_cast %mul3A_398 : i32 to index
        %swap3A_402 = tpu.vector_load %arg7[%swap3A_400, %swap3A_401] {strides = array<i32>} : memref<33x1024xf32, #tpu.memory_space<vmem>>, vector<16xf32>,
        tpu.vector_store %arg7[%swap3A_400, %swap3A_401], %gather3A_217 {strides = array<i32>} : memref<33x1024xf32, #tpu.memory_space<vmem>>, vector<16xf32>,
        %mul3A_403 = arith.constant 16 : i32
        %mul3A_404 = arith.muli %scan3A_94, %mul3A_403 : i32
        %swap3A_405 = arith.constant 27 : i32
        %swap3A_406 = arith.index_cast %swap3A_405 : i32 to index
        %swap3A_407 = arith.index_cast %mul3A_404 : i32 to index
        %swap3A_408 = tpu.vector_load %arg7[%swap3A_406, %swap3A_407] {strides = array<i32>} : memref<33x1024xf32, #tpu.memory_space<vmem>>, vector<16xf32>,
        tpu.vector_store %arg7[%swap3A_406, %swap3A_407], %gather3A_221 {strides = array<i32>} : memref<33x1024xf32, #tpu.memory_space<vmem>>, vector<16xf32>,
        %mul3A_409 = arith.constant 16 : i32
        %mul3A_410 = arith.muli %scan3A_94, %mul3A_409 : i32
        %swap3A_411 = arith.constant 28 : i32
        %swap3A_412 = arith.index_cast %swap3A_411 : i32 to index
        %swap3A_413 = arith.index_cast %mul3A_410 : i32 to index
        %swap3A_414 = tpu.vector_load %arg7[%swap3A_412, %swap3A_413] {strides = array<i32>} : memref<33x1024xf32, #tpu.memory_space<vmem>>, vector<16xf32>,
        tpu.vector_store %arg7[%swap3A_412, %swap3A_413], %gather3A_225 {strides = array<i32>} : memref<33x1024xf32, #tpu.memory_space<vmem>>, vector<16xf32>,
        %mul3A_415 = arith.constant 16 : i32
        %mul3A_416 = arith.muli %scan3A_94, %mul3A_415 : i32
        %swap3A_417 = arith.constant 29 : i32
        %swap3A_418 = arith.index_cast %swap3A_417 : i32 to index
        %swap3A_419 = arith.index_cast %mul3A_416 : i32 to index
        %swap3A_420 = tpu.vector_load %arg7[%swap3A_418, %swap3A_419] {strides = array<i32>} : memref<33x1024xf32, #tpu.memory_space<vmem>>, vector<16xf32>,
        tpu.vector_store %arg7[%swap3A_418, %swap3A_419], %gather3A_229 {strides = array<i32>} : memref<33x1024xf32, #tpu.memory_space<vmem>>, vector<16xf32>,
        %mul3A_421 = arith.constant 16 : i32
        %mul3A_422 = arith.muli %scan3A_94, %mul3A_421 : i32
        %swap3A_423 = arith.constant 30 : i32
        %swap3A_424 = arith.index_cast %swap3A_423 : i32 to index
        %swap3A_425 = arith.index_cast %mul3A_422 : i32 to index
        %swap3A_426 = tpu.vector_load %arg7[%swap3A_424, %swap3A_425] {strides = array<i32>} : memref<33x1024xf32, #tpu.memory_space<vmem>>, vector<16xf32>,
        tpu.vector_store %arg7[%swap3A_424, %swap3A_425], %gather3A_233 {strides = array<i32>} : memref<33x1024xf32, #tpu.memory_space<vmem>>, vector<16xf32>,
        %mul3A_427 = arith.constant 16 : i32
        %mul3A_428 = arith.muli %scan3A_94, %mul3A_427 : i32
        %swap3A_429 = arith.constant 31 : i32
        %swap3A_430 = arith.index_cast %swap3A_429 : i32 to index
        %swap3A_431 = arith.index_cast %mul3A_428 : i32 to index
        %swap3A_432 = tpu.vector_load %arg7[%swap3A_430, %swap3A_431] {strides = array<i32>} : memref<33x1024xf32, #tpu.memory_space<vmem>>, vector<16xf32>,
        tpu.vector_store %arg7[%swap3A_430, %swap3A_431], %gather3A_237 {strides = array<i32>} : memref<33x1024xf32, #tpu.memory_space<vmem>>, vector<16xf32>,
        %mul3A_433 = arith.constant 16 : i32
        %mul3A_434 = arith.muli %scan3A_94, %mul3A_433 : i32
        %swap3A_435 = arith.constant 32 : i32
        %swap3A_436 = arith.index_cast %swap3A_435 : i32 to index
        %swap3A_437 = arith.index_cast %mul3A_434 : i32 to index
        %swap3A_438 = tpu.vector_load %arg7[%swap3A_436, %swap3A_437] {strides = array<i32>} : memref<33x1024xf32, #tpu.memory_space<vmem>>, vector<16xf32>,
        tpu.vector_store %arg7[%swap3A_436, %swap3A_437], %gather3A_241 {strides = array<i32>} : memref<33x1024xf32, #tpu.memory_space<vmem>>, vector<16xf32>,
        %scan3A_439 = arith.constant 0 : i32
        %scan3A_440 = arith.constant 1 : i32
        %scan3A_441 = arith.addi %scan3A_94, %scan3A_440 : i32
        %mul3A_442 = arith.constant 16 : i32
        %mul3A_443 = arith.muli %scan3A_441, %mul3A_442 : i32
        %get3A_444 = arith.index_cast %mul3A_45 : i32 to index
        %get3A_445 = arith.index_cast %mul3A_443 : i32 to index
        %get3A_446 = tpu.vector_load %arg6[%get3A_444, %get3A_445] {strides = array<i32>} : memref<25x1024xi32, #tpu.memory_space<vmem>>, vector<16xi32>,
        %ge3A_447 = arith.constant 0 : i32
        %ge3A_448 = vector.broadcast %ge3A_447 : i32 to vector<16xi32>
        %ge3A_449 = arith.cmpi sge, %get3A_446, %ge3A_448 : vector<16xi32>
        %lt3A_450 = arith.constant 1000 : i32
        %lt3A_451 = vector.broadcast %lt3A_450 : i32 to vector<16xi32>
        %lt3A_452 = arith.cmpi slt, %get3A_446, %lt3A_451 : vector<16xi32>
        %and3A_453 = arith.andi %ge3A_449, %lt3A_452 : vector<16xi1>
        %add3A_454 = arith.constant 1 : i32
        %add3A_455 = vector.broadcast %add3A_454 : i32 to vector<16xi32>
        %add3A_456 = arith.addi %get3A_446, %add3A_455 : vector<16xi32>
        %broadcast_in_dim3A_457 = arith.constant 0 : i32
        %broadcast_in_dim3A_458 = vector.broadcast %broadcast_in_dim3A_457 : i32 to vector<16xi32>
        %select_n3A_459 = arith.select %and3A_453, %add3A_456, %broadcast_in_dim3A_458 : vector<16xi1>, vector<16xi32>
        %mul3A_460 = arith.constant 33 : i32
        %mul3A_461 = vector.broadcast %mul3A_460 : i32 to vector<16xi32>
        %mul3A_462 = arith.muli %select_n3A_459, %mul3A_461 : vector<16xi32>
        %add3A_463 = arith.constant 0 : i32
        %add3A_464 = vector.broadcast %add3A_463 : i32 to vector<16xi32>
        %add3A_465 = arith.addi %mul3A_462, %add3A_464 : vector<16xi32>
        %gather3A_466 = tpu.vector_load_idx %arg5[%add3A_465] : memref<33040xf32, #tpu.memory_space<vmem>>[vector<16xi32>], vector<16xf32>,
        %add3A_467 = arith.constant 1 : i32
        %add3A_468 = vector.broadcast %add3A_467 : i32 to vector<16xi32>
        %add3A_469 = arith.addi %mul3A_462, %add3A_468 : vector<16xi32>
        %gather3A_470 = tpu.vector_load_idx %arg5[%add3A_469] : memref<33040xf32, #tpu.memory_space<vmem>>[vector<16xi32>], vector<16xf32>,
        %add3A_471 = arith.constant 2 : i32
        %add3A_472 = vector.broadcast %add3A_471 : i32 to vector<16xi32>
        %add3A_473 = arith.addi %mul3A_462, %add3A_472 : vector<16xi32>
        %gather3A_474 = tpu.vector_load_idx %arg5[%add3A_473] : memref<33040xf32, #tpu.memory_space<vmem>>[vector<16xi32>], vector<16xf32>,
        %add3A_475 = arith.constant 3 : i32
        %add3A_476 = vector.broadcast %add3A_475 : i32 to vector<16xi32>
        %add3A_477 = arith.addi %mul3A_462, %add3A_476 : vector<16xi32>
        %gather3A_478 = tpu.vector_load_idx %arg5[%add3A_477] : memref<33040xf32, #tpu.memory_space<vmem>>[vector<16xi32>], vector<16xf32>,
        %add3A_479 = arith.constant 4 : i32
        %add3A_480 = vector.broadcast %add3A_479 : i32 to vector<16xi32>
        %add3A_481 = arith.addi %mul3A_462, %add3A_480 : vector<16xi32>
        %gather3A_482 = tpu.vector_load_idx %arg5[%add3A_481] : memref<33040xf32, #tpu.memory_space<vmem>>[vector<16xi32>], vector<16xf32>,
        %add3A_483 = arith.constant 5 : i32
        %add3A_484 = vector.broadcast %add3A_483 : i32 to vector<16xi32>
        %add3A_485 = arith.addi %mul3A_462, %add3A_484 : vector<16xi32>
        %gather3A_486 = tpu.vector_load_idx %arg5[%add3A_485] : memref<33040xf32, #tpu.memory_space<vmem>>[vector<16xi32>], vector<16xf32>,
        %add3A_487 = arith.constant 6 : i32
        %add3A_488 = vector.broadcast %add3A_487 : i32 to vector<16xi32>
        %add3A_489 = arith.addi %mul3A_462, %add3A_488 : vector<16xi32>
        %gather3A_490 = tpu.vector_load_idx %arg5[%add3A_489] : memref<33040xf32, #tpu.memory_space<vmem>>[vector<16xi32>], vector<16xf32>,
        %add3A_491 = arith.constant 7 : i32
        %add3A_492 = vector.broadcast %add3A_491 : i32 to vector<16xi32>
        %add3A_493 = arith.addi %mul3A_462, %add3A_492 : vector<16xi32>
        %gather3A_494 = tpu.vector_load_idx %arg5[%add3A_493] : memref<33040xf32, #tpu.memory_space<vmem>>[vector<16xi32>], vector<16xf32>,
        %add3A_495 = arith.constant 8 : i32
        %add3A_496 = vector.broadcast %add3A_495 : i32 to vector<16xi32>
        %add3A_497 = arith.addi %mul3A_462, %add3A_496 : vector<16xi32>
        %gather3A_498 = tpu.vector_load_idx %arg5[%add3A_497] : memref<33040xf32, #tpu.memory_space<vmem>>[vector<16xi32>], vector<16xf32>,
        %add3A_499 = arith.constant 9 : i32
        %add3A_500 = vector.broadcast %add3A_499 : i32 to vector<16xi32>
        %add3A_501 = arith.addi %mul3A_462, %add3A_500 : vector<16xi32>
        %gather3A_502 = tpu.vector_load_idx %arg5[%add3A_501] : memref<33040xf32, #tpu.memory_space<vmem>>[vector<16xi32>], vector<16xf32>,
        %add3A_503 = arith.constant 10 : i32
        %add3A_504 = vector.broadcast %add3A_503 : i32 to vector<16xi32>
        %add3A_505 = arith.addi %mul3A_462, %add3A_504 : vector<16xi32>
        %gather3A_506 = tpu.vector_load_idx %arg5[%add3A_505] : memref<33040xf32, #tpu.memory_space<vmem>>[vector<16xi32>], vector<16xf32>,
        %add3A_507 = arith.constant 11 : i32
        %add3A_508 = vector.broadcast %add3A_507 : i32 to vector<16xi32>
        %add3A_509 = arith.addi %mul3A_462, %add3A_508 : vector<16xi32>
        %gather3A_510 = tpu.vector_load_idx %arg5[%add3A_509] : memref<33040xf32, #tpu.memory_space<vmem>>[vector<16xi32>], vector<16xf32>,
        %add3A_511 = arith.constant 12 : i32
        %add3A_512 = vector.broadcast %add3A_511 : i32 to vector<16xi32>
        %add3A_513 = arith.addi %mul3A_462, %add3A_512 : vector<16xi32>
        %gather3A_514 = tpu.vector_load_idx %arg5[%add3A_513] : memref<33040xf32, #tpu.memory_space<vmem>>[vector<16xi32>], vector<16xf32>,
        %add3A_515 = arith.constant 13 : i32
        %add3A_516 = vector.broadcast %add3A_515 : i32 to vector<16xi32>
        %add3A_517 = arith.addi %mul3A_462, %add3A_516 : vector<16xi32>
        %gather3A_518 = tpu.vector_load_idx %arg5[%add3A_517] : memref<33040xf32, #tpu.memory_space<vmem>>[vector<16xi32>], vector<16xf32>,
        %add3A_519 = arith.constant 14 : i32
        %add3A_520 = vector.broadcast %add3A_519 : i32 to vector<16xi32>
        %add3A_521 = arith.addi %mul3A_462, %add3A_520 : vector<16xi32>
        %gather3A_522 = tpu.vector_load_idx %arg5[%add3A_521] : memref<33040xf32, #tpu.memory_space<vmem>>[vector<16xi32>], vector<16xf32>,
        %add3A_523 = arith.constant 15 : i32
        %add3A_524 = vector.broadcast %add3A_523 : i32 to vector<16xi32>
        %add3A_525 = arith.addi %mul3A_462, %add3A_524 : vector<16xi32>
        %gather3A_526 = tpu.vector_load_idx %arg5[%add3A_525] : memref<33040xf32, #tpu.memory_space<vmem>>[vector<16xi32>], vector<16xf32>,
        %add3A_527 = arith.constant 16 : i32
        %add3A_528 = vector.broadcast %add3A_527 : i32 to vector<16xi32>
        %add3A_529 = arith.addi %mul3A_462, %add3A_528 : vector<16xi32>
        %gather3A_530 = tpu.vector_load_idx %arg5[%add3A_529] : memref<33040xf32, #tpu.memory_space<vmem>>[vector<16xi32>], vector<16xf32>,
        %add3A_531 = arith.constant 17 : i32
        %add3A_532 = vector.broadcast %add3A_531 : i32 to vector<16xi32>
        %add3A_533 = arith.addi %mul3A_462, %add3A_532 : vector<16xi32>
        %gather3A_534 = tpu.vector_load_idx %arg5[%add3A_533] : memref<33040xf32, #tpu.memory_space<vmem>>[vector<16xi32>], vector<16xf32>,
        %add3A_535 = arith.constant 18 : i32
        %add3A_536 = vector.broadcast %add3A_535 : i32 to vector<16xi32>
        %add3A_537 = arith.addi %mul3A_462, %add3A_536 : vector<16xi32>
        %gather3A_538 = tpu.vector_load_idx %arg5[%add3A_537] : memref<33040xf32, #tpu.memory_space<vmem>>[vector<16xi32>], vector<16xf32>,
        %add3A_539 = arith.constant 19 : i32
        %add3A_540 = vector.broadcast %add3A_539 : i32 to vector<16xi32>
        %add3A_541 = arith.addi %mul3A_462, %add3A_540 : vector<16xi32>
        %gather3A_542 = tpu.vector_load_idx %arg5[%add3A_541] : memref<33040xf32, #tpu.memory_space<vmem>>[vector<16xi32>], vector<16xf32>,
        %add3A_543 = arith.constant 20 : i32
        %add3A_544 = vector.broadcast %add3A_543 : i32 to vector<16xi32>
        %add3A_545 = arith.addi %mul3A_462, %add3A_544 : vector<16xi32>
        %gather3A_546 = tpu.vector_load_idx %arg5[%add3A_545] : memref<33040xf32, #tpu.memory_space<vmem>>[vector<16xi32>], vector<16xf32>,
        %add3A_547 = arith.constant 21 : i32
        %add3A_548 = vector.broadcast %add3A_547 : i32 to vector<16xi32>
        %add3A_549 = arith.addi %mul3A_462, %add3A_548 : vector<16xi32>
        %gather3A_550 = tpu.vector_load_idx %arg5[%add3A_549] : memref<33040xf32, #tpu.memory_space<vmem>>[vector<16xi32>], vector<16xf32>,
        %add3A_551 = arith.constant 22 : i32
        %add3A_552 = vector.broadcast %add3A_551 : i32 to vector<16xi32>
        %add3A_553 = arith.addi %mul3A_462, %add3A_552 : vector<16xi32>
        %gather3A_554 = tpu.vector_load_idx %arg5[%add3A_553] : memref<33040xf32, #tpu.memory_space<vmem>>[vector<16xi32>], vector<16xf32>,
        %add3A_555 = arith.constant 23 : i32
        %add3A_556 = vector.broadcast %add3A_555 : i32 to vector<16xi32>
        %add3A_557 = arith.addi %mul3A_462, %add3A_556 : vector<16xi32>
        %gather3A_558 = tpu.vector_load_idx %arg5[%add3A_557] : memref<33040xf32, #tpu.memory_space<vmem>>[vector<16xi32>], vector<16xf32>,
        %add3A_559 = arith.constant 24 : i32
        %add3A_560 = vector.broadcast %add3A_559 : i32 to vector<16xi32>
        %add3A_561 = arith.addi %mul3A_462, %add3A_560 : vector<16xi32>
        %gather3A_562 = tpu.vector_load_idx %arg5[%add3A_561] : memref<33040xf32, #tpu.memory_space<vmem>>[vector<16xi32>], vector<16xf32>,
        %add3A_563 = arith.constant 25 : i32
        %add3A_564 = vector.broadcast %add3A_563 : i32 to vector<16xi32>
        %add3A_565 = arith.addi %mul3A_462, %add3A_564 : vector<16xi32>
        %gather3A_566 = tpu.vector_load_idx %arg5[%add3A_565] : memref<33040xf32, #tpu.memory_space<vmem>>[vector<16xi32>], vector<16xf32>,
        %add3A_567 = arith.constant 26 : i32
        %add3A_568 = vector.broadcast %add3A_567 : i32 to vector<16xi32>
        %add3A_569 = arith.addi %mul3A_462, %add3A_568 : vector<16xi32>
        %gather3A_570 = tpu.vector_load_idx %arg5[%add3A_569] : memref<33040xf32, #tpu.memory_space<vmem>>[vector<16xi32>], vector<16xf32>,
        %add3A_571 = arith.constant 27 : i32
        %add3A_572 = vector.broadcast %add3A_571 : i32 to vector<16xi32>
        %add3A_573 = arith.addi %mul3A_462, %add3A_572 : vector<16xi32>
        %gather3A_574 = tpu.vector_load_idx %arg5[%add3A_573] : memref<33040xf32, #tpu.memory_space<vmem>>[vector<16xi32>], vector<16xf32>,
        %add3A_575 = arith.constant 28 : i32
        %add3A_576 = vector.broadcast %add3A_575 : i32 to vector<16xi32>
        %add3A_577 = arith.addi %mul3A_462, %add3A_576 : vector<16xi32>
        %gather3A_578 = tpu.vector_load_idx %arg5[%add3A_577] : memref<33040xf32, #tpu.memory_space<vmem>>[vector<16xi32>], vector<16xf32>,
        %add3A_579 = arith.constant 29 : i32
        %add3A_580 = vector.broadcast %add3A_579 : i32 to vector<16xi32>
        %add3A_581 = arith.addi %mul3A_462, %add3A_580 : vector<16xi32>
        %gather3A_582 = tpu.vector_load_idx %arg5[%add3A_581] : memref<33040xf32, #tpu.memory_space<vmem>>[vector<16xi32>], vector<16xf32>,
        %add3A_583 = arith.constant 30 : i32
        %add3A_584 = vector.broadcast %add3A_583 : i32 to vector<16xi32>
        %add3A_585 = arith.addi %mul3A_462, %add3A_584 : vector<16xi32>
        %gather3A_586 = tpu.vector_load_idx %arg5[%add3A_585] : memref<33040xf32, #tpu.memory_space<vmem>>[vector<16xi32>], vector<16xf32>,
        %add3A_587 = arith.constant 31 : i32
        %add3A_588 = vector.broadcast %add3A_587 : i32 to vector<16xi32>
        %add3A_589 = arith.addi %mul3A_462, %add3A_588 : vector<16xi32>
        %gather3A_590 = tpu.vector_load_idx %arg5[%add3A_589] : memref<33040xf32, #tpu.memory_space<vmem>>[vector<16xi32>], vector<16xf32>,
        %add3A_591 = arith.constant 32 : i32
        %add3A_592 = vector.broadcast %add3A_591 : i32 to vector<16xi32>
        %add3A_593 = arith.addi %mul3A_462, %add3A_592 : vector<16xi32>
        %gather3A_594 = tpu.vector_load_idx %arg5[%add3A_593] : memref<33040xf32, #tpu.memory_space<vmem>>[vector<16xi32>], vector<16xf32>,
        %mul3A_595 = arith.constant 16 : i32
        %mul3A_596 = arith.muli %scan3A_441, %mul3A_595 : i32
        %swap3A_597 = arith.constant 0 : i32
        %swap3A_598 = arith.index_cast %swap3A_597 : i32 to index
        %swap3A_599 = arith.index_cast %mul3A_596 : i32 to index
        %swap3A_600 = tpu.vector_load %arg7[%swap3A_598, %swap3A_599] {strides = array<i32>} : memref<33x1024xf32, #tpu.memory_space<vmem>>, vector<16xf32>,
        tpu.vector_store %arg7[%swap3A_598, %swap3A_599], %gather3A_466 {strides = array<i32>} : memref<33x1024xf32, #tpu.memory_space<vmem>>, vector<16xf32>,
        %mul3A_601 = arith.constant 16 : i32
        %mul3A_602 = arith.muli %scan3A_441, %mul3A_601 : i32
        %swap3A_603 = arith.constant 1 : i32
        %swap3A_604 = arith.index_cast %swap3A_603 : i32 to index
        %swap3A_605 = arith.index_cast %mul3A_602 : i32 to index
        %swap3A_606 = tpu.vector_load %arg7[%swap3A_604, %swap3A_605] {strides = array<i32>} : memref<33x1024xf32, #tpu.memory_space<vmem>>, vector<16xf32>,
        tpu.vector_store %arg7[%swap3A_604, %swap3A_605], %gather3A_470 {strides = array<i32>} : memref<33x1024xf32, #tpu.memory_space<vmem>>, vector<16xf32>,
        %mul3A_607 = arith.constant 16 : i32
        %mul3A_608 = arith.muli %scan3A_441, %mul3A_607 : i32
        %swap3A_609 = arith.constant 2 : i32
        %swap3A_610 = arith.index_cast %swap3A_609 : i32 to index
        %swap3A_611 = arith.index_cast %mul3A_608 : i32 to index
        %swap3A_612 = tpu.vector_load %arg7[%swap3A_610, %swap3A_611] {strides = array<i32>} : memref<33x1024xf32, #tpu.memory_space<vmem>>, vector<16xf32>,
        tpu.vector_store %arg7[%swap3A_610, %swap3A_611], %gather3A_474 {strides = array<i32>} : memref<33x1024xf32, #tpu.memory_space<vmem>>, vector<16xf32>,
        %mul3A_613 = arith.constant 16 : i32
        %mul3A_614 = arith.muli %scan3A_441, %mul3A_613 : i32
        %swap3A_615 = arith.constant 3 : i32
        %swap3A_616 = arith.index_cast %swap3A_615 : i32 to index
        %swap3A_617 = arith.index_cast %mul3A_614 : i32 to index
        %swap3A_618 = tpu.vector_load %arg7[%swap3A_616, %swap3A_617] {strides = array<i32>} : memref<33x1024xf32, #tpu.memory_space<vmem>>, vector<16xf32>,
        tpu.vector_store %arg7[%swap3A_616, %swap3A_617], %gather3A_478 {strides = array<i32>} : memref<33x1024xf32, #tpu.memory_space<vmem>>, vector<16xf32>,
        %mul3A_619 = arith.constant 16 : i32
        %mul3A_620 = arith.muli %scan3A_441, %mul3A_619 : i32
        %swap3A_621 = arith.constant 4 : i32
        %swap3A_622 = arith.index_cast %swap3A_621 : i32 to index
        %swap3A_623 = arith.index_cast %mul3A_620 : i32 to index
        %swap3A_624 = tpu.vector_load %arg7[%swap3A_622, %swap3A_623] {strides = array<i32>} : memref<33x1024xf32, #tpu.memory_space<vmem>>, vector<16xf32>,
        tpu.vector_store %arg7[%swap3A_622, %swap3A_623], %gather3A_482 {strides = array<i32>} : memref<33x1024xf32, #tpu.memory_space<vmem>>, vector<16xf32>,
        %mul3A_625 = arith.constant 16 : i32
        %mul3A_626 = arith.muli %scan3A_441, %mul3A_625 : i32
        %swap3A_627 = arith.constant 5 : i32
        %swap3A_628 = arith.index_cast %swap3A_627 : i32 to index
        %swap3A_629 = arith.index_cast %mul3A_626 : i32 to index
        %swap3A_630 = tpu.vector_load %arg7[%swap3A_628, %swap3A_629] {strides = array<i32>} : memref<33x1024xf32, #tpu.memory_space<vmem>>, vector<16xf32>,
        tpu.vector_store %arg7[%swap3A_628, %swap3A_629], %gather3A_486 {strides = array<i32>} : memref<33x1024xf32, #tpu.memory_space<vmem>>, vector<16xf32>,
        %mul3A_631 = arith.constant 16 : i32
        %mul3A_632 = arith.muli %scan3A_441, %mul3A_631 : i32
        %swap3A_633 = arith.constant 6 : i32
        %swap3A_634 = arith.index_cast %swap3A_633 : i32 to index
        %swap3A_635 = arith.index_cast %mul3A_632 : i32 to index
        %swap3A_636 = tpu.vector_load %arg7[%swap3A_634, %swap3A_635] {strides = array<i32>} : memref<33x1024xf32, #tpu.memory_space<vmem>>, vector<16xf32>,
        tpu.vector_store %arg7[%swap3A_634, %swap3A_635], %gather3A_490 {strides = array<i32>} : memref<33x1024xf32, #tpu.memory_space<vmem>>, vector<16xf32>,
        %mul3A_637 = arith.constant 16 : i32
        %mul3A_638 = arith.muli %scan3A_441, %mul3A_637 : i32
        %swap3A_639 = arith.constant 7 : i32
        %swap3A_640 = arith.index_cast %swap3A_639 : i32 to index
        %swap3A_641 = arith.index_cast %mul3A_638 : i32 to index
        %swap3A_642 = tpu.vector_load %arg7[%swap3A_640, %swap3A_641] {strides = array<i32>} : memref<33x1024xf32, #tpu.memory_space<vmem>>, vector<16xf32>,
        tpu.vector_store %arg7[%swap3A_640, %swap3A_641], %gather3A_494 {strides = array<i32>} : memref<33x1024xf32, #tpu.memory_space<vmem>>, vector<16xf32>,
        %mul3A_643 = arith.constant 16 : i32
        %mul3A_644 = arith.muli %scan3A_441, %mul3A_643 : i32
        %swap3A_645 = arith.constant 8 : i32
        %swap3A_646 = arith.index_cast %swap3A_645 : i32 to index
        %swap3A_647 = arith.index_cast %mul3A_644 : i32 to index
        %swap3A_648 = tpu.vector_load %arg7[%swap3A_646, %swap3A_647] {strides = array<i32>} : memref<33x1024xf32, #tpu.memory_space<vmem>>, vector<16xf32>,
        tpu.vector_store %arg7[%swap3A_646, %swap3A_647], %gather3A_498 {strides = array<i32>} : memref<33x1024xf32, #tpu.memory_space<vmem>>, vector<16xf32>,
        %mul3A_649 = arith.constant 16 : i32
        %mul3A_650 = arith.muli %scan3A_441, %mul3A_649 : i32
        %swap3A_651 = arith.constant 9 : i32
        %swap3A_652 = arith.index_cast %swap3A_651 : i32 to index
        %swap3A_653 = arith.index_cast %mul3A_650 : i32 to index
        %swap3A_654 = tpu.vector_load %arg7[%swap3A_652, %swap3A_653] {strides = array<i32>} : memref<33x1024xf32, #tpu.memory_space<vmem>>, vector<16xf32>,
        tpu.vector_store %arg7[%swap3A_652, %swap3A_653], %gather3A_502 {strides = array<i32>} : memref<33x1024xf32, #tpu.memory_space<vmem>>, vector<16xf32>,
        %mul3A_655 = arith.constant 16 : i32
        %mul3A_656 = arith.muli %scan3A_441, %mul3A_655 : i32
        %swap3A_657 = arith.constant 10 : i32
        %swap3A_658 = arith.index_cast %swap3A_657 : i32 to index
        %swap3A_659 = arith.index_cast %mul3A_656 : i32 to index
        %swap3A_660 = tpu.vector_load %arg7[%swap3A_658, %swap3A_659] {strides = array<i32>} : memref<33x1024xf32, #tpu.memory_space<vmem>>, vector<16xf32>,
        tpu.vector_store %arg7[%swap3A_658, %swap3A_659], %gather3A_506 {strides = array<i32>} : memref<33x1024xf32, #tpu.memory_space<vmem>>, vector<16xf32>,
        %mul3A_661 = arith.constant 16 : i32
        %mul3A_662 = arith.muli %scan3A_441, %mul3A_661 : i32
        %swap3A_663 = arith.constant 11 : i32
        %swap3A_664 = arith.index_cast %swap3A_663 : i32 to index
        %swap3A_665 = arith.index_cast %mul3A_662 : i32 to index
        %swap3A_666 = tpu.vector_load %arg7[%swap3A_664, %swap3A_665] {strides = array<i32>} : memref<33x1024xf32, #tpu.memory_space<vmem>>, vector<16xf32>,
        tpu.vector_store %arg7[%swap3A_664, %swap3A_665], %gather3A_510 {strides = array<i32>} : memref<33x1024xf32, #tpu.memory_space<vmem>>, vector<16xf32>,
        %mul3A_667 = arith.constant 16 : i32
        %mul3A_668 = arith.muli %scan3A_441, %mul3A_667 : i32
        %swap3A_669 = arith.constant 12 : i32
        %swap3A_670 = arith.index_cast %swap3A_669 : i32 to index
        %swap3A_671 = arith.index_cast %mul3A_668 : i32 to index
        %swap3A_672 = tpu.vector_load %arg7[%swap3A_670, %swap3A_671] {strides = array<i32>} : memref<33x1024xf32, #tpu.memory_space<vmem>>, vector<16xf32>,
        tpu.vector_store %arg7[%swap3A_670, %swap3A_671], %gather3A_514 {strides = array<i32>} : memref<33x1024xf32, #tpu.memory_space<vmem>>, vector<16xf32>,
        %mul3A_673 = arith.constant 16 : i32
        %mul3A_674 = arith.muli %scan3A_441, %mul3A_673 : i32
        %swap3A_675 = arith.constant 13 : i32
        %swap3A_676 = arith.index_cast %swap3A_675 : i32 to index
        %swap3A_677 = arith.index_cast %mul3A_674 : i32 to index
        %swap3A_678 = tpu.vector_load %arg7[%swap3A_676, %swap3A_677] {strides = array<i32>} : memref<33x1024xf32, #tpu.memory_space<vmem>>, vector<16xf32>,
        tpu.vector_store %arg7[%swap3A_676, %swap3A_677], %gather3A_518 {strides = array<i32>} : memref<33x1024xf32, #tpu.memory_space<vmem>>, vector<16xf32>,
        %mul3A_679 = arith.constant 16 : i32
        %mul3A_680 = arith.muli %scan3A_441, %mul3A_679 : i32
        %swap3A_681 = arith.constant 14 : i32
        %swap3A_682 = arith.index_cast %swap3A_681 : i32 to index
        %swap3A_683 = arith.index_cast %mul3A_680 : i32 to index
        %swap3A_684 = tpu.vector_load %arg7[%swap3A_682, %swap3A_683] {strides = array<i32>} : memref<33x1024xf32, #tpu.memory_space<vmem>>, vector<16xf32>,
        tpu.vector_store %arg7[%swap3A_682, %swap3A_683], %gather3A_522 {strides = array<i32>} : memref<33x1024xf32, #tpu.memory_space<vmem>>, vector<16xf32>,
        %mul3A_685 = arith.constant 16 : i32
        %mul3A_686 = arith.muli %scan3A_441, %mul3A_685 : i32
        %swap3A_687 = arith.constant 15 : i32
        %swap3A_688 = arith.index_cast %swap3A_687 : i32 to index
        %swap3A_689 = arith.index_cast %mul3A_686 : i32 to index
        %swap3A_690 = tpu.vector_load %arg7[%swap3A_688, %swap3A_689] {strides = array<i32>} : memref<33x1024xf32, #tpu.memory_space<vmem>>, vector<16xf32>,
        tpu.vector_store %arg7[%swap3A_688, %swap3A_689], %gather3A_526 {strides = array<i32>} : memref<33x1024xf32, #tpu.memory_space<vmem>>, vector<16xf32>,
        %mul3A_691 = arith.constant 16 : i32
        %mul3A_692 = arith.muli %scan3A_441, %mul3A_691 : i32
        %swap3A_693 = arith.constant 16 : i32
        %swap3A_694 = arith.index_cast %swap3A_693 : i32 to index
        %swap3A_695 = arith.index_cast %mul3A_692 : i32 to index
        %swap3A_696 = tpu.vector_load %arg7[%swap3A_694, %swap3A_695] {strides = array<i32>} : memref<33x1024xf32, #tpu.memory_space<vmem>>, vector<16xf32>,
        tpu.vector_store %arg7[%swap3A_694, %swap3A_695], %gather3A_530 {strides = array<i32>} : memref<33x1024xf32, #tpu.memory_space<vmem>>, vector<16xf32>,
        %mul3A_697 = arith.constant 16 : i32
        %mul3A_698 = arith.muli %scan3A_441, %mul3A_697 : i32
        %swap3A_699 = arith.constant 17 : i32
        %swap3A_700 = arith.index_cast %swap3A_699 : i32 to index
        %swap3A_701 = arith.index_cast %mul3A_698 : i32 to index
        %swap3A_702 = tpu.vector_load %arg7[%swap3A_700, %swap3A_701] {strides = array<i32>} : memref<33x1024xf32, #tpu.memory_space<vmem>>, vector<16xf32>,
        tpu.vector_store %arg7[%swap3A_700, %swap3A_701], %gather3A_534 {strides = array<i32>} : memref<33x1024xf32, #tpu.memory_space<vmem>>, vector<16xf32>,
        %mul3A_703 = arith.constant 16 : i32
        %mul3A_704 = arith.muli %scan3A_441, %mul3A_703 : i32
        %swap3A_705 = arith.constant 18 : i32
        %swap3A_706 = arith.index_cast %swap3A_705 : i32 to index
        %swap3A_707 = arith.index_cast %mul3A_704 : i32 to index
        %swap3A_708 = tpu.vector_load %arg7[%swap3A_706, %swap3A_707] {strides = array<i32>} : memref<33x1024xf32, #tpu.memory_space<vmem>>, vector<16xf32>,
        tpu.vector_store %arg7[%swap3A_706, %swap3A_707], %gather3A_538 {strides = array<i32>} : memref<33x1024xf32, #tpu.memory_space<vmem>>, vector<16xf32>,
        %mul3A_709 = arith.constant 16 : i32
        %mul3A_710 = arith.muli %scan3A_441, %mul3A_709 : i32
        %swap3A_711 = arith.constant 19 : i32
        %swap3A_712 = arith.index_cast %swap3A_711 : i32 to index
        %swap3A_713 = arith.index_cast %mul3A_710 : i32 to index
        %swap3A_714 = tpu.vector_load %arg7[%swap3A_712, %swap3A_713] {strides = array<i32>} : memref<33x1024xf32, #tpu.memory_space<vmem>>, vector<16xf32>,
        tpu.vector_store %arg7[%swap3A_712, %swap3A_713], %gather3A_542 {strides = array<i32>} : memref<33x1024xf32, #tpu.memory_space<vmem>>, vector<16xf32>,
        %mul3A_715 = arith.constant 16 : i32
        %mul3A_716 = arith.muli %scan3A_441, %mul3A_715 : i32
        %swap3A_717 = arith.constant 20 : i32
        %swap3A_718 = arith.index_cast %swap3A_717 : i32 to index
        %swap3A_719 = arith.index_cast %mul3A_716 : i32 to index
        %swap3A_720 = tpu.vector_load %arg7[%swap3A_718, %swap3A_719] {strides = array<i32>} : memref<33x1024xf32, #tpu.memory_space<vmem>>, vector<16xf32>,
        tpu.vector_store %arg7[%swap3A_718, %swap3A_719], %gather3A_546 {strides = array<i32>} : memref<33x1024xf32, #tpu.memory_space<vmem>>, vector<16xf32>,
        %mul3A_721 = arith.constant 16 : i32
        %mul3A_722 = arith.muli %scan3A_441, %mul3A_721 : i32
        %swap3A_723 = arith.constant 21 : i32
        %swap3A_724 = arith.index_cast %swap3A_723 : i32 to index
        %swap3A_725 = arith.index_cast %mul3A_722 : i32 to index
        %swap3A_726 = tpu.vector_load %arg7[%swap3A_724, %swap3A_725] {strides = array<i32>} : memref<33x1024xf32, #tpu.memory_space<vmem>>, vector<16xf32>,
        tpu.vector_store %arg7[%swap3A_724, %swap3A_725], %gather3A_550 {strides = array<i32>} : memref<33x1024xf32, #tpu.memory_space<vmem>>, vector<16xf32>,
        %mul3A_727 = arith.constant 16 : i32
        %mul3A_728 = arith.muli %scan3A_441, %mul3A_727 : i32
        %swap3A_729 = arith.constant 22 : i32
        %swap3A_730 = arith.index_cast %swap3A_729 : i32 to index
        %swap3A_731 = arith.index_cast %mul3A_728 : i32 to index
        %swap3A_732 = tpu.vector_load %arg7[%swap3A_730, %swap3A_731] {strides = array<i32>} : memref<33x1024xf32, #tpu.memory_space<vmem>>, vector<16xf32>,
        tpu.vector_store %arg7[%swap3A_730, %swap3A_731], %gather3A_554 {strides = array<i32>} : memref<33x1024xf32, #tpu.memory_space<vmem>>, vector<16xf32>,
        %mul3A_733 = arith.constant 16 : i32
        %mul3A_734 = arith.muli %scan3A_441, %mul3A_733 : i32
        %swap3A_735 = arith.constant 23 : i32
        %swap3A_736 = arith.index_cast %swap3A_735 : i32 to index
        %swap3A_737 = arith.index_cast %mul3A_734 : i32 to index
        %swap3A_738 = tpu.vector_load %arg7[%swap3A_736, %swap3A_737] {strides = array<i32>} : memref<33x1024xf32, #tpu.memory_space<vmem>>, vector<16xf32>,
        tpu.vector_store %arg7[%swap3A_736, %swap3A_737], %gather3A_558 {strides = array<i32>} : memref<33x1024xf32, #tpu.memory_space<vmem>>, vector<16xf32>,
        %mul3A_739 = arith.constant 16 : i32
        %mul3A_740 = arith.muli %scan3A_441, %mul3A_739 : i32
        %swap3A_741 = arith.constant 24 : i32
        %swap3A_742 = arith.index_cast %swap3A_741 : i32 to index
        %swap3A_743 = arith.index_cast %mul3A_740 : i32 to index
        %swap3A_744 = tpu.vector_load %arg7[%swap3A_742, %swap3A_743] {strides = array<i32>} : memref<33x1024xf32, #tpu.memory_space<vmem>>, vector<16xf32>,
        tpu.vector_store %arg7[%swap3A_742, %swap3A_743], %gather3A_562 {strides = array<i32>} : memref<33x1024xf32, #tpu.memory_space<vmem>>, vector<16xf32>,
        %mul3A_745 = arith.constant 16 : i32
        %mul3A_746 = arith.muli %scan3A_441, %mul3A_745 : i32
        %swap3A_747 = arith.constant 25 : i32
        %swap3A_748 = arith.index_cast %swap3A_747 : i32 to index
        %swap3A_749 = arith.index_cast %mul3A_746 : i32 to index
        %swap3A_750 = tpu.vector_load %arg7[%swap3A_748, %swap3A_749] {strides = array<i32>} : memref<33x1024xf32, #tpu.memory_space<vmem>>, vector<16xf32>,
        tpu.vector_store %arg7[%swap3A_748, %swap3A_749], %gather3A_566 {strides = array<i32>} : memref<33x1024xf32, #tpu.memory_space<vmem>>, vector<16xf32>,
        %mul3A_751 = arith.constant 16 : i32
        %mul3A_752 = arith.muli %scan3A_441, %mul3A_751 : i32
        %swap3A_753 = arith.constant 26 : i32
        %swap3A_754 = arith.index_cast %swap3A_753 : i32 to index
        %swap3A_755 = arith.index_cast %mul3A_752 : i32 to index
        %swap3A_756 = tpu.vector_load %arg7[%swap3A_754, %swap3A_755] {strides = array<i32>} : memref<33x1024xf32, #tpu.memory_space<vmem>>, vector<16xf32>,
        tpu.vector_store %arg7[%swap3A_754, %swap3A_755], %gather3A_570 {strides = array<i32>} : memref<33x1024xf32, #tpu.memory_space<vmem>>, vector<16xf32>,
        %mul3A_757 = arith.constant 16 : i32
        %mul3A_758 = arith.muli %scan3A_441, %mul3A_757 : i32
        %swap3A_759 = arith.constant 27 : i32
        %swap3A_760 = arith.index_cast %swap3A_759 : i32 to index
        %swap3A_761 = arith.index_cast %mul3A_758 : i32 to index
        %swap3A_762 = tpu.vector_load %arg7[%swap3A_760, %swap3A_761] {strides = array<i32>} : memref<33x1024xf32, #tpu.memory_space<vmem>>, vector<16xf32>,
        tpu.vector_store %arg7[%swap3A_760, %swap3A_761], %gather3A_574 {strides = array<i32>} : memref<33x1024xf32, #tpu.memory_space<vmem>>, vector<16xf32>,
        %mul3A_763 = arith.constant 16 : i32
        %mul3A_764 = arith.muli %scan3A_441, %mul3A_763 : i32
        %swap3A_765 = arith.constant 28 : i32
        %swap3A_766 = arith.index_cast %swap3A_765 : i32 to index
        %swap3A_767 = arith.index_cast %mul3A_764 : i32 to index
        %swap3A_768 = tpu.vector_load %arg7[%swap3A_766, %swap3A_767] {strides = array<i32>} : memref<33x1024xf32, #tpu.memory_space<vmem>>, vector<16xf32>,
        tpu.vector_store %arg7[%swap3A_766, %swap3A_767], %gather3A_578 {strides = array<i32>} : memref<33x1024xf32, #tpu.memory_space<vmem>>, vector<16xf32>,
        %mul3A_769 = arith.constant 16 : i32
        %mul3A_770 = arith.muli %scan3A_441, %mul3A_769 : i32
        %swap3A_771 = arith.constant 29 : i32
        %swap3A_772 = arith.index_cast %swap3A_771 : i32 to index
        %swap3A_773 = arith.index_cast %mul3A_770 : i32 to index
        %swap3A_774 = tpu.vector_load %arg7[%swap3A_772, %swap3A_773] {strides = array<i32>} : memref<33x1024xf32, #tpu.memory_space<vmem>>, vector<16xf32>,
        tpu.vector_store %arg7[%swap3A_772, %swap3A_773], %gather3A_582 {strides = array<i32>} : memref<33x1024xf32, #tpu.memory_space<vmem>>, vector<16xf32>,
        %mul3A_775 = arith.constant 16 : i32
        %mul3A_776 = arith.muli %scan3A_441, %mul3A_775 : i32
        %swap3A_777 = arith.constant 30 : i32
        %swap3A_778 = arith.index_cast %swap3A_777 : i32 to index
        %swap3A_779 = arith.index_cast %mul3A_776 : i32 to index
        %swap3A_780 = tpu.vector_load %arg7[%swap3A_778, %swap3A_779] {strides = array<i32>} : memref<33x1024xf32, #tpu.memory_space<vmem>>, vector<16xf32>,
        tpu.vector_store %arg7[%swap3A_778, %swap3A_779], %gather3A_586 {strides = array<i32>} : memref<33x1024xf32, #tpu.memory_space<vmem>>, vector<16xf32>,
        %mul3A_781 = arith.constant 16 : i32
        %mul3A_782 = arith.muli %scan3A_441, %mul3A_781 : i32
        %swap3A_783 = arith.constant 31 : i32
        %swap3A_784 = arith.index_cast %swap3A_783 : i32 to index
        %swap3A_785 = arith.index_cast %mul3A_782 : i32 to index
        %swap3A_786 = tpu.vector_load %arg7[%swap3A_784, %swap3A_785] {strides = array<i32>} : memref<33x1024xf32, #tpu.memory_space<vmem>>, vector<16xf32>,
        tpu.vector_store %arg7[%swap3A_784, %swap3A_785], %gather3A_590 {strides = array<i32>} : memref<33x1024xf32, #tpu.memory_space<vmem>>, vector<16xf32>,
        %mul3A_787 = arith.constant 16 : i32
        %mul3A_788 = arith.muli %scan3A_441, %mul3A_787 : i32
        %swap3A_789 = arith.constant 32 : i32
        %swap3A_790 = arith.index_cast %swap3A_789 : i32 to index
        %swap3A_791 = arith.index_cast %mul3A_788 : i32 to index
        %swap3A_792 = tpu.vector_load %arg7[%swap3A_790, %swap3A_791] {strides = array<i32>} : memref<33x1024xf32, #tpu.memory_space<vmem>>, vector<16xf32>,
        tpu.vector_store %arg7[%swap3A_790, %swap3A_791], %gather3A_594 {strides = array<i32>} : memref<33x1024xf32, #tpu.memory_space<vmem>>, vector<16xf32>,
        %scan3A_793 = arith.constant 0 : i32
        scf.yield %scan3A_793 : i32
      }
      %scan3A_52 = arith.constant 64 : i32
      %mul3A_53 = arith.constant 2 : i32
      %mul3A_54 = arith.muli %mul3A_53, %scan3A_40 : i32
      %mul3A_55 = arith.constant 32 : i32
      %mul3A_56 = arith.muli %mul3A_54, %mul3A_55 : i32
      %add3A_57 = arith.addi %mul3A_56, %add3A : i32
      %mul3A_58 = arith.constant 1024 : i32
      %mul3A_59 = arith.muli %add3A_57, %mul3A_58 : i32
      %dma_start3A_60 = arith.constant 0 : i32
      %dma_start3A_61 = tpu.memref_slice %arg4[%dma_start3A_60, %mul3A_59] : memref<33x819200xf32, #tpu.memory_space<hbm>> -> memref<33x1024xf32, #tpu.memory_space<hbm>>
      %dma_start3A_62 = arith.constant 0 : i32
      %dma_start3A_63 = tpu.memref_slice %arg4[%dma_start3A_62, %mul3A_59] : memref<33x819200xf32, #tpu.memory_space<hbm>> -> memref<33x1024xf32, #tpu.memory_space<hbm>>
      tpu.enqueue_dma source(%arg7 : memref<33x1024xf32, #tpu.memory_space<vmem>>) target(%dma_start3A_63 : memref<33x1024xf32, #tpu.memory_space<hbm>>) target_semaphore(%arg9 : memref<!tpu.dma_semaphore, #tpu.memory_space<semaphore_mem>>)
      %gt3A_64 = arith.constant 0 : i32
      %gt3A_65 = arith.cmpi sgt, %scan3A_40, %gt3A_64 : i32
      %convert_element_type3A_66 = arith.extui %gt3A_65 : i1 to i32
      %cond3A_67 = arith.constant 0 : i32
      %cond3A_68 = arith.cmpi ne, %convert_element_type3A_66, %cond3A_67 : i32
      scf.if %cond3A_68 {
        %dma_wait3A_94 = arith.constant 0 : i32
        %dma_wait3A_95 = arith.constant 0 : i32
        %dma_wait3A_96 = tpu.memref_slice %arg4[%dma_wait3A_94, %dma_wait3A_95] : memref<33x819200xf32, #tpu.memory_space<hbm>> -> memref<33x1024xf32, #tpu.memory_space<hbm>>
        %dma_wait3A_97 = arith.constant 0 : i32
        %dma_wait3A_98 = arith.constant 0 : i32
        %dma_wait3A_99 = tpu.memref_slice %arg4[%dma_wait3A_97, %dma_wait3A_98] : memref<33x819200xf32, #tpu.memory_space<hbm>> -> memref<33x1024xf32, #tpu.memory_space<hbm>>
        tpu.wait_dma2 semaphore(%arg10 : memref<!tpu.dma_semaphore, #tpu.memory_space<semaphore_mem>>) src(%dma_wait3A_99 : memref<33x1024xf32, #tpu.memory_space<hbm>>) dst(%arg8 : memref<33x1024xf32, #tpu.memory_space<vmem>>)
      } else {
      }
      %mul3A_69 = arith.constant 2 : i32
      %mul3A_70 = arith.muli %mul3A_69, %scan3A_40 : i32
      %add3A_71 = arith.constant 1 : i32
      %add3A_72 = arith.addi %mul3A_70, %add3A_71 : i32
      %scan3A_73 = arith.constant 0 : i32
      %scan3A_74 = arith.constant 0 : i32
      %scan3A_75 = arith.constant 64 : i32
      %scan3A_76 = arith.addi %scan3A_74, %scan3A_75 : i32
      %scan3A_77 = arith.constant 2 : i32
      %scan3A_78 = scf.for %scan3A_94 = %scan3A_74 to %scan3A_76 step %scan3A_77 iter_args(%scan3A_95 = %scan3A_73) -> (i32)  : i32 {
        %mul3A_96 = arith.constant 16 : i32
        %mul3A_97 = arith.muli %scan3A_94, %mul3A_96 : i32
        %get3A = arith.index_cast %add3A_72 : i32 to index
        %get3A_98 = arith.index_cast %mul3A_97 : i32 to index
        %get3A_99 = tpu.vector_load %arg6[%get3A, %get3A_98] {strides = array<i32>} : memref<25x1024xi32, #tpu.memory_space<vmem>>, vector<16xi32>,
        %ge3A = arith.constant 0 : i32
        %ge3A_100 = vector.broadcast %ge3A : i32 to vector<16xi32>
        %ge3A_101 = arith.cmpi sge, %get3A_99, %ge3A_100 : vector<16xi32>
        %lt3A = arith.constant 1000 : i32
        %lt3A_102 = vector.broadcast %lt3A : i32 to vector<16xi32>
        %lt3A_103 = arith.cmpi slt, %get3A_99, %lt3A_102 : vector<16xi32>
        %and3A = arith.andi %ge3A_101, %lt3A_103 : vector<16xi1>
        %add3A_104 = arith.constant 1 : i32
        %add3A_105 = vector.broadcast %add3A_104 : i32 to vector<16xi32>
        %add3A_106 = arith.addi %get3A_99, %add3A_105 : vector<16xi32>
        %broadcast_in_dim3A = arith.constant 0 : i32
        %broadcast_in_dim3A_107 = vector.broadcast %broadcast_in_dim3A : i32 to vector<16xi32>
        %select_n3A = arith.select %and3A, %add3A_106, %broadcast_in_dim3A_107 : vector<16xi1>, vector<16xi32>
        %mul3A_108 = arith.constant 33 : i32
        %mul3A_109 = vector.broadcast %mul3A_108 : i32 to vector<16xi32>
        %mul3A_110 = arith.muli %select_n3A, %mul3A_109 : vector<16xi32>
        %add3A_111 = arith.constant 0 : i32
        %add3A_112 = vector.broadcast %add3A_111 : i32 to vector<16xi32>
        %add3A_113 = arith.addi %mul3A_110, %add3A_112 : vector<16xi32>
        %gather3A = tpu.vector_load_idx %arg5[%add3A_113] : memref<33040xf32, #tpu.memory_space<vmem>>[vector<16xi32>], vector<16xf32>,
        %add3A_114 = arith.constant 1 : i32
        %add3A_115 = vector.broadcast %add3A_114 : i32 to vector<16xi32>
        %add3A_116 = arith.addi %mul3A_110, %add3A_115 : vector<16xi32>
        %gather3A_117 = tpu.vector_load_idx %arg5[%add3A_116] : memref<33040xf32, #tpu.memory_space<vmem>>[vector<16xi32>], vector<16xf32>,
        %add3A_118 = arith.constant 2 : i32
        %add3A_119 = vector.broadcast %add3A_118 : i32 to vector<16xi32>
        %add3A_120 = arith.addi %mul3A_110, %add3A_119 : vector<16xi32>
        %gather3A_121 = tpu.vector_load_idx %arg5[%add3A_120] : memref<33040xf32, #tpu.memory_space<vmem>>[vector<16xi32>], vector<16xf32>,
        %add3A_122 = arith.constant 3 : i32
        %add3A_123 = vector.broadcast %add3A_122 : i32 to vector<16xi32>
        %add3A_124 = arith.addi %mul3A_110, %add3A_123 : vector<16xi32>
        %gather3A_125 = tpu.vector_load_idx %arg5[%add3A_124] : memref<33040xf32, #tpu.memory_space<vmem>>[vector<16xi32>], vector<16xf32>,
        %add3A_126 = arith.constant 4 : i32
        %add3A_127 = vector.broadcast %add3A_126 : i32 to vector<16xi32>
        %add3A_128 = arith.addi %mul3A_110, %add3A_127 : vector<16xi32>
        %gather3A_129 = tpu.vector_load_idx %arg5[%add3A_128] : memref<33040xf32, #tpu.memory_space<vmem>>[vector<16xi32>], vector<16xf32>,
        %add3A_130 = arith.constant 5 : i32
        %add3A_131 = vector.broadcast %add3A_130 : i32 to vector<16xi32>
        %add3A_132 = arith.addi %mul3A_110, %add3A_131 : vector<16xi32>
        %gather3A_133 = tpu.vector_load_idx %arg5[%add3A_132] : memref<33040xf32, #tpu.memory_space<vmem>>[vector<16xi32>], vector<16xf32>,
        %add3A_134 = arith.constant 6 : i32
        %add3A_135 = vector.broadcast %add3A_134 : i32 to vector<16xi32>
        %add3A_136 = arith.addi %mul3A_110, %add3A_135 : vector<16xi32>
        %gather3A_137 = tpu.vector_load_idx %arg5[%add3A_136] : memref<33040xf32, #tpu.memory_space<vmem>>[vector<16xi32>], vector<16xf32>,
        %add3A_138 = arith.constant 7 : i32
        %add3A_139 = vector.broadcast %add3A_138 : i32 to vector<16xi32>
        %add3A_140 = arith.addi %mul3A_110, %add3A_139 : vector<16xi32>
        %gather3A_141 = tpu.vector_load_idx %arg5[%add3A_140] : memref<33040xf32, #tpu.memory_space<vmem>>[vector<16xi32>], vector<16xf32>,
        %add3A_142 = arith.constant 8 : i32
        %add3A_143 = vector.broadcast %add3A_142 : i32 to vector<16xi32>
        %add3A_144 = arith.addi %mul3A_110, %add3A_143 : vector<16xi32>
        %gather3A_145 = tpu.vector_load_idx %arg5[%add3A_144] : memref<33040xf32, #tpu.memory_space<vmem>>[vector<16xi32>], vector<16xf32>,
        %add3A_146 = arith.constant 9 : i32
        %add3A_147 = vector.broadcast %add3A_146 : i32 to vector<16xi32>
        %add3A_148 = arith.addi %mul3A_110, %add3A_147 : vector<16xi32>
        %gather3A_149 = tpu.vector_load_idx %arg5[%add3A_148] : memref<33040xf32, #tpu.memory_space<vmem>>[vector<16xi32>], vector<16xf32>,
        %add3A_150 = arith.constant 10 : i32
        %add3A_151 = vector.broadcast %add3A_150 : i32 to vector<16xi32>
        %add3A_152 = arith.addi %mul3A_110, %add3A_151 : vector<16xi32>
        %gather3A_153 = tpu.vector_load_idx %arg5[%add3A_152] : memref<33040xf32, #tpu.memory_space<vmem>>[vector<16xi32>], vector<16xf32>,
        %add3A_154 = arith.constant 11 : i32
        %add3A_155 = vector.broadcast %add3A_154 : i32 to vector<16xi32>
        %add3A_156 = arith.addi %mul3A_110, %add3A_155 : vector<16xi32>
        %gather3A_157 = tpu.vector_load_idx %arg5[%add3A_156] : memref<33040xf32, #tpu.memory_space<vmem>>[vector<16xi32>], vector<16xf32>,
        %add3A_158 = arith.constant 12 : i32
        %add3A_159 = vector.broadcast %add3A_158 : i32 to vector<16xi32>
        %add3A_160 = arith.addi %mul3A_110, %add3A_159 : vector<16xi32>
        %gather3A_161 = tpu.vector_load_idx %arg5[%add3A_160] : memref<33040xf32, #tpu.memory_space<vmem>>[vector<16xi32>], vector<16xf32>,
        %add3A_162 = arith.constant 13 : i32
        %add3A_163 = vector.broadcast %add3A_162 : i32 to vector<16xi32>
        %add3A_164 = arith.addi %mul3A_110, %add3A_163 : vector<16xi32>
        %gather3A_165 = tpu.vector_load_idx %arg5[%add3A_164] : memref<33040xf32, #tpu.memory_space<vmem>>[vector<16xi32>], vector<16xf32>,
        %add3A_166 = arith.constant 14 : i32
        %add3A_167 = vector.broadcast %add3A_166 : i32 to vector<16xi32>
        %add3A_168 = arith.addi %mul3A_110, %add3A_167 : vector<16xi32>
        %gather3A_169 = tpu.vector_load_idx %arg5[%add3A_168] : memref<33040xf32, #tpu.memory_space<vmem>>[vector<16xi32>], vector<16xf32>,
        %add3A_170 = arith.constant 15 : i32
        %add3A_171 = vector.broadcast %add3A_170 : i32 to vector<16xi32>
        %add3A_172 = arith.addi %mul3A_110, %add3A_171 : vector<16xi32>
        %gather3A_173 = tpu.vector_load_idx %arg5[%add3A_172] : memref<33040xf32, #tpu.memory_space<vmem>>[vector<16xi32>], vector<16xf32>,
        %add3A_174 = arith.constant 16 : i32
        %add3A_175 = vector.broadcast %add3A_174 : i32 to vector<16xi32>
        %add3A_176 = arith.addi %mul3A_110, %add3A_175 : vector<16xi32>
        %gather3A_177 = tpu.vector_load_idx %arg5[%add3A_176] : memref<33040xf32, #tpu.memory_space<vmem>>[vector<16xi32>], vector<16xf32>,
        %add3A_178 = arith.constant 17 : i32
        %add3A_179 = vector.broadcast %add3A_178 : i32 to vector<16xi32>
        %add3A_180 = arith.addi %mul3A_110, %add3A_179 : vector<16xi32>
        %gather3A_181 = tpu.vector_load_idx %arg5[%add3A_180] : memref<33040xf32, #tpu.memory_space<vmem>>[vector<16xi32>], vector<16xf32>,
        %add3A_182 = arith.constant 18 : i32
        %add3A_183 = vector.broadcast %add3A_182 : i32 to vector<16xi32>
        %add3A_184 = arith.addi %mul3A_110, %add3A_183 : vector<16xi32>
        %gather3A_185 = tpu.vector_load_idx %arg5[%add3A_184] : memref<33040xf32, #tpu.memory_space<vmem>>[vector<16xi32>], vector<16xf32>,
        %add3A_186 = arith.constant 19 : i32
        %add3A_187 = vector.broadcast %add3A_186 : i32 to vector<16xi32>
        %add3A_188 = arith.addi %mul3A_110, %add3A_187 : vector<16xi32>
        %gather3A_189 = tpu.vector_load_idx %arg5[%add3A_188] : memref<33040xf32, #tpu.memory_space<vmem>>[vector<16xi32>], vector<16xf32>,
        %add3A_190 = arith.constant 20 : i32
        %add3A_191 = vector.broadcast %add3A_190 : i32 to vector<16xi32>
        %add3A_192 = arith.addi %mul3A_110, %add3A_191 : vector<16xi32>
        %gather3A_193 = tpu.vector_load_idx %arg5[%add3A_192] : memref<33040xf32, #tpu.memory_space<vmem>>[vector<16xi32>], vector<16xf32>,
        %add3A_194 = arith.constant 21 : i32
        %add3A_195 = vector.broadcast %add3A_194 : i32 to vector<16xi32>
        %add3A_196 = arith.addi %mul3A_110, %add3A_195 : vector<16xi32>
        %gather3A_197 = tpu.vector_load_idx %arg5[%add3A_196] : memref<33040xf32, #tpu.memory_space<vmem>>[vector<16xi32>], vector<16xf32>,
        %add3A_198 = arith.constant 22 : i32
        %add3A_199 = vector.broadcast %add3A_198 : i32 to vector<16xi32>
        %add3A_200 = arith.addi %mul3A_110, %add3A_199 : vector<16xi32>
        %gather3A_201 = tpu.vector_load_idx %arg5[%add3A_200] : memref<33040xf32, #tpu.memory_space<vmem>>[vector<16xi32>], vector<16xf32>,
        %add3A_202 = arith.constant 23 : i32
        %add3A_203 = vector.broadcast %add3A_202 : i32 to vector<16xi32>
        %add3A_204 = arith.addi %mul3A_110, %add3A_203 : vector<16xi32>
        %gather3A_205 = tpu.vector_load_idx %arg5[%add3A_204] : memref<33040xf32, #tpu.memory_space<vmem>>[vector<16xi32>], vector<16xf32>,
        %add3A_206 = arith.constant 24 : i32
        %add3A_207 = vector.broadcast %add3A_206 : i32 to vector<16xi32>
        %add3A_208 = arith.addi %mul3A_110, %add3A_207 : vector<16xi32>
        %gather3A_209 = tpu.vector_load_idx %arg5[%add3A_208] : memref<33040xf32, #tpu.memory_space<vmem>>[vector<16xi32>], vector<16xf32>,
        %add3A_210 = arith.constant 25 : i32
        %add3A_211 = vector.broadcast %add3A_210 : i32 to vector<16xi32>
        %add3A_212 = arith.addi %mul3A_110, %add3A_211 : vector<16xi32>
        %gather3A_213 = tpu.vector_load_idx %arg5[%add3A_212] : memref<33040xf32, #tpu.memory_space<vmem>>[vector<16xi32>], vector<16xf32>,
        %add3A_214 = arith.constant 26 : i32
        %add3A_215 = vector.broadcast %add3A_214 : i32 to vector<16xi32>
        %add3A_216 = arith.addi %mul3A_110, %add3A_215 : vector<16xi32>
        %gather3A_217 = tpu.vector_load_idx %arg5[%add3A_216] : memref<33040xf32, #tpu.memory_space<vmem>>[vector<16xi32>], vector<16xf32>,
        %add3A_218 = arith.constant 27 : i32
        %add3A_219 = vector.broadcast %add3A_218 : i32 to vector<16xi32>
        %add3A_220 = arith.addi %mul3A_110, %add3A_219 : vector<16xi32>
        %gather3A_221 = tpu.vector_load_idx %arg5[%add3A_220] : memref<33040xf32, #tpu.memory_space<vmem>>[vector<16xi32>], vector<16xf32>,
        %add3A_222 = arith.constant 28 : i32
        %add3A_223 = vector.broadcast %add3A_222 : i32 to vector<16xi32>
        %add3A_224 = arith.addi %mul3A_110, %add3A_223 : vector<16xi32>
        %gather3A_225 = tpu.vector_load_idx %arg5[%add3A_224] : memref<33040xf32, #tpu.memory_space<vmem>>[vector<16xi32>], vector<16xf32>,
        %add3A_226 = arith.constant 29 : i32
        %add3A_227 = vector.broadcast %add3A_226 : i32 to vector<16xi32>
        %add3A_228 = arith.addi %mul3A_110, %add3A_227 : vector<16xi32>
        %gather3A_229 = tpu.vector_load_idx %arg5[%add3A_228] : memref<33040xf32, #tpu.memory_space<vmem>>[vector<16xi32>], vector<16xf32>,
        %add3A_230 = arith.constant 30 : i32
        %add3A_231 = vector.broadcast %add3A_230 : i32 to vector<16xi32>
        %add3A_232 = arith.addi %mul3A_110, %add3A_231 : vector<16xi32>
        %gather3A_233 = tpu.vector_load_idx %arg5[%add3A_232] : memref<33040xf32, #tpu.memory_space<vmem>>[vector<16xi32>], vector<16xf32>,
        %add3A_234 = arith.constant 31 : i32
        %add3A_235 = vector.broadcast %add3A_234 : i32 to vector<16xi32>
        %add3A_236 = arith.addi %mul3A_110, %add3A_235 : vector<16xi32>
        %gather3A_237 = tpu.vector_load_idx %arg5[%add3A_236] : memref<33040xf32, #tpu.memory_space<vmem>>[vector<16xi32>], vector<16xf32>,
        %add3A_238 = arith.constant 32 : i32
        %add3A_239 = vector.broadcast %add3A_238 : i32 to vector<16xi32>
        %add3A_240 = arith.addi %mul3A_110, %add3A_239 : vector<16xi32>
        %gather3A_241 = tpu.vector_load_idx %arg5[%add3A_240] : memref<33040xf32, #tpu.memory_space<vmem>>[vector<16xi32>], vector<16xf32>,
        %mul3A_242 = arith.constant 16 : i32
        %mul3A_243 = arith.muli %scan3A_94, %mul3A_242 : i32
        %swap3A = arith.constant 0 : i32
        %swap3A_244 = arith.index_cast %swap3A : i32 to index
        %swap3A_245 = arith.index_cast %mul3A_243 : i32 to index
        %swap3A_246 = tpu.vector_load %arg8[%swap3A_244, %swap3A_245] {strides = array<i32>} : memref<33x1024xf32, #tpu.memory_space<vmem>>, vector<16xf32>,
        tpu.vector_store %arg8[%swap3A_244, %swap3A_245], %gather3A {strides = array<i32>} : memref<33x1024xf32, #tpu.memory_space<vmem>>, vector<16xf32>,
        %mul3A_247 = arith.constant 16 : i32
        %mul3A_248 = arith.muli %scan3A_94, %mul3A_247 : i32
        %swap3A_249 = arith.constant 1 : i32
        %swap3A_250 = arith.index_cast %swap3A_249 : i32 to index
        %swap3A_251 = arith.index_cast %mul3A_248 : i32 to index
        %swap3A_252 = tpu.vector_load %arg8[%swap3A_250, %swap3A_251] {strides = array<i32>} : memref<33x1024xf32, #tpu.memory_space<vmem>>, vector<16xf32>,
        tpu.vector_store %arg8[%swap3A_250, %swap3A_251], %gather3A_117 {strides = array<i32>} : memref<33x1024xf32, #tpu.memory_space<vmem>>, vector<16xf32>,
        %mul3A_253 = arith.constant 16 : i32
        %mul3A_254 = arith.muli %scan3A_94, %mul3A_253 : i32
        %swap3A_255 = arith.constant 2 : i32
        %swap3A_256 = arith.index_cast %swap3A_255 : i32 to index
        %swap3A_257 = arith.index_cast %mul3A_254 : i32 to index
        %swap3A_258 = tpu.vector_load %arg8[%swap3A_256, %swap3A_257] {strides = array<i32>} : memref<33x1024xf32, #tpu.memory_space<vmem>>, vector<16xf32>,
        tpu.vector_store %arg8[%swap3A_256, %swap3A_257], %gather3A_121 {strides = array<i32>} : memref<33x1024xf32, #tpu.memory_space<vmem>>, vector<16xf32>,
        %mul3A_259 = arith.constant 16 : i32
        %mul3A_260 = arith.muli %scan3A_94, %mul3A_259 : i32
        %swap3A_261 = arith.constant 3 : i32
        %swap3A_262 = arith.index_cast %swap3A_261 : i32 to index
        %swap3A_263 = arith.index_cast %mul3A_260 : i32 to index
        %swap3A_264 = tpu.vector_load %arg8[%swap3A_262, %swap3A_263] {strides = array<i32>} : memref<33x1024xf32, #tpu.memory_space<vmem>>, vector<16xf32>,
        tpu.vector_store %arg8[%swap3A_262, %swap3A_263], %gather3A_125 {strides = array<i32>} : memref<33x1024xf32, #tpu.memory_space<vmem>>, vector<16xf32>,
        %mul3A_265 = arith.constant 16 : i32
        %mul3A_266 = arith.muli %scan3A_94, %mul3A_265 : i32
        %swap3A_267 = arith.constant 4 : i32
        %swap3A_268 = arith.index_cast %swap3A_267 : i32 to index
        %swap3A_269 = arith.index_cast %mul3A_266 : i32 to index
        %swap3A_270 = tpu.vector_load %arg8[%swap3A_268, %swap3A_269] {strides = array<i32>} : memref<33x1024xf32, #tpu.memory_space<vmem>>, vector<16xf32>,
        tpu.vector_store %arg8[%swap3A_268, %swap3A_269], %gather3A_129 {strides = array<i32>} : memref<33x1024xf32, #tpu.memory_space<vmem>>, vector<16xf32>,
        %mul3A_271 = arith.constant 16 : i32
        %mul3A_272 = arith.muli %scan3A_94, %mul3A_271 : i32
        %swap3A_273 = arith.constant 5 : i32
        %swap3A_274 = arith.index_cast %swap3A_273 : i32 to index
        %swap3A_275 = arith.index_cast %mul3A_272 : i32 to index
        %swap3A_276 = tpu.vector_load %arg8[%swap3A_274, %swap3A_275] {strides = array<i32>} : memref<33x1024xf32, #tpu.memory_space<vmem>>, vector<16xf32>,
        tpu.vector_store %arg8[%swap3A_274, %swap3A_275], %gather3A_133 {strides = array<i32>} : memref<33x1024xf32, #tpu.memory_space<vmem>>, vector<16xf32>,
        %mul3A_277 = arith.constant 16 : i32
        %mul3A_278 = arith.muli %scan3A_94, %mul3A_277 : i32
        %swap3A_279 = arith.constant 6 : i32
        %swap3A_280 = arith.index_cast %swap3A_279 : i32 to index
        %swap3A_281 = arith.index_cast %mul3A_278 : i32 to index
        %swap3A_282 = tpu.vector_load %arg8[%swap3A_280, %swap3A_281] {strides = array<i32>} : memref<33x1024xf32, #tpu.memory_space<vmem>>, vector<16xf32>,
        tpu.vector_store %arg8[%swap3A_280, %swap3A_281], %gather3A_137 {strides = array<i32>} : memref<33x1024xf32, #tpu.memory_space<vmem>>, vector<16xf32>,
        %mul3A_283 = arith.constant 16 : i32
        %mul3A_284 = arith.muli %scan3A_94, %mul3A_283 : i32
        %swap3A_285 = arith.constant 7 : i32
        %swap3A_286 = arith.index_cast %swap3A_285 : i32 to index
        %swap3A_287 = arith.index_cast %mul3A_284 : i32 to index
        %swap3A_288 = tpu.vector_load %arg8[%swap3A_286, %swap3A_287] {strides = array<i32>} : memref<33x1024xf32, #tpu.memory_space<vmem>>, vector<16xf32>,
        tpu.vector_store %arg8[%swap3A_286, %swap3A_287], %gather3A_141 {strides = array<i32>} : memref<33x1024xf32, #tpu.memory_space<vmem>>, vector<16xf32>,
        %mul3A_289 = arith.constant 16 : i32
        %mul3A_290 = arith.muli %scan3A_94, %mul3A_289 : i32
        %swap3A_291 = arith.constant 8 : i32
        %swap3A_292 = arith.index_cast %swap3A_291 : i32 to index
        %swap3A_293 = arith.index_cast %mul3A_290 : i32 to index
        %swap3A_294 = tpu.vector_load %arg8[%swap3A_292, %swap3A_293] {strides = array<i32>} : memref<33x1024xf32, #tpu.memory_space<vmem>>, vector<16xf32>,
        tpu.vector_store %arg8[%swap3A_292, %swap3A_293], %gather3A_145 {strides = array<i32>} : memref<33x1024xf32, #tpu.memory_space<vmem>>, vector<16xf32>,
        %mul3A_295 = arith.constant 16 : i32
        %mul3A_296 = arith.muli %scan3A_94, %mul3A_295 : i32
        %swap3A_297 = arith.constant 9 : i32
        %swap3A_298 = arith.index_cast %swap3A_297 : i32 to index
        %swap3A_299 = arith.index_cast %mul3A_296 : i32 to index
        %swap3A_300 = tpu.vector_load %arg8[%swap3A_298, %swap3A_299] {strides = array<i32>} : memref<33x1024xf32, #tpu.memory_space<vmem>>, vector<16xf32>,
        tpu.vector_store %arg8[%swap3A_298, %swap3A_299], %gather3A_149 {strides = array<i32>} : memref<33x1024xf32, #tpu.memory_space<vmem>>, vector<16xf32>,
        %mul3A_301 = arith.constant 16 : i32
        %mul3A_302 = arith.muli %scan3A_94, %mul3A_301 : i32
        %swap3A_303 = arith.constant 10 : i32
        %swap3A_304 = arith.index_cast %swap3A_303 : i32 to index
        %swap3A_305 = arith.index_cast %mul3A_302 : i32 to index
        %swap3A_306 = tpu.vector_load %arg8[%swap3A_304, %swap3A_305] {strides = array<i32>} : memref<33x1024xf32, #tpu.memory_space<vmem>>, vector<16xf32>,
        tpu.vector_store %arg8[%swap3A_304, %swap3A_305], %gather3A_153 {strides = array<i32>} : memref<33x1024xf32, #tpu.memory_space<vmem>>, vector<16xf32>,
        %mul3A_307 = arith.constant 16 : i32
        %mul3A_308 = arith.muli %scan3A_94, %mul3A_307 : i32
        %swap3A_309 = arith.constant 11 : i32
        %swap3A_310 = arith.index_cast %swap3A_309 : i32 to index
        %swap3A_311 = arith.index_cast %mul3A_308 : i32 to index
        %swap3A_312 = tpu.vector_load %arg8[%swap3A_310, %swap3A_311] {strides = array<i32>} : memref<33x1024xf32, #tpu.memory_space<vmem>>, vector<16xf32>,
        tpu.vector_store %arg8[%swap3A_310, %swap3A_311], %gather3A_157 {strides = array<i32>} : memref<33x1024xf32, #tpu.memory_space<vmem>>, vector<16xf32>,
        %mul3A_313 = arith.constant 16 : i32
        %mul3A_314 = arith.muli %scan3A_94, %mul3A_313 : i32
        %swap3A_315 = arith.constant 12 : i32
        %swap3A_316 = arith.index_cast %swap3A_315 : i32 to index
        %swap3A_317 = arith.index_cast %mul3A_314 : i32 to index
        %swap3A_318 = tpu.vector_load %arg8[%swap3A_316, %swap3A_317] {strides = array<i32>} : memref<33x1024xf32, #tpu.memory_space<vmem>>, vector<16xf32>,
        tpu.vector_store %arg8[%swap3A_316, %swap3A_317], %gather3A_161 {strides = array<i32>} : memref<33x1024xf32, #tpu.memory_space<vmem>>, vector<16xf32>,
        %mul3A_319 = arith.constant 16 : i32
        %mul3A_320 = arith.muli %scan3A_94, %mul3A_319 : i32
        %swap3A_321 = arith.constant 13 : i32
        %swap3A_322 = arith.index_cast %swap3A_321 : i32 to index
        %swap3A_323 = arith.index_cast %mul3A_320 : i32 to index
        %swap3A_324 = tpu.vector_load %arg8[%swap3A_322, %swap3A_323] {strides = array<i32>} : memref<33x1024xf32, #tpu.memory_space<vmem>>, vector<16xf32>,
        tpu.vector_store %arg8[%swap3A_322, %swap3A_323], %gather3A_165 {strides = array<i32>} : memref<33x1024xf32, #tpu.memory_space<vmem>>, vector<16xf32>,
        %mul3A_325 = arith.constant 16 : i32
        %mul3A_326 = arith.muli %scan3A_94, %mul3A_325 : i32
        %swap3A_327 = arith.constant 14 : i32
        %swap3A_328 = arith.index_cast %swap3A_327 : i32 to index
        %swap3A_329 = arith.index_cast %mul3A_326 : i32 to index
        %swap3A_330 = tpu.vector_load %arg8[%swap3A_328, %swap3A_329] {strides = array<i32>} : memref<33x1024xf32, #tpu.memory_space<vmem>>, vector<16xf32>,
        tpu.vector_store %arg8[%swap3A_328, %swap3A_329], %gather3A_169 {strides = array<i32>} : memref<33x1024xf32, #tpu.memory_space<vmem>>, vector<16xf32>,
        %mul3A_331 = arith.constant 16 : i32
        %mul3A_332 = arith.muli %scan3A_94, %mul3A_331 : i32
        %swap3A_333 = arith.constant 15 : i32
        %swap3A_334 = arith.index_cast %swap3A_333 : i32 to index
        %swap3A_335 = arith.index_cast %mul3A_332 : i32 to index
        %swap3A_336 = tpu.vector_load %arg8[%swap3A_334, %swap3A_335] {strides = array<i32>} : memref<33x1024xf32, #tpu.memory_space<vmem>>, vector<16xf32>,
        tpu.vector_store %arg8[%swap3A_334, %swap3A_335], %gather3A_173 {strides = array<i32>} : memref<33x1024xf32, #tpu.memory_space<vmem>>, vector<16xf32>,
        %mul3A_337 = arith.constant 16 : i32
        %mul3A_338 = arith.muli %scan3A_94, %mul3A_337 : i32
        %swap3A_339 = arith.constant 16 : i32
        %swap3A_340 = arith.index_cast %swap3A_339 : i32 to index
        %swap3A_341 = arith.index_cast %mul3A_338 : i32 to index
        %swap3A_342 = tpu.vector_load %arg8[%swap3A_340, %swap3A_341] {strides = array<i32>} : memref<33x1024xf32, #tpu.memory_space<vmem>>, vector<16xf32>,
        tpu.vector_store %arg8[%swap3A_340, %swap3A_341], %gather3A_177 {strides = array<i32>} : memref<33x1024xf32, #tpu.memory_space<vmem>>, vector<16xf32>,
        %mul3A_343 = arith.constant 16 : i32
        %mul3A_344 = arith.muli %scan3A_94, %mul3A_343 : i32
        %swap3A_345 = arith.constant 17 : i32
        %swap3A_346 = arith.index_cast %swap3A_345 : i32 to index
        %swap3A_347 = arith.index_cast %mul3A_344 : i32 to index
        %swap3A_348 = tpu.vector_load %arg8[%swap3A_346, %swap3A_347] {strides = array<i32>} : memref<33x1024xf32, #tpu.memory_space<vmem>>, vector<16xf32>,
        tpu.vector_store %arg8[%swap3A_346, %swap3A_347], %gather3A_181 {strides = array<i32>} : memref<33x1024xf32, #tpu.memory_space<vmem>>, vector<16xf32>,
        %mul3A_349 = arith.constant 16 : i32
        %mul3A_350 = arith.muli %scan3A_94, %mul3A_349 : i32
        %swap3A_351 = arith.constant 18 : i32
        %swap3A_352 = arith.index_cast %swap3A_351 : i32 to index
        %swap3A_353 = arith.index_cast %mul3A_350 : i32 to index
        %swap3A_354 = tpu.vector_load %arg8[%swap3A_352, %swap3A_353] {strides = array<i32>} : memref<33x1024xf32, #tpu.memory_space<vmem>>, vector<16xf32>,
        tpu.vector_store %arg8[%swap3A_352, %swap3A_353], %gather3A_185 {strides = array<i32>} : memref<33x1024xf32, #tpu.memory_space<vmem>>, vector<16xf32>,
        %mul3A_355 = arith.constant 16 : i32
        %mul3A_356 = arith.muli %scan3A_94, %mul3A_355 : i32
        %swap3A_357 = arith.constant 19 : i32
        %swap3A_358 = arith.index_cast %swap3A_357 : i32 to index
        %swap3A_359 = arith.index_cast %mul3A_356 : i32 to index
        %swap3A_360 = tpu.vector_load %arg8[%swap3A_358, %swap3A_359] {strides = array<i32>} : memref<33x1024xf32, #tpu.memory_space<vmem>>, vector<16xf32>,
        tpu.vector_store %arg8[%swap3A_358, %swap3A_359], %gather3A_189 {strides = array<i32>} : memref<33x1024xf32, #tpu.memory_space<vmem>>, vector<16xf32>,
        %mul3A_361 = arith.constant 16 : i32
        %mul3A_362 = arith.muli %scan3A_94, %mul3A_361 : i32
        %swap3A_363 = arith.constant 20 : i32
        %swap3A_364 = arith.index_cast %swap3A_363 : i32 to index
        %swap3A_365 = arith.index_cast %mul3A_362 : i32 to index
        %swap3A_366 = tpu.vector_load %arg8[%swap3A_364, %swap3A_365] {strides = array<i32>} : memref<33x1024xf32, #tpu.memory_space<vmem>>, vector<16xf32>,
        tpu.vector_store %arg8[%swap3A_364, %swap3A_365], %gather3A_193 {strides = array<i32>} : memref<33x1024xf32, #tpu.memory_space<vmem>>, vector<16xf32>,
        %mul3A_367 = arith.constant 16 : i32
        %mul3A_368 = arith.muli %scan3A_94, %mul3A_367 : i32
        %swap3A_369 = arith.constant 21 : i32
        %swap3A_370 = arith.index_cast %swap3A_369 : i32 to index
        %swap3A_371 = arith.index_cast %mul3A_368 : i32 to index
        %swap3A_372 = tpu.vector_load %arg8[%swap3A_370, %swap3A_371] {strides = array<i32>} : memref<33x1024xf32, #tpu.memory_space<vmem>>, vector<16xf32>,
        tpu.vector_store %arg8[%swap3A_370, %swap3A_371], %gather3A_197 {strides = array<i32>} : memref<33x1024xf32, #tpu.memory_space<vmem>>, vector<16xf32>,
        %mul3A_373 = arith.constant 16 : i32
        %mul3A_374 = arith.muli %scan3A_94, %mul3A_373 : i32
        %swap3A_375 = arith.constant 22 : i32
        %swap3A_376 = arith.index_cast %swap3A_375 : i32 to index
        %swap3A_377 = arith.index_cast %mul3A_374 : i32 to index
        %swap3A_378 = tpu.vector_load %arg8[%swap3A_376, %swap3A_377] {strides = array<i32>} : memref<33x1024xf32, #tpu.memory_space<vmem>>, vector<16xf32>,
        tpu.vector_store %arg8[%swap3A_376, %swap3A_377], %gather3A_201 {strides = array<i32>} : memref<33x1024xf32, #tpu.memory_space<vmem>>, vector<16xf32>,
        %mul3A_379 = arith.constant 16 : i32
        %mul3A_380 = arith.muli %scan3A_94, %mul3A_379 : i32
        %swap3A_381 = arith.constant 23 : i32
        %swap3A_382 = arith.index_cast %swap3A_381 : i32 to index
        %swap3A_383 = arith.index_cast %mul3A_380 : i32 to index
        %swap3A_384 = tpu.vector_load %arg8[%swap3A_382, %swap3A_383] {strides = array<i32>} : memref<33x1024xf32, #tpu.memory_space<vmem>>, vector<16xf32>,
        tpu.vector_store %arg8[%swap3A_382, %swap3A_383], %gather3A_205 {strides = array<i32>} : memref<33x1024xf32, #tpu.memory_space<vmem>>, vector<16xf32>,
        %mul3A_385 = arith.constant 16 : i32
        %mul3A_386 = arith.muli %scan3A_94, %mul3A_385 : i32
        %swap3A_387 = arith.constant 24 : i32
        %swap3A_388 = arith.index_cast %swap3A_387 : i32 to index
        %swap3A_389 = arith.index_cast %mul3A_386 : i32 to index
        %swap3A_390 = tpu.vector_load %arg8[%swap3A_388, %swap3A_389] {strides = array<i32>} : memref<33x1024xf32, #tpu.memory_space<vmem>>, vector<16xf32>,
        tpu.vector_store %arg8[%swap3A_388, %swap3A_389], %gather3A_209 {strides = array<i32>} : memref<33x1024xf32, #tpu.memory_space<vmem>>, vector<16xf32>,
        %mul3A_391 = arith.constant 16 : i32
        %mul3A_392 = arith.muli %scan3A_94, %mul3A_391 : i32
        %swap3A_393 = arith.constant 25 : i32
        %swap3A_394 = arith.index_cast %swap3A_393 : i32 to index
        %swap3A_395 = arith.index_cast %mul3A_392 : i32 to index
        %swap3A_396 = tpu.vector_load %arg8[%swap3A_394, %swap3A_395] {strides = array<i32>} : memref<33x1024xf32, #tpu.memory_space<vmem>>, vector<16xf32>,
        tpu.vector_store %arg8[%swap3A_394, %swap3A_395], %gather3A_213 {strides = array<i32>} : memref<33x1024xf32, #tpu.memory_space<vmem>>, vector<16xf32>,
        %mul3A_397 = arith.constant 16 : i32
        %mul3A_398 = arith.muli %scan3A_94, %mul3A_397 : i32
        %swap3A_399 = arith.constant 26 : i32
        %swap3A_400 = arith.index_cast %swap3A_399 : i32 to index
        %swap3A_401 = arith.index_cast %mul3A_398 : i32 to index
        %swap3A_402 = tpu.vector_load %arg8[%swap3A_400, %swap3A_401] {strides = array<i32>} : memref<33x1024xf32, #tpu.memory_space<vmem>>, vector<16xf32>,
        tpu.vector_store %arg8[%swap3A_400, %swap3A_401], %gather3A_217 {strides = array<i32>} : memref<33x1024xf32, #tpu.memory_space<vmem>>, vector<16xf32>,
        %mul3A_403 = arith.constant 16 : i32
        %mul3A_404 = arith.muli %scan3A_94, %mul3A_403 : i32
        %swap3A_405 = arith.constant 27 : i32
        %swap3A_406 = arith.index_cast %swap3A_405 : i32 to index
        %swap3A_407 = arith.index_cast %mul3A_404 : i32 to index
        %swap3A_408 = tpu.vector_load %arg8[%swap3A_406, %swap3A_407] {strides = array<i32>} : memref<33x1024xf32, #tpu.memory_space<vmem>>, vector<16xf32>,
        tpu.vector_store %arg8[%swap3A_406, %swap3A_407], %gather3A_221 {strides = array<i32>} : memref<33x1024xf32, #tpu.memory_space<vmem>>, vector<16xf32>,
        %mul3A_409 = arith.constant 16 : i32
        %mul3A_410 = arith.muli %scan3A_94, %mul3A_409 : i32
        %swap3A_411 = arith.constant 28 : i32
        %swap3A_412 = arith.index_cast %swap3A_411 : i32 to index
        %swap3A_413 = arith.index_cast %mul3A_410 : i32 to index
        %swap3A_414 = tpu.vector_load %arg8[%swap3A_412, %swap3A_413] {strides = array<i32>} : memref<33x1024xf32, #tpu.memory_space<vmem>>, vector<16xf32>,
        tpu.vector_store %arg8[%swap3A_412, %swap3A_413], %gather3A_225 {strides = array<i32>} : memref<33x1024xf32, #tpu.memory_space<vmem>>, vector<16xf32>,
        %mul3A_415 = arith.constant 16 : i32
        %mul3A_416 = arith.muli %scan3A_94, %mul3A_415 : i32
        %swap3A_417 = arith.constant 29 : i32
        %swap3A_418 = arith.index_cast %swap3A_417 : i32 to index
        %swap3A_419 = arith.index_cast %mul3A_416 : i32 to index
        %swap3A_420 = tpu.vector_load %arg8[%swap3A_418, %swap3A_419] {strides = array<i32>} : memref<33x1024xf32, #tpu.memory_space<vmem>>, vector<16xf32>,
        tpu.vector_store %arg8[%swap3A_418, %swap3A_419], %gather3A_229 {strides = array<i32>} : memref<33x1024xf32, #tpu.memory_space<vmem>>, vector<16xf32>,
        %mul3A_421 = arith.constant 16 : i32
        %mul3A_422 = arith.muli %scan3A_94, %mul3A_421 : i32
        %swap3A_423 = arith.constant 30 : i32
        %swap3A_424 = arith.index_cast %swap3A_423 : i32 to index
        %swap3A_425 = arith.index_cast %mul3A_422 : i32 to index
        %swap3A_426 = tpu.vector_load %arg8[%swap3A_424, %swap3A_425] {strides = array<i32>} : memref<33x1024xf32, #tpu.memory_space<vmem>>, vector<16xf32>,
        tpu.vector_store %arg8[%swap3A_424, %swap3A_425], %gather3A_233 {strides = array<i32>} : memref<33x1024xf32, #tpu.memory_space<vmem>>, vector<16xf32>,
        %mul3A_427 = arith.constant 16 : i32
        %mul3A_428 = arith.muli %scan3A_94, %mul3A_427 : i32
        %swap3A_429 = arith.constant 31 : i32
        %swap3A_430 = arith.index_cast %swap3A_429 : i32 to index
        %swap3A_431 = arith.index_cast %mul3A_428 : i32 to index
        %swap3A_432 = tpu.vector_load %arg8[%swap3A_430, %swap3A_431] {strides = array<i32>} : memref<33x1024xf32, #tpu.memory_space<vmem>>, vector<16xf32>,
        tpu.vector_store %arg8[%swap3A_430, %swap3A_431], %gather3A_237 {strides = array<i32>} : memref<33x1024xf32, #tpu.memory_space<vmem>>, vector<16xf32>,
        %mul3A_433 = arith.constant 16 : i32
        %mul3A_434 = arith.muli %scan3A_94, %mul3A_433 : i32
        %swap3A_435 = arith.constant 32 : i32
        %swap3A_436 = arith.index_cast %swap3A_435 : i32 to index
        %swap3A_437 = arith.index_cast %mul3A_434 : i32 to index
        %swap3A_438 = tpu.vector_load %arg8[%swap3A_436, %swap3A_437] {strides = array<i32>} : memref<33x1024xf32, #tpu.memory_space<vmem>>, vector<16xf32>,
        tpu.vector_store %arg8[%swap3A_436, %swap3A_437], %gather3A_241 {strides = array<i32>} : memref<33x1024xf32, #tpu.memory_space<vmem>>, vector<16xf32>,
        %scan3A_439 = arith.constant 0 : i32
        %scan3A_440 = arith.constant 1 : i32
        %scan3A_441 = arith.addi %scan3A_94, %scan3A_440 : i32
        %mul3A_442 = arith.constant 16 : i32
        %mul3A_443 = arith.muli %scan3A_441, %mul3A_442 : i32
        %get3A_444 = arith.index_cast %add3A_72 : i32 to index
        %get3A_445 = arith.index_cast %mul3A_443 : i32 to index
        %get3A_446 = tpu.vector_load %arg6[%get3A_444, %get3A_445] {strides = array<i32>} : memref<25x1024xi32, #tpu.memory_space<vmem>>, vector<16xi32>,
        %ge3A_447 = arith.constant 0 : i32
        %ge3A_448 = vector.broadcast %ge3A_447 : i32 to vector<16xi32>
        %ge3A_449 = arith.cmpi sge, %get3A_446, %ge3A_448 : vector<16xi32>
        %lt3A_450 = arith.constant 1000 : i32
        %lt3A_451 = vector.broadcast %lt3A_450 : i32 to vector<16xi32>
        %lt3A_452 = arith.cmpi slt, %get3A_446, %lt3A_451 : vector<16xi32>
        %and3A_453 = arith.andi %ge3A_449, %lt3A_452 : vector<16xi1>
        %add3A_454 = arith.constant 1 : i32
        %add3A_455 = vector.broadcast %add3A_454 : i32 to vector<16xi32>
        %add3A_456 = arith.addi %get3A_446, %add3A_455 : vector<16xi32>
        %broadcast_in_dim3A_457 = arith.constant 0 : i32
        %broadcast_in_dim3A_458 = vector.broadcast %broadcast_in_dim3A_457 : i32 to vector<16xi32>
        %select_n3A_459 = arith.select %and3A_453, %add3A_456, %broadcast_in_dim3A_458 : vector<16xi1>, vector<16xi32>
        %mul3A_460 = arith.constant 33 : i32
        %mul3A_461 = vector.broadcast %mul3A_460 : i32 to vector<16xi32>
        %mul3A_462 = arith.muli %select_n3A_459, %mul3A_461 : vector<16xi32>
        %add3A_463 = arith.constant 0 : i32
        %add3A_464 = vector.broadcast %add3A_463 : i32 to vector<16xi32>
        %add3A_465 = arith.addi %mul3A_462, %add3A_464 : vector<16xi32>
        %gather3A_466 = tpu.vector_load_idx %arg5[%add3A_465] : memref<33040xf32, #tpu.memory_space<vmem>>[vector<16xi32>], vector<16xf32>,
        %add3A_467 = arith.constant 1 : i32
        %add3A_468 = vector.broadcast %add3A_467 : i32 to vector<16xi32>
        %add3A_469 = arith.addi %mul3A_462, %add3A_468 : vector<16xi32>
        %gather3A_470 = tpu.vector_load_idx %arg5[%add3A_469] : memref<33040xf32, #tpu.memory_space<vmem>>[vector<16xi32>], vector<16xf32>,
        %add3A_471 = arith.constant 2 : i32
        %add3A_472 = vector.broadcast %add3A_471 : i32 to vector<16xi32>
        %add3A_473 = arith.addi %mul3A_462, %add3A_472 : vector<16xi32>
        %gather3A_474 = tpu.vector_load_idx %arg5[%add3A_473] : memref<33040xf32, #tpu.memory_space<vmem>>[vector<16xi32>], vector<16xf32>,
        %add3A_475 = arith.constant 3 : i32
        %add3A_476 = vector.broadcast %add3A_475 : i32 to vector<16xi32>
        %add3A_477 = arith.addi %mul3A_462, %add3A_476 : vector<16xi32>
        %gather3A_478 = tpu.vector_load_idx %arg5[%add3A_477] : memref<33040xf32, #tpu.memory_space<vmem>>[vector<16xi32>], vector<16xf32>,
        %add3A_479 = arith.constant 4 : i32
        %add3A_480 = vector.broadcast %add3A_479 : i32 to vector<16xi32>
        %add3A_481 = arith.addi %mul3A_462, %add3A_480 : vector<16xi32>
        %gather3A_482 = tpu.vector_load_idx %arg5[%add3A_481] : memref<33040xf32, #tpu.memory_space<vmem>>[vector<16xi32>], vector<16xf32>,
        %add3A_483 = arith.constant 5 : i32
        %add3A_484 = vector.broadcast %add3A_483 : i32 to vector<16xi32>
        %add3A_485 = arith.addi %mul3A_462, %add3A_484 : vector<16xi32>
        %gather3A_486 = tpu.vector_load_idx %arg5[%add3A_485] : memref<33040xf32, #tpu.memory_space<vmem>>[vector<16xi32>], vector<16xf32>,
        %add3A_487 = arith.constant 6 : i32
        %add3A_488 = vector.broadcast %add3A_487 : i32 to vector<16xi32>
        %add3A_489 = arith.addi %mul3A_462, %add3A_488 : vector<16xi32>
        %gather3A_490 = tpu.vector_load_idx %arg5[%add3A_489] : memref<33040xf32, #tpu.memory_space<vmem>>[vector<16xi32>], vector<16xf32>,
        %add3A_491 = arith.constant 7 : i32
        %add3A_492 = vector.broadcast %add3A_491 : i32 to vector<16xi32>
        %add3A_493 = arith.addi %mul3A_462, %add3A_492 : vector<16xi32>
        %gather3A_494 = tpu.vector_load_idx %arg5[%add3A_493] : memref<33040xf32, #tpu.memory_space<vmem>>[vector<16xi32>], vector<16xf32>,
        %add3A_495 = arith.constant 8 : i32
        %add3A_496 = vector.broadcast %add3A_495 : i32 to vector<16xi32>
        %add3A_497 = arith.addi %mul3A_462, %add3A_496 : vector<16xi32>
        %gather3A_498 = tpu.vector_load_idx %arg5[%add3A_497] : memref<33040xf32, #tpu.memory_space<vmem>>[vector<16xi32>], vector<16xf32>,
        %add3A_499 = arith.constant 9 : i32
        %add3A_500 = vector.broadcast %add3A_499 : i32 to vector<16xi32>
        %add3A_501 = arith.addi %mul3A_462, %add3A_500 : vector<16xi32>
        %gather3A_502 = tpu.vector_load_idx %arg5[%add3A_501] : memref<33040xf32, #tpu.memory_space<vmem>>[vector<16xi32>], vector<16xf32>,
        %add3A_503 = arith.constant 10 : i32
        %add3A_504 = vector.broadcast %add3A_503 : i32 to vector<16xi32>
        %add3A_505 = arith.addi %mul3A_462, %add3A_504 : vector<16xi32>
        %gather3A_506 = tpu.vector_load_idx %arg5[%add3A_505] : memref<33040xf32, #tpu.memory_space<vmem>>[vector<16xi32>], vector<16xf32>,
        %add3A_507 = arith.constant 11 : i32
        %add3A_508 = vector.broadcast %add3A_507 : i32 to vector<16xi32>
        %add3A_509 = arith.addi %mul3A_462, %add3A_508 : vector<16xi32>
        %gather3A_510 = tpu.vector_load_idx %arg5[%add3A_509] : memref<33040xf32, #tpu.memory_space<vmem>>[vector<16xi32>], vector<16xf32>,
        %add3A_511 = arith.constant 12 : i32
        %add3A_512 = vector.broadcast %add3A_511 : i32 to vector<16xi32>
        %add3A_513 = arith.addi %mul3A_462, %add3A_512 : vector<16xi32>
        %gather3A_514 = tpu.vector_load_idx %arg5[%add3A_513] : memref<33040xf32, #tpu.memory_space<vmem>>[vector<16xi32>], vector<16xf32>,
        %add3A_515 = arith.constant 13 : i32
        %add3A_516 = vector.broadcast %add3A_515 : i32 to vector<16xi32>
        %add3A_517 = arith.addi %mul3A_462, %add3A_516 : vector<16xi32>
        %gather3A_518 = tpu.vector_load_idx %arg5[%add3A_517] : memref<33040xf32, #tpu.memory_space<vmem>>[vector<16xi32>], vector<16xf32>,
        %add3A_519 = arith.constant 14 : i32
        %add3A_520 = vector.broadcast %add3A_519 : i32 to vector<16xi32>
        %add3A_521 = arith.addi %mul3A_462, %add3A_520 : vector<16xi32>
        %gather3A_522 = tpu.vector_load_idx %arg5[%add3A_521] : memref<33040xf32, #tpu.memory_space<vmem>>[vector<16xi32>], vector<16xf32>,
        %add3A_523 = arith.constant 15 : i32
        %add3A_524 = vector.broadcast %add3A_523 : i32 to vector<16xi32>
        %add3A_525 = arith.addi %mul3A_462, %add3A_524 : vector<16xi32>
        %gather3A_526 = tpu.vector_load_idx %arg5[%add3A_525] : memref<33040xf32, #tpu.memory_space<vmem>>[vector<16xi32>], vector<16xf32>,
        %add3A_527 = arith.constant 16 : i32
        %add3A_528 = vector.broadcast %add3A_527 : i32 to vector<16xi32>
        %add3A_529 = arith.addi %mul3A_462, %add3A_528 : vector<16xi32>
        %gather3A_530 = tpu.vector_load_idx %arg5[%add3A_529] : memref<33040xf32, #tpu.memory_space<vmem>>[vector<16xi32>], vector<16xf32>,
        %add3A_531 = arith.constant 17 : i32
        %add3A_532 = vector.broadcast %add3A_531 : i32 to vector<16xi32>
        %add3A_533 = arith.addi %mul3A_462, %add3A_532 : vector<16xi32>
        %gather3A_534 = tpu.vector_load_idx %arg5[%add3A_533] : memref<33040xf32, #tpu.memory_space<vmem>>[vector<16xi32>], vector<16xf32>,
        %add3A_535 = arith.constant 18 : i32
        %add3A_536 = vector.broadcast %add3A_535 : i32 to vector<16xi32>
        %add3A_537 = arith.addi %mul3A_462, %add3A_536 : vector<16xi32>
        %gather3A_538 = tpu.vector_load_idx %arg5[%add3A_537] : memref<33040xf32, #tpu.memory_space<vmem>>[vector<16xi32>], vector<16xf32>,
        %add3A_539 = arith.constant 19 : i32
        %add3A_540 = vector.broadcast %add3A_539 : i32 to vector<16xi32>
        %add3A_541 = arith.addi %mul3A_462, %add3A_540 : vector<16xi32>
        %gather3A_542 = tpu.vector_load_idx %arg5[%add3A_541] : memref<33040xf32, #tpu.memory_space<vmem>>[vector<16xi32>], vector<16xf32>,
        %add3A_543 = arith.constant 20 : i32
        %add3A_544 = vector.broadcast %add3A_543 : i32 to vector<16xi32>
        %add3A_545 = arith.addi %mul3A_462, %add3A_544 : vector<16xi32>
        %gather3A_546 = tpu.vector_load_idx %arg5[%add3A_545] : memref<33040xf32, #tpu.memory_space<vmem>>[vector<16xi32>], vector<16xf32>,
        %add3A_547 = arith.constant 21 : i32
        %add3A_548 = vector.broadcast %add3A_547 : i32 to vector<16xi32>
        %add3A_549 = arith.addi %mul3A_462, %add3A_548 : vector<16xi32>
        %gather3A_550 = tpu.vector_load_idx %arg5[%add3A_549] : memref<33040xf32, #tpu.memory_space<vmem>>[vector<16xi32>], vector<16xf32>,
        %add3A_551 = arith.constant 22 : i32
        %add3A_552 = vector.broadcast %add3A_551 : i32 to vector<16xi32>
        %add3A_553 = arith.addi %mul3A_462, %add3A_552 : vector<16xi32>
        %gather3A_554 = tpu.vector_load_idx %arg5[%add3A_553] : memref<33040xf32, #tpu.memory_space<vmem>>[vector<16xi32>], vector<16xf32>,
        %add3A_555 = arith.constant 23 : i32
        %add3A_556 = vector.broadcast %add3A_555 : i32 to vector<16xi32>
        %add3A_557 = arith.addi %mul3A_462, %add3A_556 : vector<16xi32>
        %gather3A_558 = tpu.vector_load_idx %arg5[%add3A_557] : memref<33040xf32, #tpu.memory_space<vmem>>[vector<16xi32>], vector<16xf32>,
        %add3A_559 = arith.constant 24 : i32
        %add3A_560 = vector.broadcast %add3A_559 : i32 to vector<16xi32>
        %add3A_561 = arith.addi %mul3A_462, %add3A_560 : vector<16xi32>
        %gather3A_562 = tpu.vector_load_idx %arg5[%add3A_561] : memref<33040xf32, #tpu.memory_space<vmem>>[vector<16xi32>], vector<16xf32>,
        %add3A_563 = arith.constant 25 : i32
        %add3A_564 = vector.broadcast %add3A_563 : i32 to vector<16xi32>
        %add3A_565 = arith.addi %mul3A_462, %add3A_564 : vector<16xi32>
        %gather3A_566 = tpu.vector_load_idx %arg5[%add3A_565] : memref<33040xf32, #tpu.memory_space<vmem>>[vector<16xi32>], vector<16xf32>,
        %add3A_567 = arith.constant 26 : i32
        %add3A_568 = vector.broadcast %add3A_567 : i32 to vector<16xi32>
        %add3A_569 = arith.addi %mul3A_462, %add3A_568 : vector<16xi32>
        %gather3A_570 = tpu.vector_load_idx %arg5[%add3A_569] : memref<33040xf32, #tpu.memory_space<vmem>>[vector<16xi32>], vector<16xf32>,
        %add3A_571 = arith.constant 27 : i32
        %add3A_572 = vector.broadcast %add3A_571 : i32 to vector<16xi32>
        %add3A_573 = arith.addi %mul3A_462, %add3A_572 : vector<16xi32>
        %gather3A_574 = tpu.vector_load_idx %arg5[%add3A_573] : memref<33040xf32, #tpu.memory_space<vmem>>[vector<16xi32>], vector<16xf32>,
        %add3A_575 = arith.constant 28 : i32
        %add3A_576 = vector.broadcast %add3A_575 : i32 to vector<16xi32>
        %add3A_577 = arith.addi %mul3A_462, %add3A_576 : vector<16xi32>
        %gather3A_578 = tpu.vector_load_idx %arg5[%add3A_577] : memref<33040xf32, #tpu.memory_space<vmem>>[vector<16xi32>], vector<16xf32>,
        %add3A_579 = arith.constant 29 : i32
        %add3A_580 = vector.broadcast %add3A_579 : i32 to vector<16xi32>
        %add3A_581 = arith.addi %mul3A_462, %add3A_580 : vector<16xi32>
        %gather3A_582 = tpu.vector_load_idx %arg5[%add3A_581] : memref<33040xf32, #tpu.memory_space<vmem>>[vector<16xi32>], vector<16xf32>,
        %add3A_583 = arith.constant 30 : i32
        %add3A_584 = vector.broadcast %add3A_583 : i32 to vector<16xi32>
        %add3A_585 = arith.addi %mul3A_462, %add3A_584 : vector<16xi32>
        %gather3A_586 = tpu.vector_load_idx %arg5[%add3A_585] : memref<33040xf32, #tpu.memory_space<vmem>>[vector<16xi32>], vector<16xf32>,
        %add3A_587 = arith.constant 31 : i32
        %add3A_588 = vector.broadcast %add3A_587 : i32 to vector<16xi32>
        %add3A_589 = arith.addi %mul3A_462, %add3A_588 : vector<16xi32>
        %gather3A_590 = tpu.vector_load_idx %arg5[%add3A_589] : memref<33040xf32, #tpu.memory_space<vmem>>[vector<16xi32>], vector<16xf32>,
        %add3A_591 = arith.constant 32 : i32
        %add3A_592 = vector.broadcast %add3A_591 : i32 to vector<16xi32>
        %add3A_593 = arith.addi %mul3A_462, %add3A_592 : vector<16xi32>
        %gather3A_594 = tpu.vector_load_idx %arg5[%add3A_593] : memref<33040xf32, #tpu.memory_space<vmem>>[vector<16xi32>], vector<16xf32>,
        %mul3A_595 = arith.constant 16 : i32
        %mul3A_596 = arith.muli %scan3A_441, %mul3A_595 : i32
        %swap3A_597 = arith.constant 0 : i32
        %swap3A_598 = arith.index_cast %swap3A_597 : i32 to index
        %swap3A_599 = arith.index_cast %mul3A_596 : i32 to index
        %swap3A_600 = tpu.vector_load %arg8[%swap3A_598, %swap3A_599] {strides = array<i32>} : memref<33x1024xf32, #tpu.memory_space<vmem>>, vector<16xf32>,
        tpu.vector_store %arg8[%swap3A_598, %swap3A_599], %gather3A_466 {strides = array<i32>} : memref<33x1024xf32, #tpu.memory_space<vmem>>, vector<16xf32>,
        %mul3A_601 = arith.constant 16 : i32
        %mul3A_602 = arith.muli %scan3A_441, %mul3A_601 : i32
        %swap3A_603 = arith.constant 1 : i32
        %swap3A_604 = arith.index_cast %swap3A_603 : i32 to index
        %swap3A_605 = arith.index_cast %mul3A_602 : i32 to index
        %swap3A_606 = tpu.vector_load %arg8[%swap3A_604, %swap3A_605] {strides = array<i32>} : memref<33x1024xf32, #tpu.memory_space<vmem>>, vector<16xf32>,
        tpu.vector_store %arg8[%swap3A_604, %swap3A_605], %gather3A_470 {strides = array<i32>} : memref<33x1024xf32, #tpu.memory_space<vmem>>, vector<16xf32>,
        %mul3A_607 = arith.constant 16 : i32
        %mul3A_608 = arith.muli %scan3A_441, %mul3A_607 : i32
        %swap3A_609 = arith.constant 2 : i32
        %swap3A_610 = arith.index_cast %swap3A_609 : i32 to index
        %swap3A_611 = arith.index_cast %mul3A_608 : i32 to index
        %swap3A_612 = tpu.vector_load %arg8[%swap3A_610, %swap3A_611] {strides = array<i32>} : memref<33x1024xf32, #tpu.memory_space<vmem>>, vector<16xf32>,
        tpu.vector_store %arg8[%swap3A_610, %swap3A_611], %gather3A_474 {strides = array<i32>} : memref<33x1024xf32, #tpu.memory_space<vmem>>, vector<16xf32>,
        %mul3A_613 = arith.constant 16 : i32
        %mul3A_614 = arith.muli %scan3A_441, %mul3A_613 : i32
        %swap3A_615 = arith.constant 3 : i32
        %swap3A_616 = arith.index_cast %swap3A_615 : i32 to index
        %swap3A_617 = arith.index_cast %mul3A_614 : i32 to index
        %swap3A_618 = tpu.vector_load %arg8[%swap3A_616, %swap3A_617] {strides = array<i32>} : memref<33x1024xf32, #tpu.memory_space<vmem>>, vector<16xf32>,
        tpu.vector_store %arg8[%swap3A_616, %swap3A_617], %gather3A_478 {strides = array<i32>} : memref<33x1024xf32, #tpu.memory_space<vmem>>, vector<16xf32>,
        %mul3A_619 = arith.constant 16 : i32
        %mul3A_620 = arith.muli %scan3A_441, %mul3A_619 : i32
        %swap3A_621 = arith.constant 4 : i32
        %swap3A_622 = arith.index_cast %swap3A_621 : i32 to index
        %swap3A_623 = arith.index_cast %mul3A_620 : i32 to index
        %swap3A_624 = tpu.vector_load %arg8[%swap3A_622, %swap3A_623] {strides = array<i32>} : memref<33x1024xf32, #tpu.memory_space<vmem>>, vector<16xf32>,
        tpu.vector_store %arg8[%swap3A_622, %swap3A_623], %gather3A_482 {strides = array<i32>} : memref<33x1024xf32, #tpu.memory_space<vmem>>, vector<16xf32>,
        %mul3A_625 = arith.constant 16 : i32
        %mul3A_626 = arith.muli %scan3A_441, %mul3A_625 : i32
        %swap3A_627 = arith.constant 5 : i32
        %swap3A_628 = arith.index_cast %swap3A_627 : i32 to index
        %swap3A_629 = arith.index_cast %mul3A_626 : i32 to index
        %swap3A_630 = tpu.vector_load %arg8[%swap3A_628, %swap3A_629] {strides = array<i32>} : memref<33x1024xf32, #tpu.memory_space<vmem>>, vector<16xf32>,
        tpu.vector_store %arg8[%swap3A_628, %swap3A_629], %gather3A_486 {strides = array<i32>} : memref<33x1024xf32, #tpu.memory_space<vmem>>, vector<16xf32>,
        %mul3A_631 = arith.constant 16 : i32
        %mul3A_632 = arith.muli %scan3A_441, %mul3A_631 : i32
        %swap3A_633 = arith.constant 6 : i32
        %swap3A_634 = arith.index_cast %swap3A_633 : i32 to index
        %swap3A_635 = arith.index_cast %mul3A_632 : i32 to index
        %swap3A_636 = tpu.vector_load %arg8[%swap3A_634, %swap3A_635] {strides = array<i32>} : memref<33x1024xf32, #tpu.memory_space<vmem>>, vector<16xf32>,
        tpu.vector_store %arg8[%swap3A_634, %swap3A_635], %gather3A_490 {strides = array<i32>} : memref<33x1024xf32, #tpu.memory_space<vmem>>, vector<16xf32>,
        %mul3A_637 = arith.constant 16 : i32
        %mul3A_638 = arith.muli %scan3A_441, %mul3A_637 : i32
        %swap3A_639 = arith.constant 7 : i32
        %swap3A_640 = arith.index_cast %swap3A_639 : i32 to index
        %swap3A_641 = arith.index_cast %mul3A_638 : i32 to index
        %swap3A_642 = tpu.vector_load %arg8[%swap3A_640, %swap3A_641] {strides = array<i32>} : memref<33x1024xf32, #tpu.memory_space<vmem>>, vector<16xf32>,
        tpu.vector_store %arg8[%swap3A_640, %swap3A_641], %gather3A_494 {strides = array<i32>} : memref<33x1024xf32, #tpu.memory_space<vmem>>, vector<16xf32>,
        %mul3A_643 = arith.constant 16 : i32
        %mul3A_644 = arith.muli %scan3A_441, %mul3A_643 : i32
        %swap3A_645 = arith.constant 8 : i32
        %swap3A_646 = arith.index_cast %swap3A_645 : i32 to index
        %swap3A_647 = arith.index_cast %mul3A_644 : i32 to index
        %swap3A_648 = tpu.vector_load %arg8[%swap3A_646, %swap3A_647] {strides = array<i32>} : memref<33x1024xf32, #tpu.memory_space<vmem>>, vector<16xf32>,
        tpu.vector_store %arg8[%swap3A_646, %swap3A_647], %gather3A_498 {strides = array<i32>} : memref<33x1024xf32, #tpu.memory_space<vmem>>, vector<16xf32>,
        %mul3A_649 = arith.constant 16 : i32
        %mul3A_650 = arith.muli %scan3A_441, %mul3A_649 : i32
        %swap3A_651 = arith.constant 9 : i32
        %swap3A_652 = arith.index_cast %swap3A_651 : i32 to index
        %swap3A_653 = arith.index_cast %mul3A_650 : i32 to index
        %swap3A_654 = tpu.vector_load %arg8[%swap3A_652, %swap3A_653] {strides = array<i32>} : memref<33x1024xf32, #tpu.memory_space<vmem>>, vector<16xf32>,
        tpu.vector_store %arg8[%swap3A_652, %swap3A_653], %gather3A_502 {strides = array<i32>} : memref<33x1024xf32, #tpu.memory_space<vmem>>, vector<16xf32>,
        %mul3A_655 = arith.constant 16 : i32
        %mul3A_656 = arith.muli %scan3A_441, %mul3A_655 : i32
        %swap3A_657 = arith.constant 10 : i32
        %swap3A_658 = arith.index_cast %swap3A_657 : i32 to index
        %swap3A_659 = arith.index_cast %mul3A_656 : i32 to index
        %swap3A_660 = tpu.vector_load %arg8[%swap3A_658, %swap3A_659] {strides = array<i32>} : memref<33x1024xf32, #tpu.memory_space<vmem>>, vector<16xf32>,
        tpu.vector_store %arg8[%swap3A_658, %swap3A_659], %gather3A_506 {strides = array<i32>} : memref<33x1024xf32, #tpu.memory_space<vmem>>, vector<16xf32>,
        %mul3A_661 = arith.constant 16 : i32
        %mul3A_662 = arith.muli %scan3A_441, %mul3A_661 : i32
        %swap3A_663 = arith.constant 11 : i32
        %swap3A_664 = arith.index_cast %swap3A_663 : i32 to index
        %swap3A_665 = arith.index_cast %mul3A_662 : i32 to index
        %swap3A_666 = tpu.vector_load %arg8[%swap3A_664, %swap3A_665] {strides = array<i32>} : memref<33x1024xf32, #tpu.memory_space<vmem>>, vector<16xf32>,
        tpu.vector_store %arg8[%swap3A_664, %swap3A_665], %gather3A_510 {strides = array<i32>} : memref<33x1024xf32, #tpu.memory_space<vmem>>, vector<16xf32>,
        %mul3A_667 = arith.constant 16 : i32
        %mul3A_668 = arith.muli %scan3A_441, %mul3A_667 : i32
        %swap3A_669 = arith.constant 12 : i32
        %swap3A_670 = arith.index_cast %swap3A_669 : i32 to index
        %swap3A_671 = arith.index_cast %mul3A_668 : i32 to index
        %swap3A_672 = tpu.vector_load %arg8[%swap3A_670, %swap3A_671] {strides = array<i32>} : memref<33x1024xf32, #tpu.memory_space<vmem>>, vector<16xf32>,
        tpu.vector_store %arg8[%swap3A_670, %swap3A_671], %gather3A_514 {strides = array<i32>} : memref<33x1024xf32, #tpu.memory_space<vmem>>, vector<16xf32>,
        %mul3A_673 = arith.constant 16 : i32
        %mul3A_674 = arith.muli %scan3A_441, %mul3A_673 : i32
        %swap3A_675 = arith.constant 13 : i32
        %swap3A_676 = arith.index_cast %swap3A_675 : i32 to index
        %swap3A_677 = arith.index_cast %mul3A_674 : i32 to index
        %swap3A_678 = tpu.vector_load %arg8[%swap3A_676, %swap3A_677] {strides = array<i32>} : memref<33x1024xf32, #tpu.memory_space<vmem>>, vector<16xf32>,
        tpu.vector_store %arg8[%swap3A_676, %swap3A_677], %gather3A_518 {strides = array<i32>} : memref<33x1024xf32, #tpu.memory_space<vmem>>, vector<16xf32>,
        %mul3A_679 = arith.constant 16 : i32
        %mul3A_680 = arith.muli %scan3A_441, %mul3A_679 : i32
        %swap3A_681 = arith.constant 14 : i32
        %swap3A_682 = arith.index_cast %swap3A_681 : i32 to index
        %swap3A_683 = arith.index_cast %mul3A_680 : i32 to index
        %swap3A_684 = tpu.vector_load %arg8[%swap3A_682, %swap3A_683] {strides = array<i32>} : memref<33x1024xf32, #tpu.memory_space<vmem>>, vector<16xf32>,
        tpu.vector_store %arg8[%swap3A_682, %swap3A_683], %gather3A_522 {strides = array<i32>} : memref<33x1024xf32, #tpu.memory_space<vmem>>, vector<16xf32>,
        %mul3A_685 = arith.constant 16 : i32
        %mul3A_686 = arith.muli %scan3A_441, %mul3A_685 : i32
        %swap3A_687 = arith.constant 15 : i32
        %swap3A_688 = arith.index_cast %swap3A_687 : i32 to index
        %swap3A_689 = arith.index_cast %mul3A_686 : i32 to index
        %swap3A_690 = tpu.vector_load %arg8[%swap3A_688, %swap3A_689] {strides = array<i32>} : memref<33x1024xf32, #tpu.memory_space<vmem>>, vector<16xf32>,
        tpu.vector_store %arg8[%swap3A_688, %swap3A_689], %gather3A_526 {strides = array<i32>} : memref<33x1024xf32, #tpu.memory_space<vmem>>, vector<16xf32>,
        %mul3A_691 = arith.constant 16 : i32
        %mul3A_692 = arith.muli %scan3A_441, %mul3A_691 : i32
        %swap3A_693 = arith.constant 16 : i32
        %swap3A_694 = arith.index_cast %swap3A_693 : i32 to index
        %swap3A_695 = arith.index_cast %mul3A_692 : i32 to index
        %swap3A_696 = tpu.vector_load %arg8[%swap3A_694, %swap3A_695] {strides = array<i32>} : memref<33x1024xf32, #tpu.memory_space<vmem>>, vector<16xf32>,
        tpu.vector_store %arg8[%swap3A_694, %swap3A_695], %gather3A_530 {strides = array<i32>} : memref<33x1024xf32, #tpu.memory_space<vmem>>, vector<16xf32>,
        %mul3A_697 = arith.constant 16 : i32
        %mul3A_698 = arith.muli %scan3A_441, %mul3A_697 : i32
        %swap3A_699 = arith.constant 17 : i32
        %swap3A_700 = arith.index_cast %swap3A_699 : i32 to index
        %swap3A_701 = arith.index_cast %mul3A_698 : i32 to index
        %swap3A_702 = tpu.vector_load %arg8[%swap3A_700, %swap3A_701] {strides = array<i32>} : memref<33x1024xf32, #tpu.memory_space<vmem>>, vector<16xf32>,
        tpu.vector_store %arg8[%swap3A_700, %swap3A_701], %gather3A_534 {strides = array<i32>} : memref<33x1024xf32, #tpu.memory_space<vmem>>, vector<16xf32>,
        %mul3A_703 = arith.constant 16 : i32
        %mul3A_704 = arith.muli %scan3A_441, %mul3A_703 : i32
        %swap3A_705 = arith.constant 18 : i32
        %swap3A_706 = arith.index_cast %swap3A_705 : i32 to index
        %swap3A_707 = arith.index_cast %mul3A_704 : i32 to index
        %swap3A_708 = tpu.vector_load %arg8[%swap3A_706, %swap3A_707] {strides = array<i32>} : memref<33x1024xf32, #tpu.memory_space<vmem>>, vector<16xf32>,
        tpu.vector_store %arg8[%swap3A_706, %swap3A_707], %gather3A_538 {strides = array<i32>} : memref<33x1024xf32, #tpu.memory_space<vmem>>, vector<16xf32>,
        %mul3A_709 = arith.constant 16 : i32
        %mul3A_710 = arith.muli %scan3A_441, %mul3A_709 : i32
        %swap3A_711 = arith.constant 19 : i32
        %swap3A_712 = arith.index_cast %swap3A_711 : i32 to index
        %swap3A_713 = arith.index_cast %mul3A_710 : i32 to index
        %swap3A_714 = tpu.vector_load %arg8[%swap3A_712, %swap3A_713] {strides = array<i32>} : memref<33x1024xf32, #tpu.memory_space<vmem>>, vector<16xf32>,
        tpu.vector_store %arg8[%swap3A_712, %swap3A_713], %gather3A_542 {strides = array<i32>} : memref<33x1024xf32, #tpu.memory_space<vmem>>, vector<16xf32>,
        %mul3A_715 = arith.constant 16 : i32
        %mul3A_716 = arith.muli %scan3A_441, %mul3A_715 : i32
        %swap3A_717 = arith.constant 20 : i32
        %swap3A_718 = arith.index_cast %swap3A_717 : i32 to index
        %swap3A_719 = arith.index_cast %mul3A_716 : i32 to index
        %swap3A_720 = tpu.vector_load %arg8[%swap3A_718, %swap3A_719] {strides = array<i32>} : memref<33x1024xf32, #tpu.memory_space<vmem>>, vector<16xf32>,
        tpu.vector_store %arg8[%swap3A_718, %swap3A_719], %gather3A_546 {strides = array<i32>} : memref<33x1024xf32, #tpu.memory_space<vmem>>, vector<16xf32>,
        %mul3A_721 = arith.constant 16 : i32
        %mul3A_722 = arith.muli %scan3A_441, %mul3A_721 : i32
        %swap3A_723 = arith.constant 21 : i32
        %swap3A_724 = arith.index_cast %swap3A_723 : i32 to index
        %swap3A_725 = arith.index_cast %mul3A_722 : i32 to index
        %swap3A_726 = tpu.vector_load %arg8[%swap3A_724, %swap3A_725] {strides = array<i32>} : memref<33x1024xf32, #tpu.memory_space<vmem>>, vector<16xf32>,
        tpu.vector_store %arg8[%swap3A_724, %swap3A_725], %gather3A_550 {strides = array<i32>} : memref<33x1024xf32, #tpu.memory_space<vmem>>, vector<16xf32>,
        %mul3A_727 = arith.constant 16 : i32
        %mul3A_728 = arith.muli %scan3A_441, %mul3A_727 : i32
        %swap3A_729 = arith.constant 22 : i32
        %swap3A_730 = arith.index_cast %swap3A_729 : i32 to index
        %swap3A_731 = arith.index_cast %mul3A_728 : i32 to index
        %swap3A_732 = tpu.vector_load %arg8[%swap3A_730, %swap3A_731] {strides = array<i32>} : memref<33x1024xf32, #tpu.memory_space<vmem>>, vector<16xf32>,
        tpu.vector_store %arg8[%swap3A_730, %swap3A_731], %gather3A_554 {strides = array<i32>} : memref<33x1024xf32, #tpu.memory_space<vmem>>, vector<16xf32>,
        %mul3A_733 = arith.constant 16 : i32
        %mul3A_734 = arith.muli %scan3A_441, %mul3A_733 : i32
        %swap3A_735 = arith.constant 23 : i32
        %swap3A_736 = arith.index_cast %swap3A_735 : i32 to index
        %swap3A_737 = arith.index_cast %mul3A_734 : i32 to index
        %swap3A_738 = tpu.vector_load %arg8[%swap3A_736, %swap3A_737] {strides = array<i32>} : memref<33x1024xf32, #tpu.memory_space<vmem>>, vector<16xf32>,
        tpu.vector_store %arg8[%swap3A_736, %swap3A_737], %gather3A_558 {strides = array<i32>} : memref<33x1024xf32, #tpu.memory_space<vmem>>, vector<16xf32>,
        %mul3A_739 = arith.constant 16 : i32
        %mul3A_740 = arith.muli %scan3A_441, %mul3A_739 : i32
        %swap3A_741 = arith.constant 24 : i32
        %swap3A_742 = arith.index_cast %swap3A_741 : i32 to index
        %swap3A_743 = arith.index_cast %mul3A_740 : i32 to index
        %swap3A_744 = tpu.vector_load %arg8[%swap3A_742, %swap3A_743] {strides = array<i32>} : memref<33x1024xf32, #tpu.memory_space<vmem>>, vector<16xf32>,
        tpu.vector_store %arg8[%swap3A_742, %swap3A_743], %gather3A_562 {strides = array<i32>} : memref<33x1024xf32, #tpu.memory_space<vmem>>, vector<16xf32>,
        %mul3A_745 = arith.constant 16 : i32
        %mul3A_746 = arith.muli %scan3A_441, %mul3A_745 : i32
        %swap3A_747 = arith.constant 25 : i32
        %swap3A_748 = arith.index_cast %swap3A_747 : i32 to index
        %swap3A_749 = arith.index_cast %mul3A_746 : i32 to index
        %swap3A_750 = tpu.vector_load %arg8[%swap3A_748, %swap3A_749] {strides = array<i32>} : memref<33x1024xf32, #tpu.memory_space<vmem>>, vector<16xf32>,
        tpu.vector_store %arg8[%swap3A_748, %swap3A_749], %gather3A_566 {strides = array<i32>} : memref<33x1024xf32, #tpu.memory_space<vmem>>, vector<16xf32>,
        %mul3A_751 = arith.constant 16 : i32
        %mul3A_752 = arith.muli %scan3A_441, %mul3A_751 : i32
        %swap3A_753 = arith.constant 26 : i32
        %swap3A_754 = arith.index_cast %swap3A_753 : i32 to index
        %swap3A_755 = arith.index_cast %mul3A_752 : i32 to index
        %swap3A_756 = tpu.vector_load %arg8[%swap3A_754, %swap3A_755] {strides = array<i32>} : memref<33x1024xf32, #tpu.memory_space<vmem>>, vector<16xf32>,
        tpu.vector_store %arg8[%swap3A_754, %swap3A_755], %gather3A_570 {strides = array<i32>} : memref<33x1024xf32, #tpu.memory_space<vmem>>, vector<16xf32>,
        %mul3A_757 = arith.constant 16 : i32
        %mul3A_758 = arith.muli %scan3A_441, %mul3A_757 : i32
        %swap3A_759 = arith.constant 27 : i32
        %swap3A_760 = arith.index_cast %swap3A_759 : i32 to index
        %swap3A_761 = arith.index_cast %mul3A_758 : i32 to index
        %swap3A_762 = tpu.vector_load %arg8[%swap3A_760, %swap3A_761] {strides = array<i32>} : memref<33x1024xf32, #tpu.memory_space<vmem>>, vector<16xf32>,
        tpu.vector_store %arg8[%swap3A_760, %swap3A_761], %gather3A_574 {strides = array<i32>} : memref<33x1024xf32, #tpu.memory_space<vmem>>, vector<16xf32>,
        %mul3A_763 = arith.constant 16 : i32
        %mul3A_764 = arith.muli %scan3A_441, %mul3A_763 : i32
        %swap3A_765 = arith.constant 28 : i32
        %swap3A_766 = arith.index_cast %swap3A_765 : i32 to index
        %swap3A_767 = arith.index_cast %mul3A_764 : i32 to index
        %swap3A_768 = tpu.vector_load %arg8[%swap3A_766, %swap3A_767] {strides = array<i32>} : memref<33x1024xf32, #tpu.memory_space<vmem>>, vector<16xf32>,
        tpu.vector_store %arg8[%swap3A_766, %swap3A_767], %gather3A_578 {strides = array<i32>} : memref<33x1024xf32, #tpu.memory_space<vmem>>, vector<16xf32>,
        %mul3A_769 = arith.constant 16 : i32
        %mul3A_770 = arith.muli %scan3A_441, %mul3A_769 : i32
        %swap3A_771 = arith.constant 29 : i32
        %swap3A_772 = arith.index_cast %swap3A_771 : i32 to index
        %swap3A_773 = arith.index_cast %mul3A_770 : i32 to index
        %swap3A_774 = tpu.vector_load %arg8[%swap3A_772, %swap3A_773] {strides = array<i32>} : memref<33x1024xf32, #tpu.memory_space<vmem>>, vector<16xf32>,
        tpu.vector_store %arg8[%swap3A_772, %swap3A_773], %gather3A_582 {strides = array<i32>} : memref<33x1024xf32, #tpu.memory_space<vmem>>, vector<16xf32>,
        %mul3A_775 = arith.constant 16 : i32
        %mul3A_776 = arith.muli %scan3A_441, %mul3A_775 : i32
        %swap3A_777 = arith.constant 30 : i32
        %swap3A_778 = arith.index_cast %swap3A_777 : i32 to index
        %swap3A_779 = arith.index_cast %mul3A_776 : i32 to index
        %swap3A_780 = tpu.vector_load %arg8[%swap3A_778, %swap3A_779] {strides = array<i32>} : memref<33x1024xf32, #tpu.memory_space<vmem>>, vector<16xf32>,
        tpu.vector_store %arg8[%swap3A_778, %swap3A_779], %gather3A_586 {strides = array<i32>} : memref<33x1024xf32, #tpu.memory_space<vmem>>, vector<16xf32>,
        %mul3A_781 = arith.constant 16 : i32
        %mul3A_782 = arith.muli %scan3A_441, %mul3A_781 : i32
        %swap3A_783 = arith.constant 31 : i32
        %swap3A_784 = arith.index_cast %swap3A_783 : i32 to index
        %swap3A_785 = arith.index_cast %mul3A_782 : i32 to index
        %swap3A_786 = tpu.vector_load %arg8[%swap3A_784, %swap3A_785] {strides = array<i32>} : memref<33x1024xf32, #tpu.memory_space<vmem>>, vector<16xf32>,
        tpu.vector_store %arg8[%swap3A_784, %swap3A_785], %gather3A_590 {strides = array<i32>} : memref<33x1024xf32, #tpu.memory_space<vmem>>, vector<16xf32>,
        %mul3A_787 = arith.constant 16 : i32
        %mul3A_788 = arith.muli %scan3A_441, %mul3A_787 : i32
        %swap3A_789 = arith.constant 32 : i32
        %swap3A_790 = arith.index_cast %swap3A_789 : i32 to index
        %swap3A_791 = arith.index_cast %mul3A_788 : i32 to index
        %swap3A_792 = tpu.vector_load %arg8[%swap3A_790, %swap3A_791] {strides = array<i32>} : memref<33x1024xf32, #tpu.memory_space<vmem>>, vector<16xf32>,
        tpu.vector_store %arg8[%swap3A_790, %swap3A_791], %gather3A_594 {strides = array<i32>} : memref<33x1024xf32, #tpu.memory_space<vmem>>, vector<16xf32>,
        %scan3A_793 = arith.constant 0 : i32
        scf.yield %scan3A_793 : i32
      }
      %scan3A_79 = arith.constant 64 : i32
      %mul3A_80 = arith.constant 2 : i32
      %mul3A_81 = arith.muli %mul3A_80, %scan3A_40 : i32
      %add3A_82 = arith.constant 1 : i32
      %add3A_83 = arith.addi %mul3A_81, %add3A_82 : i32
      %mul3A_84 = arith.constant 32 : i32
      %mul3A_85 = arith.muli %add3A_83, %mul3A_84 : i32
      %add3A_86 = arith.addi %mul3A_85, %add3A : i32
      %mul3A_87 = arith.constant 1024 : i32
      %mul3A_88 = arith.muli %add3A_86, %mul3A_87 : i32
      %dma_start3A_89 = arith.constant 0 : i32
      %dma_start3A_90 = tpu.memref_slice %arg4[%dma_start3A_89, %mul3A_88] : memref<33x819200xf32, #tpu.memory_space<hbm>> -> memref<33x1024xf32, #tpu.memory_space<hbm>>
      %dma_start3A_91 = arith.constant 0 : i32
      %dma_start3A_92 = tpu.memref_slice %arg4[%dma_start3A_91, %mul3A_88] : memref<33x819200xf32, #tpu.memory_space<hbm>> -> memref<33x1024xf32, #tpu.memory_space<hbm>>
      tpu.enqueue_dma source(%arg8 : memref<33x1024xf32, #tpu.memory_space<vmem>>) target(%dma_start3A_92 : memref<33x1024xf32, #tpu.memory_space<hbm>>) target_semaphore(%arg10 : memref<!tpu.dma_semaphore, #tpu.memory_space<semaphore_mem>>)
      %scan3A_93 = arith.constant 0 : i32
      scf.yield %scan3A_93 : i32
    }
    %scan3A_8 = arith.constant 12 : i32
    %dma_wait3A = arith.constant 0 : i32
    %dma_wait3A_9 = arith.constant 0 : i32
    %dma_wait3A_10 = tpu.memref_slice %arg4[%dma_wait3A, %dma_wait3A_9] : memref<33x819200xf32, #tpu.memory_space<hbm>> -> memref<33x1024xf32, #tpu.memory_space<hbm>>
    %dma_wait3A_11 = arith.constant 0 : i32
    %dma_wait3A_12 = arith.constant 0 : i32
    %dma_wait3A_13 = tpu.memref_slice %arg4[%dma_wait3A_11, %dma_wait3A_12] : memref<33x819200xf32, #tpu.memory_space<hbm>> -> memref<33x1024xf32, #tpu.memory_space<hbm>>
    tpu.wait_dma2 semaphore(%arg9 : memref<!tpu.dma_semaphore, #tpu.memory_space<semaphore_mem>>) src(%dma_wait3A_13 : memref<33x1024xf32, #tpu.memory_space<hbm>>) dst(%arg7 : memref<33x1024xf32, #tpu.memory_space<vmem>>)
    %scan3A_14 = arith.constant 0 : i32
    %scan3A_15 = arith.constant 0 : i32
    %scan3A_16 = arith.constant 64 : i32
    %scan3A_17 = arith.addi %scan3A_15, %scan3A_16 : i32
    %scan3A_18 = arith.constant 2 : i32
    %scan3A_19 = scf.for %scan3A_40 = %scan3A_15 to %scan3A_17 step %scan3A_18 iter_args(%scan3A_41 = %scan3A_14) -> (i32)  : i32 {
      %mul3A_42 = arith.constant 16 : i32
      %mul3A_43 = arith.muli %scan3A_40, %mul3A_42 : i32
      %get3A = arith.constant 24 : i32
      %get3A_44 = arith.index_cast %get3A : i32 to index
      %get3A_45 = arith.index_cast %mul3A_43 : i32 to index
      %get3A_46 = tpu.vector_load %arg6[%get3A_44, %get3A_45] {strides = array<i32>} : memref<25x1024xi32, #tpu.memory_space<vmem>>, vector<16xi32>,
      %ge3A = arith.constant 0 : i32
      %ge3A_47 = vector.broadcast %ge3A : i32 to vector<16xi32>
      %ge3A_48 = arith.cmpi sge, %get3A_46, %ge3A_47 : vector<16xi32>
      %lt3A = arith.constant 1000 : i32
      %lt3A_49 = vector.broadcast %lt3A : i32 to vector<16xi32>
      %lt3A_50 = arith.cmpi slt, %get3A_46, %lt3A_49 : vector<16xi32>
      %and3A = arith.andi %ge3A_48, %lt3A_50 : vector<16xi1>
      %add3A_51 = arith.constant 1 : i32
      %add3A_52 = vector.broadcast %add3A_51 : i32 to vector<16xi32>
      %add3A_53 = arith.addi %get3A_46, %add3A_52 : vector<16xi32>
      %broadcast_in_dim3A = arith.constant 0 : i32
      %broadcast_in_dim3A_54 = vector.broadcast %broadcast_in_dim3A : i32 to vector<16xi32>
      %select_n3A = arith.select %and3A, %add3A_53, %broadcast_in_dim3A_54 : vector<16xi1>, vector<16xi32>
      %mul3A_55 = arith.constant 33 : i32
      %mul3A_56 = vector.broadcast %mul3A_55 : i32 to vector<16xi32>
      %mul3A_57 = arith.muli %select_n3A, %mul3A_56 : vector<16xi32>
      %add3A_58 = arith.constant 0 : i32
      %add3A_59 = vector.broadcast %add3A_58 : i32 to vector<16xi32>
      %add3A_60 = arith.addi %mul3A_57, %add3A_59 : vector<16xi32>
      %gather3A = tpu.vector_load_idx %arg5[%add3A_60] : memref<33040xf32, #tpu.memory_space<vmem>>[vector<16xi32>], vector<16xf32>,
      %add3A_61 = arith.constant 1 : i32
      %add3A_62 = vector.broadcast %add3A_61 : i32 to vector<16xi32>
      %add3A_63 = arith.addi %mul3A_57, %add3A_62 : vector<16xi32>
      %gather3A_64 = tpu.vector_load_idx %arg5[%add3A_63] : memref<33040xf32, #tpu.memory_space<vmem>>[vector<16xi32>], vector<16xf32>,
      %add3A_65 = arith.constant 2 : i32
      %add3A_66 = vector.broadcast %add3A_65 : i32 to vector<16xi32>
      %add3A_67 = arith.addi %mul3A_57, %add3A_66 : vector<16xi32>
      %gather3A_68 = tpu.vector_load_idx %arg5[%add3A_67] : memref<33040xf32, #tpu.memory_space<vmem>>[vector<16xi32>], vector<16xf32>,
      %add3A_69 = arith.constant 3 : i32
      %add3A_70 = vector.broadcast %add3A_69 : i32 to vector<16xi32>
      %add3A_71 = arith.addi %mul3A_57, %add3A_70 : vector<16xi32>
      %gather3A_72 = tpu.vector_load_idx %arg5[%add3A_71] : memref<33040xf32, #tpu.memory_space<vmem>>[vector<16xi32>], vector<16xf32>,
      %add3A_73 = arith.constant 4 : i32
      %add3A_74 = vector.broadcast %add3A_73 : i32 to vector<16xi32>
      %add3A_75 = arith.addi %mul3A_57, %add3A_74 : vector<16xi32>
      %gather3A_76 = tpu.vector_load_idx %arg5[%add3A_75] : memref<33040xf32, #tpu.memory_space<vmem>>[vector<16xi32>], vector<16xf32>,
      %add3A_77 = arith.constant 5 : i32
      %add3A_78 = vector.broadcast %add3A_77 : i32 to vector<16xi32>
      %add3A_79 = arith.addi %mul3A_57, %add3A_78 : vector<16xi32>
      %gather3A_80 = tpu.vector_load_idx %arg5[%add3A_79] : memref<33040xf32, #tpu.memory_space<vmem>>[vector<16xi32>], vector<16xf32>,
      %add3A_81 = arith.constant 6 : i32
      %add3A_82 = vector.broadcast %add3A_81 : i32 to vector<16xi32>
      %add3A_83 = arith.addi %mul3A_57, %add3A_82 : vector<16xi32>
      %gather3A_84 = tpu.vector_load_idx %arg5[%add3A_83] : memref<33040xf32, #tpu.memory_space<vmem>>[vector<16xi32>], vector<16xf32>,
      %add3A_85 = arith.constant 7 : i32
      %add3A_86 = vector.broadcast %add3A_85 : i32 to vector<16xi32>
      %add3A_87 = arith.addi %mul3A_57, %add3A_86 : vector<16xi32>
      %gather3A_88 = tpu.vector_load_idx %arg5[%add3A_87] : memref<33040xf32, #tpu.memory_space<vmem>>[vector<16xi32>], vector<16xf32>,
      %add3A_89 = arith.constant 8 : i32
      %add3A_90 = vector.broadcast %add3A_89 : i32 to vector<16xi32>
      %add3A_91 = arith.addi %mul3A_57, %add3A_90 : vector<16xi32>
      %gather3A_92 = tpu.vector_load_idx %arg5[%add3A_91] : memref<33040xf32, #tpu.memory_space<vmem>>[vector<16xi32>], vector<16xf32>,
      %add3A_93 = arith.constant 9 : i32
      %add3A_94 = vector.broadcast %add3A_93 : i32 to vector<16xi32>
      %add3A_95 = arith.addi %mul3A_57, %add3A_94 : vector<16xi32>
      %gather3A_96 = tpu.vector_load_idx %arg5[%add3A_95] : memref<33040xf32, #tpu.memory_space<vmem>>[vector<16xi32>], vector<16xf32>,
      %add3A_97 = arith.constant 10 : i32
      %add3A_98 = vector.broadcast %add3A_97 : i32 to vector<16xi32>
      %add3A_99 = arith.addi %mul3A_57, %add3A_98 : vector<16xi32>
      %gather3A_100 = tpu.vector_load_idx %arg5[%add3A_99] : memref<33040xf32, #tpu.memory_space<vmem>>[vector<16xi32>], vector<16xf32>,
      %add3A_101 = arith.constant 11 : i32
      %add3A_102 = vector.broadcast %add3A_101 : i32 to vector<16xi32>
      %add3A_103 = arith.addi %mul3A_57, %add3A_102 : vector<16xi32>
      %gather3A_104 = tpu.vector_load_idx %arg5[%add3A_103] : memref<33040xf32, #tpu.memory_space<vmem>>[vector<16xi32>], vector<16xf32>,
      %add3A_105 = arith.constant 12 : i32
      %add3A_106 = vector.broadcast %add3A_105 : i32 to vector<16xi32>
      %add3A_107 = arith.addi %mul3A_57, %add3A_106 : vector<16xi32>
      %gather3A_108 = tpu.vector_load_idx %arg5[%add3A_107] : memref<33040xf32, #tpu.memory_space<vmem>>[vector<16xi32>], vector<16xf32>,
      %add3A_109 = arith.constant 13 : i32
      %add3A_110 = vector.broadcast %add3A_109 : i32 to vector<16xi32>
      %add3A_111 = arith.addi %mul3A_57, %add3A_110 : vector<16xi32>
      %gather3A_112 = tpu.vector_load_idx %arg5[%add3A_111] : memref<33040xf32, #tpu.memory_space<vmem>>[vector<16xi32>], vector<16xf32>,
      %add3A_113 = arith.constant 14 : i32
      %add3A_114 = vector.broadcast %add3A_113 : i32 to vector<16xi32>
      %add3A_115 = arith.addi %mul3A_57, %add3A_114 : vector<16xi32>
      %gather3A_116 = tpu.vector_load_idx %arg5[%add3A_115] : memref<33040xf32, #tpu.memory_space<vmem>>[vector<16xi32>], vector<16xf32>,
      %add3A_117 = arith.constant 15 : i32
      %add3A_118 = vector.broadcast %add3A_117 : i32 to vector<16xi32>
      %add3A_119 = arith.addi %mul3A_57, %add3A_118 : vector<16xi32>
      %gather3A_120 = tpu.vector_load_idx %arg5[%add3A_119] : memref<33040xf32, #tpu.memory_space<vmem>>[vector<16xi32>], vector<16xf32>,
      %add3A_121 = arith.constant 16 : i32
      %add3A_122 = vector.broadcast %add3A_121 : i32 to vector<16xi32>
      %add3A_123 = arith.addi %mul3A_57, %add3A_122 : vector<16xi32>
      %gather3A_124 = tpu.vector_load_idx %arg5[%add3A_123] : memref<33040xf32, #tpu.memory_space<vmem>>[vector<16xi32>], vector<16xf32>,
      %add3A_125 = arith.constant 17 : i32
      %add3A_126 = vector.broadcast %add3A_125 : i32 to vector<16xi32>
      %add3A_127 = arith.addi %mul3A_57, %add3A_126 : vector<16xi32>
      %gather3A_128 = tpu.vector_load_idx %arg5[%add3A_127] : memref<33040xf32, #tpu.memory_space<vmem>>[vector<16xi32>], vector<16xf32>,
      %add3A_129 = arith.constant 18 : i32
      %add3A_130 = vector.broadcast %add3A_129 : i32 to vector<16xi32>
      %add3A_131 = arith.addi %mul3A_57, %add3A_130 : vector<16xi32>
      %gather3A_132 = tpu.vector_load_idx %arg5[%add3A_131] : memref<33040xf32, #tpu.memory_space<vmem>>[vector<16xi32>], vector<16xf32>,
      %add3A_133 = arith.constant 19 : i32
      %add3A_134 = vector.broadcast %add3A_133 : i32 to vector<16xi32>
      %add3A_135 = arith.addi %mul3A_57, %add3A_134 : vector<16xi32>
      %gather3A_136 = tpu.vector_load_idx %arg5[%add3A_135] : memref<33040xf32, #tpu.memory_space<vmem>>[vector<16xi32>], vector<16xf32>,
      %add3A_137 = arith.constant 20 : i32
      %add3A_138 = vector.broadcast %add3A_137 : i32 to vector<16xi32>
      %add3A_139 = arith.addi %mul3A_57, %add3A_138 : vector<16xi32>
      %gather3A_140 = tpu.vector_load_idx %arg5[%add3A_139] : memref<33040xf32, #tpu.memory_space<vmem>>[vector<16xi32>], vector<16xf32>,
      %add3A_141 = arith.constant 21 : i32
      %add3A_142 = vector.broadcast %add3A_141 : i32 to vector<16xi32>
      %add3A_143 = arith.addi %mul3A_57, %add3A_142 : vector<16xi32>
      %gather3A_144 = tpu.vector_load_idx %arg5[%add3A_143] : memref<33040xf32, #tpu.memory_space<vmem>>[vector<16xi32>], vector<16xf32>,
      %add3A_145 = arith.constant 22 : i32
      %add3A_146 = vector.broadcast %add3A_145 : i32 to vector<16xi32>
      %add3A_147 = arith.addi %mul3A_57, %add3A_146 : vector<16xi32>
      %gather3A_148 = tpu.vector_load_idx %arg5[%add3A_147] : memref<33040xf32, #tpu.memory_space<vmem>>[vector<16xi32>], vector<16xf32>,
      %add3A_149 = arith.constant 23 : i32
      %add3A_150 = vector.broadcast %add3A_149 : i32 to vector<16xi32>
      %add3A_151 = arith.addi %mul3A_57, %add3A_150 : vector<16xi32>
      %gather3A_152 = tpu.vector_load_idx %arg5[%add3A_151] : memref<33040xf32, #tpu.memory_space<vmem>>[vector<16xi32>], vector<16xf32>,
      %add3A_153 = arith.constant 24 : i32
      %add3A_154 = vector.broadcast %add3A_153 : i32 to vector<16xi32>
      %add3A_155 = arith.addi %mul3A_57, %add3A_154 : vector<16xi32>
      %gather3A_156 = tpu.vector_load_idx %arg5[%add3A_155] : memref<33040xf32, #tpu.memory_space<vmem>>[vector<16xi32>], vector<16xf32>,
      %add3A_157 = arith.constant 25 : i32
      %add3A_158 = vector.broadcast %add3A_157 : i32 to vector<16xi32>
      %add3A_159 = arith.addi %mul3A_57, %add3A_158 : vector<16xi32>
      %gather3A_160 = tpu.vector_load_idx %arg5[%add3A_159] : memref<33040xf32, #tpu.memory_space<vmem>>[vector<16xi32>], vector<16xf32>,
      %add3A_161 = arith.constant 26 : i32
      %add3A_162 = vector.broadcast %add3A_161 : i32 to vector<16xi32>
      %add3A_163 = arith.addi %mul3A_57, %add3A_162 : vector<16xi32>
      %gather3A_164 = tpu.vector_load_idx %arg5[%add3A_163] : memref<33040xf32, #tpu.memory_space<vmem>>[vector<16xi32>], vector<16xf32>,
      %add3A_165 = arith.constant 27 : i32
      %add3A_166 = vector.broadcast %add3A_165 : i32 to vector<16xi32>
      %add3A_167 = arith.addi %mul3A_57, %add3A_166 : vector<16xi32>
      %gather3A_168 = tpu.vector_load_idx %arg5[%add3A_167] : memref<33040xf32, #tpu.memory_space<vmem>>[vector<16xi32>], vector<16xf32>,
      %add3A_169 = arith.constant 28 : i32
      %add3A_170 = vector.broadcast %add3A_169 : i32 to vector<16xi32>
      %add3A_171 = arith.addi %mul3A_57, %add3A_170 : vector<16xi32>
      %gather3A_172 = tpu.vector_load_idx %arg5[%add3A_171] : memref<33040xf32, #tpu.memory_space<vmem>>[vector<16xi32>], vector<16xf32>,
      %add3A_173 = arith.constant 29 : i32
      %add3A_174 = vector.broadcast %add3A_173 : i32 to vector<16xi32>
      %add3A_175 = arith.addi %mul3A_57, %add3A_174 : vector<16xi32>
      %gather3A_176 = tpu.vector_load_idx %arg5[%add3A_175] : memref<33040xf32, #tpu.memory_space<vmem>>[vector<16xi32>], vector<16xf32>,
      %add3A_177 = arith.constant 30 : i32
      %add3A_178 = vector.broadcast %add3A_177 : i32 to vector<16xi32>
      %add3A_179 = arith.addi %mul3A_57, %add3A_178 : vector<16xi32>
      %gather3A_180 = tpu.vector_load_idx %arg5[%add3A_179] : memref<33040xf32, #tpu.memory_space<vmem>>[vector<16xi32>], vector<16xf32>,
      %add3A_181 = arith.constant 31 : i32
      %add3A_182 = vector.broadcast %add3A_181 : i32 to vector<16xi32>
      %add3A_183 = arith.addi %mul3A_57, %add3A_182 : vector<16xi32>
      %gather3A_184 = tpu.vector_load_idx %arg5[%add3A_183] : memref<33040xf32, #tpu.memory_space<vmem>>[vector<16xi32>], vector<16xf32>,
      %add3A_185 = arith.constant 32 : i32
      %add3A_186 = vector.broadcast %add3A_185 : i32 to vector<16xi32>
      %add3A_187 = arith.addi %mul3A_57, %add3A_186 : vector<16xi32>
      %gather3A_188 = tpu.vector_load_idx %arg5[%add3A_187] : memref<33040xf32, #tpu.memory_space<vmem>>[vector<16xi32>], vector<16xf32>,
      %mul3A_189 = arith.constant 16 : i32
      %mul3A_190 = arith.muli %scan3A_40, %mul3A_189 : i32
      %swap3A = arith.constant 0 : i32
      %swap3A_191 = arith.index_cast %swap3A : i32 to index
      %swap3A_192 = arith.index_cast %mul3A_190 : i32 to index
      %swap3A_193 = tpu.vector_load %arg7[%swap3A_191, %swap3A_192] {strides = array<i32>} : memref<33x1024xf32, #tpu.memory_space<vmem>>, vector<16xf32>,
      tpu.vector_store %arg7[%swap3A_191, %swap3A_192], %gather3A {strides = array<i32>} : memref<33x1024xf32, #tpu.memory_space<vmem>>, vector<16xf32>,
      %mul3A_194 = arith.constant 16 : i32
      %mul3A_195 = arith.muli %scan3A_40, %mul3A_194 : i32
      %swap3A_196 = arith.constant 1 : i32
      %swap3A_197 = arith.index_cast %swap3A_196 : i32 to index
      %swap3A_198 = arith.index_cast %mul3A_195 : i32 to index
      %swap3A_199 = tpu.vector_load %arg7[%swap3A_197, %swap3A_198] {strides = array<i32>} : memref<33x1024xf32, #tpu.memory_space<vmem>>, vector<16xf32>,
      tpu.vector_store %arg7[%swap3A_197, %swap3A_198], %gather3A_64 {strides = array<i32>} : memref<33x1024xf32, #tpu.memory_space<vmem>>, vector<16xf32>,
      %mul3A_200 = arith.constant 16 : i32
      %mul3A_201 = arith.muli %scan3A_40, %mul3A_200 : i32
      %swap3A_202 = arith.constant 2 : i32
      %swap3A_203 = arith.index_cast %swap3A_202 : i32 to index
      %swap3A_204 = arith.index_cast %mul3A_201 : i32 to index
      %swap3A_205 = tpu.vector_load %arg7[%swap3A_203, %swap3A_204] {strides = array<i32>} : memref<33x1024xf32, #tpu.memory_space<vmem>>, vector<16xf32>,
      tpu.vector_store %arg7[%swap3A_203, %swap3A_204], %gather3A_68 {strides = array<i32>} : memref<33x1024xf32, #tpu.memory_space<vmem>>, vector<16xf32>,
      %mul3A_206 = arith.constant 16 : i32
      %mul3A_207 = arith.muli %scan3A_40, %mul3A_206 : i32
      %swap3A_208 = arith.constant 3 : i32
      %swap3A_209 = arith.index_cast %swap3A_208 : i32 to index
      %swap3A_210 = arith.index_cast %mul3A_207 : i32 to index
      %swap3A_211 = tpu.vector_load %arg7[%swap3A_209, %swap3A_210] {strides = array<i32>} : memref<33x1024xf32, #tpu.memory_space<vmem>>, vector<16xf32>,
      tpu.vector_store %arg7[%swap3A_209, %swap3A_210], %gather3A_72 {strides = array<i32>} : memref<33x1024xf32, #tpu.memory_space<vmem>>, vector<16xf32>,
      %mul3A_212 = arith.constant 16 : i32
      %mul3A_213 = arith.muli %scan3A_40, %mul3A_212 : i32
      %swap3A_214 = arith.constant 4 : i32
      %swap3A_215 = arith.index_cast %swap3A_214 : i32 to index
      %swap3A_216 = arith.index_cast %mul3A_213 : i32 to index
      %swap3A_217 = tpu.vector_load %arg7[%swap3A_215, %swap3A_216] {strides = array<i32>} : memref<33x1024xf32, #tpu.memory_space<vmem>>, vector<16xf32>,
      tpu.vector_store %arg7[%swap3A_215, %swap3A_216], %gather3A_76 {strides = array<i32>} : memref<33x1024xf32, #tpu.memory_space<vmem>>, vector<16xf32>,
      %mul3A_218 = arith.constant 16 : i32
      %mul3A_219 = arith.muli %scan3A_40, %mul3A_218 : i32
      %swap3A_220 = arith.constant 5 : i32
      %swap3A_221 = arith.index_cast %swap3A_220 : i32 to index
      %swap3A_222 = arith.index_cast %mul3A_219 : i32 to index
      %swap3A_223 = tpu.vector_load %arg7[%swap3A_221, %swap3A_222] {strides = array<i32>} : memref<33x1024xf32, #tpu.memory_space<vmem>>, vector<16xf32>,
      tpu.vector_store %arg7[%swap3A_221, %swap3A_222], %gather3A_80 {strides = array<i32>} : memref<33x1024xf32, #tpu.memory_space<vmem>>, vector<16xf32>,
      %mul3A_224 = arith.constant 16 : i32
      %mul3A_225 = arith.muli %scan3A_40, %mul3A_224 : i32
      %swap3A_226 = arith.constant 6 : i32
      %swap3A_227 = arith.index_cast %swap3A_226 : i32 to index
      %swap3A_228 = arith.index_cast %mul3A_225 : i32 to index
      %swap3A_229 = tpu.vector_load %arg7[%swap3A_227, %swap3A_228] {strides = array<i32>} : memref<33x1024xf32, #tpu.memory_space<vmem>>, vector<16xf32>,
      tpu.vector_store %arg7[%swap3A_227, %swap3A_228], %gather3A_84 {strides = array<i32>} : memref<33x1024xf32, #tpu.memory_space<vmem>>, vector<16xf32>,
      %mul3A_230 = arith.constant 16 : i32
      %mul3A_231 = arith.muli %scan3A_40, %mul3A_230 : i32
      %swap3A_232 = arith.constant 7 : i32
      %swap3A_233 = arith.index_cast %swap3A_232 : i32 to index
      %swap3A_234 = arith.index_cast %mul3A_231 : i32 to index
      %swap3A_235 = tpu.vector_load %arg7[%swap3A_233, %swap3A_234] {strides = array<i32>} : memref<33x1024xf32, #tpu.memory_space<vmem>>, vector<16xf32>,
      tpu.vector_store %arg7[%swap3A_233, %swap3A_234], %gather3A_88 {strides = array<i32>} : memref<33x1024xf32, #tpu.memory_space<vmem>>, vector<16xf32>,
      %mul3A_236 = arith.constant 16 : i32
      %mul3A_237 = arith.muli %scan3A_40, %mul3A_236 : i32
      %swap3A_238 = arith.constant 8 : i32
      %swap3A_239 = arith.index_cast %swap3A_238 : i32 to index
      %swap3A_240 = arith.index_cast %mul3A_237 : i32 to index
      %swap3A_241 = tpu.vector_load %arg7[%swap3A_239, %swap3A_240] {strides = array<i32>} : memref<33x1024xf32, #tpu.memory_space<vmem>>, vector<16xf32>,
      tpu.vector_store %arg7[%swap3A_239, %swap3A_240], %gather3A_92 {strides = array<i32>} : memref<33x1024xf32, #tpu.memory_space<vmem>>, vector<16xf32>,
      %mul3A_242 = arith.constant 16 : i32
      %mul3A_243 = arith.muli %scan3A_40, %mul3A_242 : i32
      %swap3A_244 = arith.constant 9 : i32
      %swap3A_245 = arith.index_cast %swap3A_244 : i32 to index
      %swap3A_246 = arith.index_cast %mul3A_243 : i32 to index
      %swap3A_247 = tpu.vector_load %arg7[%swap3A_245, %swap3A_246] {strides = array<i32>} : memref<33x1024xf32, #tpu.memory_space<vmem>>, vector<16xf32>,
      tpu.vector_store %arg7[%swap3A_245, %swap3A_246], %gather3A_96 {strides = array<i32>} : memref<33x1024xf32, #tpu.memory_space<vmem>>, vector<16xf32>,
      %mul3A_248 = arith.constant 16 : i32
      %mul3A_249 = arith.muli %scan3A_40, %mul3A_248 : i32
      %swap3A_250 = arith.constant 10 : i32
      %swap3A_251 = arith.index_cast %swap3A_250 : i32 to index
      %swap3A_252 = arith.index_cast %mul3A_249 : i32 to index
      %swap3A_253 = tpu.vector_load %arg7[%swap3A_251, %swap3A_252] {strides = array<i32>} : memref<33x1024xf32, #tpu.memory_space<vmem>>, vector<16xf32>,
      tpu.vector_store %arg7[%swap3A_251, %swap3A_252], %gather3A_100 {strides = array<i32>} : memref<33x1024xf32, #tpu.memory_space<vmem>>, vector<16xf32>,
      %mul3A_254 = arith.constant 16 : i32
      %mul3A_255 = arith.muli %scan3A_40, %mul3A_254 : i32
      %swap3A_256 = arith.constant 11 : i32
      %swap3A_257 = arith.index_cast %swap3A_256 : i32 to index
      %swap3A_258 = arith.index_cast %mul3A_255 : i32 to index
      %swap3A_259 = tpu.vector_load %arg7[%swap3A_257, %swap3A_258] {strides = array<i32>} : memref<33x1024xf32, #tpu.memory_space<vmem>>, vector<16xf32>,
      tpu.vector_store %arg7[%swap3A_257, %swap3A_258], %gather3A_104 {strides = array<i32>} : memref<33x1024xf32, #tpu.memory_space<vmem>>, vector<16xf32>,
      %mul3A_260 = arith.constant 16 : i32
      %mul3A_261 = arith.muli %scan3A_40, %mul3A_260 : i32
      %swap3A_262 = arith.constant 12 : i32
      %swap3A_263 = arith.index_cast %swap3A_262 : i32 to index
      %swap3A_264 = arith.index_cast %mul3A_261 : i32 to index
      %swap3A_265 = tpu.vector_load %arg7[%swap3A_263, %swap3A_264] {strides = array<i32>} : memref<33x1024xf32, #tpu.memory_space<vmem>>, vector<16xf32>,
      tpu.vector_store %arg7[%swap3A_263, %swap3A_264], %gather3A_108 {strides = array<i32>} : memref<33x1024xf32, #tpu.memory_space<vmem>>, vector<16xf32>,
      %mul3A_266 = arith.constant 16 : i32
      %mul3A_267 = arith.muli %scan3A_40, %mul3A_266 : i32
      %swap3A_268 = arith.constant 13 : i32
      %swap3A_269 = arith.index_cast %swap3A_268 : i32 to index
      %swap3A_270 = arith.index_cast %mul3A_267 : i32 to index
      %swap3A_271 = tpu.vector_load %arg7[%swap3A_269, %swap3A_270] {strides = array<i32>} : memref<33x1024xf32, #tpu.memory_space<vmem>>, vector<16xf32>,
      tpu.vector_store %arg7[%swap3A_269, %swap3A_270], %gather3A_112 {strides = array<i32>} : memref<33x1024xf32, #tpu.memory_space<vmem>>, vector<16xf32>,
      %mul3A_272 = arith.constant 16 : i32
      %mul3A_273 = arith.muli %scan3A_40, %mul3A_272 : i32
      %swap3A_274 = arith.constant 14 : i32
      %swap3A_275 = arith.index_cast %swap3A_274 : i32 to index
      %swap3A_276 = arith.index_cast %mul3A_273 : i32 to index
      %swap3A_277 = tpu.vector_load %arg7[%swap3A_275, %swap3A_276] {strides = array<i32>} : memref<33x1024xf32, #tpu.memory_space<vmem>>, vector<16xf32>,
      tpu.vector_store %arg7[%swap3A_275, %swap3A_276], %gather3A_116 {strides = array<i32>} : memref<33x1024xf32, #tpu.memory_space<vmem>>, vector<16xf32>,
      %mul3A_278 = arith.constant 16 : i32
      %mul3A_279 = arith.muli %scan3A_40, %mul3A_278 : i32
      %swap3A_280 = arith.constant 15 : i32
      %swap3A_281 = arith.index_cast %swap3A_280 : i32 to index
      %swap3A_282 = arith.index_cast %mul3A_279 : i32 to index
      %swap3A_283 = tpu.vector_load %arg7[%swap3A_281, %swap3A_282] {strides = array<i32>} : memref<33x1024xf32, #tpu.memory_space<vmem>>, vector<16xf32>,
      tpu.vector_store %arg7[%swap3A_281, %swap3A_282], %gather3A_120 {strides = array<i32>} : memref<33x1024xf32, #tpu.memory_space<vmem>>, vector<16xf32>,
      %mul3A_284 = arith.constant 16 : i32
      %mul3A_285 = arith.muli %scan3A_40, %mul3A_284 : i32
      %swap3A_286 = arith.constant 16 : i32
      %swap3A_287 = arith.index_cast %swap3A_286 : i32 to index
      %swap3A_288 = arith.index_cast %mul3A_285 : i32 to index
      %swap3A_289 = tpu.vector_load %arg7[%swap3A_287, %swap3A_288] {strides = array<i32>} : memref<33x1024xf32, #tpu.memory_space<vmem>>, vector<16xf32>,
      tpu.vector_store %arg7[%swap3A_287, %swap3A_288], %gather3A_124 {strides = array<i32>} : memref<33x1024xf32, #tpu.memory_space<vmem>>, vector<16xf32>,
      %mul3A_290 = arith.constant 16 : i32
      %mul3A_291 = arith.muli %scan3A_40, %mul3A_290 : i32
      %swap3A_292 = arith.constant 17 : i32
      %swap3A_293 = arith.index_cast %swap3A_292 : i32 to index
      %swap3A_294 = arith.index_cast %mul3A_291 : i32 to index
      %swap3A_295 = tpu.vector_load %arg7[%swap3A_293, %swap3A_294] {strides = array<i32>} : memref<33x1024xf32, #tpu.memory_space<vmem>>, vector<16xf32>,
      tpu.vector_store %arg7[%swap3A_293, %swap3A_294], %gather3A_128 {strides = array<i32>} : memref<33x1024xf32, #tpu.memory_space<vmem>>, vector<16xf32>,
      %mul3A_296 = arith.constant 16 : i32
      %mul3A_297 = arith.muli %scan3A_40, %mul3A_296 : i32
      %swap3A_298 = arith.constant 18 : i32
      %swap3A_299 = arith.index_cast %swap3A_298 : i32 to index
      %swap3A_300 = arith.index_cast %mul3A_297 : i32 to index
      %swap3A_301 = tpu.vector_load %arg7[%swap3A_299, %swap3A_300] {strides = array<i32>} : memref<33x1024xf32, #tpu.memory_space<vmem>>, vector<16xf32>,
      tpu.vector_store %arg7[%swap3A_299, %swap3A_300], %gather3A_132 {strides = array<i32>} : memref<33x1024xf32, #tpu.memory_space<vmem>>, vector<16xf32>,
      %mul3A_302 = arith.constant 16 : i32
      %mul3A_303 = arith.muli %scan3A_40, %mul3A_302 : i32
      %swap3A_304 = arith.constant 19 : i32
      %swap3A_305 = arith.index_cast %swap3A_304 : i32 to index
      %swap3A_306 = arith.index_cast %mul3A_303 : i32 to index
      %swap3A_307 = tpu.vector_load %arg7[%swap3A_305, %swap3A_306] {strides = array<i32>} : memref<33x1024xf32, #tpu.memory_space<vmem>>, vector<16xf32>,
      tpu.vector_store %arg7[%swap3A_305, %swap3A_306], %gather3A_136 {strides = array<i32>} : memref<33x1024xf32, #tpu.memory_space<vmem>>, vector<16xf32>,
      %mul3A_308 = arith.constant 16 : i32
      %mul3A_309 = arith.muli %scan3A_40, %mul3A_308 : i32
      %swap3A_310 = arith.constant 20 : i32
      %swap3A_311 = arith.index_cast %swap3A_310 : i32 to index
      %swap3A_312 = arith.index_cast %mul3A_309 : i32 to index
      %swap3A_313 = tpu.vector_load %arg7[%swap3A_311, %swap3A_312] {strides = array<i32>} : memref<33x1024xf32, #tpu.memory_space<vmem>>, vector<16xf32>,
      tpu.vector_store %arg7[%swap3A_311, %swap3A_312], %gather3A_140 {strides = array<i32>} : memref<33x1024xf32, #tpu.memory_space<vmem>>, vector<16xf32>,
      %mul3A_314 = arith.constant 16 : i32
      %mul3A_315 = arith.muli %scan3A_40, %mul3A_314 : i32
      %swap3A_316 = arith.constant 21 : i32
      %swap3A_317 = arith.index_cast %swap3A_316 : i32 to index
      %swap3A_318 = arith.index_cast %mul3A_315 : i32 to index
      %swap3A_319 = tpu.vector_load %arg7[%swap3A_317, %swap3A_318] {strides = array<i32>} : memref<33x1024xf32, #tpu.memory_space<vmem>>, vector<16xf32>,
      tpu.vector_store %arg7[%swap3A_317, %swap3A_318], %gather3A_144 {strides = array<i32>} : memref<33x1024xf32, #tpu.memory_space<vmem>>, vector<16xf32>,
      %mul3A_320 = arith.constant 16 : i32
      %mul3A_321 = arith.muli %scan3A_40, %mul3A_320 : i32
      %swap3A_322 = arith.constant 22 : i32
      %swap3A_323 = arith.index_cast %swap3A_322 : i32 to index
      %swap3A_324 = arith.index_cast %mul3A_321 : i32 to index
      %swap3A_325 = tpu.vector_load %arg7[%swap3A_323, %swap3A_324] {strides = array<i32>} : memref<33x1024xf32, #tpu.memory_space<vmem>>, vector<16xf32>,
      tpu.vector_store %arg7[%swap3A_323, %swap3A_324], %gather3A_148 {strides = array<i32>} : memref<33x1024xf32, #tpu.memory_space<vmem>>, vector<16xf32>,
      %mul3A_326 = arith.constant 16 : i32
      %mul3A_327 = arith.muli %scan3A_40, %mul3A_326 : i32
      %swap3A_328 = arith.constant 23 : i32
      %swap3A_329 = arith.index_cast %swap3A_328 : i32 to index
      %swap3A_330 = arith.index_cast %mul3A_327 : i32 to index
      %swap3A_331 = tpu.vector_load %arg7[%swap3A_329, %swap3A_330] {strides = array<i32>} : memref<33x1024xf32, #tpu.memory_space<vmem>>, vector<16xf32>,
      tpu.vector_store %arg7[%swap3A_329, %swap3A_330], %gather3A_152 {strides = array<i32>} : memref<33x1024xf32, #tpu.memory_space<vmem>>, vector<16xf32>,
      %mul3A_332 = arith.constant 16 : i32
      %mul3A_333 = arith.muli %scan3A_40, %mul3A_332 : i32
      %swap3A_334 = arith.constant 24 : i32
      %swap3A_335 = arith.index_cast %swap3A_334 : i32 to index
      %swap3A_336 = arith.index_cast %mul3A_333 : i32 to index
      %swap3A_337 = tpu.vector_load %arg7[%swap3A_335, %swap3A_336] {strides = array<i32>} : memref<33x1024xf32, #tpu.memory_space<vmem>>, vector<16xf32>,
      tpu.vector_store %arg7[%swap3A_335, %swap3A_336], %gather3A_156 {strides = array<i32>} : memref<33x1024xf32, #tpu.memory_space<vmem>>, vector<16xf32>,
      %mul3A_338 = arith.constant 16 : i32
      %mul3A_339 = arith.muli %scan3A_40, %mul3A_338 : i32
      %swap3A_340 = arith.constant 25 : i32
      %swap3A_341 = arith.index_cast %swap3A_340 : i32 to index
      %swap3A_342 = arith.index_cast %mul3A_339 : i32 to index
      %swap3A_343 = tpu.vector_load %arg7[%swap3A_341, %swap3A_342] {strides = array<i32>} : memref<33x1024xf32, #tpu.memory_space<vmem>>, vector<16xf32>,
      tpu.vector_store %arg7[%swap3A_341, %swap3A_342], %gather3A_160 {strides = array<i32>} : memref<33x1024xf32, #tpu.memory_space<vmem>>, vector<16xf32>,
      %mul3A_344 = arith.constant 16 : i32
      %mul3A_345 = arith.muli %scan3A_40, %mul3A_344 : i32
      %swap3A_346 = arith.constant 26 : i32
      %swap3A_347 = arith.index_cast %swap3A_346 : i32 to index
      %swap3A_348 = arith.index_cast %mul3A_345 : i32 to index
      %swap3A_349 = tpu.vector_load %arg7[%swap3A_347, %swap3A_348] {strides = array<i32>} : memref<33x1024xf32, #tpu.memory_space<vmem>>, vector<16xf32>,
      tpu.vector_store %arg7[%swap3A_347, %swap3A_348], %gather3A_164 {strides = array<i32>} : memref<33x1024xf32, #tpu.memory_space<vmem>>, vector<16xf32>,
      %mul3A_350 = arith.constant 16 : i32
      %mul3A_351 = arith.muli %scan3A_40, %mul3A_350 : i32
      %swap3A_352 = arith.constant 27 : i32
      %swap3A_353 = arith.index_cast %swap3A_352 : i32 to index
      %swap3A_354 = arith.index_cast %mul3A_351 : i32 to index
      %swap3A_355 = tpu.vector_load %arg7[%swap3A_353, %swap3A_354] {strides = array<i32>} : memref<33x1024xf32, #tpu.memory_space<vmem>>, vector<16xf32>,
      tpu.vector_store %arg7[%swap3A_353, %swap3A_354], %gather3A_168 {strides = array<i32>} : memref<33x1024xf32, #tpu.memory_space<vmem>>, vector<16xf32>,
      %mul3A_356 = arith.constant 16 : i32
      %mul3A_357 = arith.muli %scan3A_40, %mul3A_356 : i32
      %swap3A_358 = arith.constant 28 : i32
      %swap3A_359 = arith.index_cast %swap3A_358 : i32 to index
      %swap3A_360 = arith.index_cast %mul3A_357 : i32 to index
      %swap3A_361 = tpu.vector_load %arg7[%swap3A_359, %swap3A_360] {strides = array<i32>} : memref<33x1024xf32, #tpu.memory_space<vmem>>, vector<16xf32>,
      tpu.vector_store %arg7[%swap3A_359, %swap3A_360], %gather3A_172 {strides = array<i32>} : memref<33x1024xf32, #tpu.memory_space<vmem>>, vector<16xf32>,
      %mul3A_362 = arith.constant 16 : i32
      %mul3A_363 = arith.muli %scan3A_40, %mul3A_362 : i32
      %swap3A_364 = arith.constant 29 : i32
      %swap3A_365 = arith.index_cast %swap3A_364 : i32 to index
      %swap3A_366 = arith.index_cast %mul3A_363 : i32 to index
      %swap3A_367 = tpu.vector_load %arg7[%swap3A_365, %swap3A_366] {strides = array<i32>} : memref<33x1024xf32, #tpu.memory_space<vmem>>, vector<16xf32>,
      tpu.vector_store %arg7[%swap3A_365, %swap3A_366], %gather3A_176 {strides = array<i32>} : memref<33x1024xf32, #tpu.memory_space<vmem>>, vector<16xf32>,
      %mul3A_368 = arith.constant 16 : i32
      %mul3A_369 = arith.muli %scan3A_40, %mul3A_368 : i32
      %swap3A_370 = arith.constant 30 : i32
      %swap3A_371 = arith.index_cast %swap3A_370 : i32 to index
      %swap3A_372 = arith.index_cast %mul3A_369 : i32 to index
      %swap3A_373 = tpu.vector_load %arg7[%swap3A_371, %swap3A_372] {strides = array<i32>} : memref<33x1024xf32, #tpu.memory_space<vmem>>, vector<16xf32>,
      tpu.vector_store %arg7[%swap3A_371, %swap3A_372], %gather3A_180 {strides = array<i32>} : memref<33x1024xf32, #tpu.memory_space<vmem>>, vector<16xf32>,
      %mul3A_374 = arith.constant 16 : i32
      %mul3A_375 = arith.muli %scan3A_40, %mul3A_374 : i32
      %swap3A_376 = arith.constant 31 : i32
      %swap3A_377 = arith.index_cast %swap3A_376 : i32 to index
      %swap3A_378 = arith.index_cast %mul3A_375 : i32 to index
      %swap3A_379 = tpu.vector_load %arg7[%swap3A_377, %swap3A_378] {strides = array<i32>} : memref<33x1024xf32, #tpu.memory_space<vmem>>, vector<16xf32>,
      tpu.vector_store %arg7[%swap3A_377, %swap3A_378], %gather3A_184 {strides = array<i32>} : memref<33x1024xf32, #tpu.memory_space<vmem>>, vector<16xf32>,
      %mul3A_380 = arith.constant 16 : i32
      %mul3A_381 = arith.muli %scan3A_40, %mul3A_380 : i32
      %swap3A_382 = arith.constant 32 : i32
      %swap3A_383 = arith.index_cast %swap3A_382 : i32 to index
      %swap3A_384 = arith.index_cast %mul3A_381 : i32 to index
      %swap3A_385 = tpu.vector_load %arg7[%swap3A_383, %swap3A_384] {strides = array<i32>} : memref<33x1024xf32, #tpu.memory_space<vmem>>, vector<16xf32>,
      tpu.vector_store %arg7[%swap3A_383, %swap3A_384], %gather3A_188 {strides = array<i32>} : memref<33x1024xf32, #tpu.memory_space<vmem>>, vector<16xf32>,
      %scan3A_386 = arith.constant 0 : i32
      %scan3A_387 = arith.constant 1 : i32
      %scan3A_388 = arith.addi %scan3A_40, %scan3A_387 : i32
      %mul3A_389 = arith.constant 16 : i32
      %mul3A_390 = arith.muli %scan3A_388, %mul3A_389 : i32
      %get3A_391 = arith.constant 24 : i32
      %get3A_392 = arith.index_cast %get3A_391 : i32 to index
      %get3A_393 = arith.index_cast %mul3A_390 : i32 to index
      %get3A_394 = tpu.vector_load %arg6[%get3A_392, %get3A_393] {strides = array<i32>} : memref<25x1024xi32, #tpu.memory_space<vmem>>, vector<16xi32>,
      %ge3A_395 = arith.constant 0 : i32
      %ge3A_396 = vector.broadcast %ge3A_395 : i32 to vector<16xi32>
      %ge3A_397 = arith.cmpi sge, %get3A_394, %ge3A_396 : vector<16xi32>
      %lt3A_398 = arith.constant 1000 : i32
      %lt3A_399 = vector.broadcast %lt3A_398 : i32 to vector<16xi32>
      %lt3A_400 = arith.cmpi slt, %get3A_394, %lt3A_399 : vector<16xi32>
      %and3A_401 = arith.andi %ge3A_397, %lt3A_400 : vector<16xi1>
      %add3A_402 = arith.constant 1 : i32
      %add3A_403 = vector.broadcast %add3A_402 : i32 to vector<16xi32>
      %add3A_404 = arith.addi %get3A_394, %add3A_403 : vector<16xi32>
      %broadcast_in_dim3A_405 = arith.constant 0 : i32
      %broadcast_in_dim3A_406 = vector.broadcast %broadcast_in_dim3A_405 : i32 to vector<16xi32>
      %select_n3A_407 = arith.select %and3A_401, %add3A_404, %broadcast_in_dim3A_406 : vector<16xi1>, vector<16xi32>
      %mul3A_408 = arith.constant 33 : i32
      %mul3A_409 = vector.broadcast %mul3A_408 : i32 to vector<16xi32>
      %mul3A_410 = arith.muli %select_n3A_407, %mul3A_409 : vector<16xi32>
      %add3A_411 = arith.constant 0 : i32
      %add3A_412 = vector.broadcast %add3A_411 : i32 to vector<16xi32>
      %add3A_413 = arith.addi %mul3A_410, %add3A_412 : vector<16xi32>
      %gather3A_414 = tpu.vector_load_idx %arg5[%add3A_413] : memref<33040xf32, #tpu.memory_space<vmem>>[vector<16xi32>], vector<16xf32>,
      %add3A_415 = arith.constant 1 : i32
      %add3A_416 = vector.broadcast %add3A_415 : i32 to vector<16xi32>
      %add3A_417 = arith.addi %mul3A_410, %add3A_416 : vector<16xi32>
      %gather3A_418 = tpu.vector_load_idx %arg5[%add3A_417] : memref<33040xf32, #tpu.memory_space<vmem>>[vector<16xi32>], vector<16xf32>,
      %add3A_419 = arith.constant 2 : i32
      %add3A_420 = vector.broadcast %add3A_419 : i32 to vector<16xi32>
      %add3A_421 = arith.addi %mul3A_410, %add3A_420 : vector<16xi32>
      %gather3A_422 = tpu.vector_load_idx %arg5[%add3A_421] : memref<33040xf32, #tpu.memory_space<vmem>>[vector<16xi32>], vector<16xf32>,
      %add3A_423 = arith.constant 3 : i32
      %add3A_424 = vector.broadcast %add3A_423 : i32 to vector<16xi32>
      %add3A_425 = arith.addi %mul3A_410, %add3A_424 : vector<16xi32>
      %gather3A_426 = tpu.vector_load_idx %arg5[%add3A_425] : memref<33040xf32, #tpu.memory_space<vmem>>[vector<16xi32>], vector<16xf32>,
      %add3A_427 = arith.constant 4 : i32
      %add3A_428 = vector.broadcast %add3A_427 : i32 to vector<16xi32>
      %add3A_429 = arith.addi %mul3A_410, %add3A_428 : vector<16xi32>
      %gather3A_430 = tpu.vector_load_idx %arg5[%add3A_429] : memref<33040xf32, #tpu.memory_space<vmem>>[vector<16xi32>], vector<16xf32>,
      %add3A_431 = arith.constant 5 : i32
      %add3A_432 = vector.broadcast %add3A_431 : i32 to vector<16xi32>
      %add3A_433 = arith.addi %mul3A_410, %add3A_432 : vector<16xi32>
      %gather3A_434 = tpu.vector_load_idx %arg5[%add3A_433] : memref<33040xf32, #tpu.memory_space<vmem>>[vector<16xi32>], vector<16xf32>,
      %add3A_435 = arith.constant 6 : i32
      %add3A_436 = vector.broadcast %add3A_435 : i32 to vector<16xi32>
      %add3A_437 = arith.addi %mul3A_410, %add3A_436 : vector<16xi32>
      %gather3A_438 = tpu.vector_load_idx %arg5[%add3A_437] : memref<33040xf32, #tpu.memory_space<vmem>>[vector<16xi32>], vector<16xf32>,
      %add3A_439 = arith.constant 7 : i32
      %add3A_440 = vector.broadcast %add3A_439 : i32 to vector<16xi32>
      %add3A_441 = arith.addi %mul3A_410, %add3A_440 : vector<16xi32>
      %gather3A_442 = tpu.vector_load_idx %arg5[%add3A_441] : memref<33040xf32, #tpu.memory_space<vmem>>[vector<16xi32>], vector<16xf32>,
      %add3A_443 = arith.constant 8 : i32
      %add3A_444 = vector.broadcast %add3A_443 : i32 to vector<16xi32>
      %add3A_445 = arith.addi %mul3A_410, %add3A_444 : vector<16xi32>
      %gather3A_446 = tpu.vector_load_idx %arg5[%add3A_445] : memref<33040xf32, #tpu.memory_space<vmem>>[vector<16xi32>], vector<16xf32>,
      %add3A_447 = arith.constant 9 : i32
      %add3A_448 = vector.broadcast %add3A_447 : i32 to vector<16xi32>
      %add3A_449 = arith.addi %mul3A_410, %add3A_448 : vector<16xi32>
      %gather3A_450 = tpu.vector_load_idx %arg5[%add3A_449] : memref<33040xf32, #tpu.memory_space<vmem>>[vector<16xi32>], vector<16xf32>,
      %add3A_451 = arith.constant 10 : i32
      %add3A_452 = vector.broadcast %add3A_451 : i32 to vector<16xi32>
      %add3A_453 = arith.addi %mul3A_410, %add3A_452 : vector<16xi32>
      %gather3A_454 = tpu.vector_load_idx %arg5[%add3A_453] : memref<33040xf32, #tpu.memory_space<vmem>>[vector<16xi32>], vector<16xf32>,
      %add3A_455 = arith.constant 11 : i32
      %add3A_456 = vector.broadcast %add3A_455 : i32 to vector<16xi32>
      %add3A_457 = arith.addi %mul3A_410, %add3A_456 : vector<16xi32>
      %gather3A_458 = tpu.vector_load_idx %arg5[%add3A_457] : memref<33040xf32, #tpu.memory_space<vmem>>[vector<16xi32>], vector<16xf32>,
      %add3A_459 = arith.constant 12 : i32
      %add3A_460 = vector.broadcast %add3A_459 : i32 to vector<16xi32>
      %add3A_461 = arith.addi %mul3A_410, %add3A_460 : vector<16xi32>
      %gather3A_462 = tpu.vector_load_idx %arg5[%add3A_461] : memref<33040xf32, #tpu.memory_space<vmem>>[vector<16xi32>], vector<16xf32>,
      %add3A_463 = arith.constant 13 : i32
      %add3A_464 = vector.broadcast %add3A_463 : i32 to vector<16xi32>
      %add3A_465 = arith.addi %mul3A_410, %add3A_464 : vector<16xi32>
      %gather3A_466 = tpu.vector_load_idx %arg5[%add3A_465] : memref<33040xf32, #tpu.memory_space<vmem>>[vector<16xi32>], vector<16xf32>,
      %add3A_467 = arith.constant 14 : i32
      %add3A_468 = vector.broadcast %add3A_467 : i32 to vector<16xi32>
      %add3A_469 = arith.addi %mul3A_410, %add3A_468 : vector<16xi32>
      %gather3A_470 = tpu.vector_load_idx %arg5[%add3A_469] : memref<33040xf32, #tpu.memory_space<vmem>>[vector<16xi32>], vector<16xf32>,
      %add3A_471 = arith.constant 15 : i32
      %add3A_472 = vector.broadcast %add3A_471 : i32 to vector<16xi32>
      %add3A_473 = arith.addi %mul3A_410, %add3A_472 : vector<16xi32>
      %gather3A_474 = tpu.vector_load_idx %arg5[%add3A_473] : memref<33040xf32, #tpu.memory_space<vmem>>[vector<16xi32>], vector<16xf32>,
      %add3A_475 = arith.constant 16 : i32
      %add3A_476 = vector.broadcast %add3A_475 : i32 to vector<16xi32>
      %add3A_477 = arith.addi %mul3A_410, %add3A_476 : vector<16xi32>
      %gather3A_478 = tpu.vector_load_idx %arg5[%add3A_477] : memref<33040xf32, #tpu.memory_space<vmem>>[vector<16xi32>], vector<16xf32>,
      %add3A_479 = arith.constant 17 : i32
      %add3A_480 = vector.broadcast %add3A_479 : i32 to vector<16xi32>
      %add3A_481 = arith.addi %mul3A_410, %add3A_480 : vector<16xi32>
      %gather3A_482 = tpu.vector_load_idx %arg5[%add3A_481] : memref<33040xf32, #tpu.memory_space<vmem>>[vector<16xi32>], vector<16xf32>,
      %add3A_483 = arith.constant 18 : i32
      %add3A_484 = vector.broadcast %add3A_483 : i32 to vector<16xi32>
      %add3A_485 = arith.addi %mul3A_410, %add3A_484 : vector<16xi32>
      %gather3A_486 = tpu.vector_load_idx %arg5[%add3A_485] : memref<33040xf32, #tpu.memory_space<vmem>>[vector<16xi32>], vector<16xf32>,
      %add3A_487 = arith.constant 19 : i32
      %add3A_488 = vector.broadcast %add3A_487 : i32 to vector<16xi32>
      %add3A_489 = arith.addi %mul3A_410, %add3A_488 : vector<16xi32>
      %gather3A_490 = tpu.vector_load_idx %arg5[%add3A_489] : memref<33040xf32, #tpu.memory_space<vmem>>[vector<16xi32>], vector<16xf32>,
      %add3A_491 = arith.constant 20 : i32
      %add3A_492 = vector.broadcast %add3A_491 : i32 to vector<16xi32>
      %add3A_493 = arith.addi %mul3A_410, %add3A_492 : vector<16xi32>
      %gather3A_494 = tpu.vector_load_idx %arg5[%add3A_493] : memref<33040xf32, #tpu.memory_space<vmem>>[vector<16xi32>], vector<16xf32>,
      %add3A_495 = arith.constant 21 : i32
      %add3A_496 = vector.broadcast %add3A_495 : i32 to vector<16xi32>
      %add3A_497 = arith.addi %mul3A_410, %add3A_496 : vector<16xi32>
      %gather3A_498 = tpu.vector_load_idx %arg5[%add3A_497] : memref<33040xf32, #tpu.memory_space<vmem>>[vector<16xi32>], vector<16xf32>,
      %add3A_499 = arith.constant 22 : i32
      %add3A_500 = vector.broadcast %add3A_499 : i32 to vector<16xi32>
      %add3A_501 = arith.addi %mul3A_410, %add3A_500 : vector<16xi32>
      %gather3A_502 = tpu.vector_load_idx %arg5[%add3A_501] : memref<33040xf32, #tpu.memory_space<vmem>>[vector<16xi32>], vector<16xf32>,
      %add3A_503 = arith.constant 23 : i32
      %add3A_504 = vector.broadcast %add3A_503 : i32 to vector<16xi32>
      %add3A_505 = arith.addi %mul3A_410, %add3A_504 : vector<16xi32>
      %gather3A_506 = tpu.vector_load_idx %arg5[%add3A_505] : memref<33040xf32, #tpu.memory_space<vmem>>[vector<16xi32>], vector<16xf32>,
      %add3A_507 = arith.constant 24 : i32
      %add3A_508 = vector.broadcast %add3A_507 : i32 to vector<16xi32>
      %add3A_509 = arith.addi %mul3A_410, %add3A_508 : vector<16xi32>
      %gather3A_510 = tpu.vector_load_idx %arg5[%add3A_509] : memref<33040xf32, #tpu.memory_space<vmem>>[vector<16xi32>], vector<16xf32>,
      %add3A_511 = arith.constant 25 : i32
      %add3A_512 = vector.broadcast %add3A_511 : i32 to vector<16xi32>
      %add3A_513 = arith.addi %mul3A_410, %add3A_512 : vector<16xi32>
      %gather3A_514 = tpu.vector_load_idx %arg5[%add3A_513] : memref<33040xf32, #tpu.memory_space<vmem>>[vector<16xi32>], vector<16xf32>,
      %add3A_515 = arith.constant 26 : i32
      %add3A_516 = vector.broadcast %add3A_515 : i32 to vector<16xi32>
      %add3A_517 = arith.addi %mul3A_410, %add3A_516 : vector<16xi32>
      %gather3A_518 = tpu.vector_load_idx %arg5[%add3A_517] : memref<33040xf32, #tpu.memory_space<vmem>>[vector<16xi32>], vector<16xf32>,
      %add3A_519 = arith.constant 27 : i32
      %add3A_520 = vector.broadcast %add3A_519 : i32 to vector<16xi32>
      %add3A_521 = arith.addi %mul3A_410, %add3A_520 : vector<16xi32>
      %gather3A_522 = tpu.vector_load_idx %arg5[%add3A_521] : memref<33040xf32, #tpu.memory_space<vmem>>[vector<16xi32>], vector<16xf32>,
      %add3A_523 = arith.constant 28 : i32
      %add3A_524 = vector.broadcast %add3A_523 : i32 to vector<16xi32>
      %add3A_525 = arith.addi %mul3A_410, %add3A_524 : vector<16xi32>
      %gather3A_526 = tpu.vector_load_idx %arg5[%add3A_525] : memref<33040xf32, #tpu.memory_space<vmem>>[vector<16xi32>], vector<16xf32>,
      %add3A_527 = arith.constant 29 : i32
      %add3A_528 = vector.broadcast %add3A_527 : i32 to vector<16xi32>
      %add3A_529 = arith.addi %mul3A_410, %add3A_528 : vector<16xi32>
      %gather3A_530 = tpu.vector_load_idx %arg5[%add3A_529] : memref<33040xf32, #tpu.memory_space<vmem>>[vector<16xi32>], vector<16xf32>,
      %add3A_531 = arith.constant 30 : i32
      %add3A_532 = vector.broadcast %add3A_531 : i32 to vector<16xi32>
      %add3A_533 = arith.addi %mul3A_410, %add3A_532 : vector<16xi32>
      %gather3A_534 = tpu.vector_load_idx %arg5[%add3A_533] : memref<33040xf32, #tpu.memory_space<vmem>>[vector<16xi32>], vector<16xf32>,
      %add3A_535 = arith.constant 31 : i32
      %add3A_536 = vector.broadcast %add3A_535 : i32 to vector<16xi32>
      %add3A_537 = arith.addi %mul3A_410, %add3A_536 : vector<16xi32>
      %gather3A_538 = tpu.vector_load_idx %arg5[%add3A_537] : memref<33040xf32, #tpu.memory_space<vmem>>[vector<16xi32>], vector<16xf32>,
      %add3A_539 = arith.constant 32 : i32
      %add3A_540 = vector.broadcast %add3A_539 : i32 to vector<16xi32>
      %add3A_541 = arith.addi %mul3A_410, %add3A_540 : vector<16xi32>
      %gather3A_542 = tpu.vector_load_idx %arg5[%add3A_541] : memref<33040xf32, #tpu.memory_space<vmem>>[vector<16xi32>], vector<16xf32>,
      %mul3A_543 = arith.constant 16 : i32
      %mul3A_544 = arith.muli %scan3A_388, %mul3A_543 : i32
      %swap3A_545 = arith.constant 0 : i32
      %swap3A_546 = arith.index_cast %swap3A_545 : i32 to index
      %swap3A_547 = arith.index_cast %mul3A_544 : i32 to index
      %swap3A_548 = tpu.vector_load %arg7[%swap3A_546, %swap3A_547] {strides = array<i32>} : memref<33x1024xf32, #tpu.memory_space<vmem>>, vector<16xf32>,
      tpu.vector_store %arg7[%swap3A_546, %swap3A_547], %gather3A_414 {strides = array<i32>} : memref<33x1024xf32, #tpu.memory_space<vmem>>, vector<16xf32>,
      %mul3A_549 = arith.constant 16 : i32
      %mul3A_550 = arith.muli %scan3A_388, %mul3A_549 : i32
      %swap3A_551 = arith.constant 1 : i32
      %swap3A_552 = arith.index_cast %swap3A_551 : i32 to index
      %swap3A_553 = arith.index_cast %mul3A_550 : i32 to index
      %swap3A_554 = tpu.vector_load %arg7[%swap3A_552, %swap3A_553] {strides = array<i32>} : memref<33x1024xf32, #tpu.memory_space<vmem>>, vector<16xf32>,
      tpu.vector_store %arg7[%swap3A_552, %swap3A_553], %gather3A_418 {strides = array<i32>} : memref<33x1024xf32, #tpu.memory_space<vmem>>, vector<16xf32>,
      %mul3A_555 = arith.constant 16 : i32
      %mul3A_556 = arith.muli %scan3A_388, %mul3A_555 : i32
      %swap3A_557 = arith.constant 2 : i32
      %swap3A_558 = arith.index_cast %swap3A_557 : i32 to index
      %swap3A_559 = arith.index_cast %mul3A_556 : i32 to index
      %swap3A_560 = tpu.vector_load %arg7[%swap3A_558, %swap3A_559] {strides = array<i32>} : memref<33x1024xf32, #tpu.memory_space<vmem>>, vector<16xf32>,
      tpu.vector_store %arg7[%swap3A_558, %swap3A_559], %gather3A_422 {strides = array<i32>} : memref<33x1024xf32, #tpu.memory_space<vmem>>, vector<16xf32>,
      %mul3A_561 = arith.constant 16 : i32
      %mul3A_562 = arith.muli %scan3A_388, %mul3A_561 : i32
      %swap3A_563 = arith.constant 3 : i32
      %swap3A_564 = arith.index_cast %swap3A_563 : i32 to index
      %swap3A_565 = arith.index_cast %mul3A_562 : i32 to index
      %swap3A_566 = tpu.vector_load %arg7[%swap3A_564, %swap3A_565] {strides = array<i32>} : memref<33x1024xf32, #tpu.memory_space<vmem>>, vector<16xf32>,
      tpu.vector_store %arg7[%swap3A_564, %swap3A_565], %gather3A_426 {strides = array<i32>} : memref<33x1024xf32, #tpu.memory_space<vmem>>, vector<16xf32>,
      %mul3A_567 = arith.constant 16 : i32
      %mul3A_568 = arith.muli %scan3A_388, %mul3A_567 : i32
      %swap3A_569 = arith.constant 4 : i32
      %swap3A_570 = arith.index_cast %swap3A_569 : i32 to index
      %swap3A_571 = arith.index_cast %mul3A_568 : i32 to index
      %swap3A_572 = tpu.vector_load %arg7[%swap3A_570, %swap3A_571] {strides = array<i32>} : memref<33x1024xf32, #tpu.memory_space<vmem>>, vector<16xf32>,
      tpu.vector_store %arg7[%swap3A_570, %swap3A_571], %gather3A_430 {strides = array<i32>} : memref<33x1024xf32, #tpu.memory_space<vmem>>, vector<16xf32>,
      %mul3A_573 = arith.constant 16 : i32
      %mul3A_574 = arith.muli %scan3A_388, %mul3A_573 : i32
      %swap3A_575 = arith.constant 5 : i32
      %swap3A_576 = arith.index_cast %swap3A_575 : i32 to index
      %swap3A_577 = arith.index_cast %mul3A_574 : i32 to index
      %swap3A_578 = tpu.vector_load %arg7[%swap3A_576, %swap3A_577] {strides = array<i32>} : memref<33x1024xf32, #tpu.memory_space<vmem>>, vector<16xf32>,
      tpu.vector_store %arg7[%swap3A_576, %swap3A_577], %gather3A_434 {strides = array<i32>} : memref<33x1024xf32, #tpu.memory_space<vmem>>, vector<16xf32>,
      %mul3A_579 = arith.constant 16 : i32
      %mul3A_580 = arith.muli %scan3A_388, %mul3A_579 : i32
      %swap3A_581 = arith.constant 6 : i32
      %swap3A_582 = arith.index_cast %swap3A_581 : i32 to index
      %swap3A_583 = arith.index_cast %mul3A_580 : i32 to index
      %swap3A_584 = tpu.vector_load %arg7[%swap3A_582, %swap3A_583] {strides = array<i32>} : memref<33x1024xf32, #tpu.memory_space<vmem>>, vector<16xf32>,
      tpu.vector_store %arg7[%swap3A_582, %swap3A_583], %gather3A_438 {strides = array<i32>} : memref<33x1024xf32, #tpu.memory_space<vmem>>, vector<16xf32>,
      %mul3A_585 = arith.constant 16 : i32
      %mul3A_586 = arith.muli %scan3A_388, %mul3A_585 : i32
      %swap3A_587 = arith.constant 7 : i32
      %swap3A_588 = arith.index_cast %swap3A_587 : i32 to index
      %swap3A_589 = arith.index_cast %mul3A_586 : i32 to index
      %swap3A_590 = tpu.vector_load %arg7[%swap3A_588, %swap3A_589] {strides = array<i32>} : memref<33x1024xf32, #tpu.memory_space<vmem>>, vector<16xf32>,
      tpu.vector_store %arg7[%swap3A_588, %swap3A_589], %gather3A_442 {strides = array<i32>} : memref<33x1024xf32, #tpu.memory_space<vmem>>, vector<16xf32>,
      %mul3A_591 = arith.constant 16 : i32
      %mul3A_592 = arith.muli %scan3A_388, %mul3A_591 : i32
      %swap3A_593 = arith.constant 8 : i32
      %swap3A_594 = arith.index_cast %swap3A_593 : i32 to index
      %swap3A_595 = arith.index_cast %mul3A_592 : i32 to index
      %swap3A_596 = tpu.vector_load %arg7[%swap3A_594, %swap3A_595] {strides = array<i32>} : memref<33x1024xf32, #tpu.memory_space<vmem>>, vector<16xf32>,
      tpu.vector_store %arg7[%swap3A_594, %swap3A_595], %gather3A_446 {strides = array<i32>} : memref<33x1024xf32, #tpu.memory_space<vmem>>, vector<16xf32>,
      %mul3A_597 = arith.constant 16 : i32
      %mul3A_598 = arith.muli %scan3A_388, %mul3A_597 : i32
      %swap3A_599 = arith.constant 9 : i32
      %swap3A_600 = arith.index_cast %swap3A_599 : i32 to index
      %swap3A_601 = arith.index_cast %mul3A_598 : i32 to index
      %swap3A_602 = tpu.vector_load %arg7[%swap3A_600, %swap3A_601] {strides = array<i32>} : memref<33x1024xf32, #tpu.memory_space<vmem>>, vector<16xf32>,
      tpu.vector_store %arg7[%swap3A_600, %swap3A_601], %gather3A_450 {strides = array<i32>} : memref<33x1024xf32, #tpu.memory_space<vmem>>, vector<16xf32>,
      %mul3A_603 = arith.constant 16 : i32
      %mul3A_604 = arith.muli %scan3A_388, %mul3A_603 : i32
      %swap3A_605 = arith.constant 10 : i32
      %swap3A_606 = arith.index_cast %swap3A_605 : i32 to index
      %swap3A_607 = arith.index_cast %mul3A_604 : i32 to index
      %swap3A_608 = tpu.vector_load %arg7[%swap3A_606, %swap3A_607] {strides = array<i32>} : memref<33x1024xf32, #tpu.memory_space<vmem>>, vector<16xf32>,
      tpu.vector_store %arg7[%swap3A_606, %swap3A_607], %gather3A_454 {strides = array<i32>} : memref<33x1024xf32, #tpu.memory_space<vmem>>, vector<16xf32>,
      %mul3A_609 = arith.constant 16 : i32
      %mul3A_610 = arith.muli %scan3A_388, %mul3A_609 : i32
      %swap3A_611 = arith.constant 11 : i32
      %swap3A_612 = arith.index_cast %swap3A_611 : i32 to index
      %swap3A_613 = arith.index_cast %mul3A_610 : i32 to index
      %swap3A_614 = tpu.vector_load %arg7[%swap3A_612, %swap3A_613] {strides = array<i32>} : memref<33x1024xf32, #tpu.memory_space<vmem>>, vector<16xf32>,
      tpu.vector_store %arg7[%swap3A_612, %swap3A_613], %gather3A_458 {strides = array<i32>} : memref<33x1024xf32, #tpu.memory_space<vmem>>, vector<16xf32>,
      %mul3A_615 = arith.constant 16 : i32
      %mul3A_616 = arith.muli %scan3A_388, %mul3A_615 : i32
      %swap3A_617 = arith.constant 12 : i32
      %swap3A_618 = arith.index_cast %swap3A_617 : i32 to index
      %swap3A_619 = arith.index_cast %mul3A_616 : i32 to index
      %swap3A_620 = tpu.vector_load %arg7[%swap3A_618, %swap3A_619] {strides = array<i32>} : memref<33x1024xf32, #tpu.memory_space<vmem>>, vector<16xf32>,
      tpu.vector_store %arg7[%swap3A_618, %swap3A_619], %gather3A_462 {strides = array<i32>} : memref<33x1024xf32, #tpu.memory_space<vmem>>, vector<16xf32>,
      %mul3A_621 = arith.constant 16 : i32
      %mul3A_622 = arith.muli %scan3A_388, %mul3A_621 : i32
      %swap3A_623 = arith.constant 13 : i32
      %swap3A_624 = arith.index_cast %swap3A_623 : i32 to index
      %swap3A_625 = arith.index_cast %mul3A_622 : i32 to index
      %swap3A_626 = tpu.vector_load %arg7[%swap3A_624, %swap3A_625] {strides = array<i32>} : memref<33x1024xf32, #tpu.memory_space<vmem>>, vector<16xf32>,
      tpu.vector_store %arg7[%swap3A_624, %swap3A_625], %gather3A_466 {strides = array<i32>} : memref<33x1024xf32, #tpu.memory_space<vmem>>, vector<16xf32>,
      %mul3A_627 = arith.constant 16 : i32
      %mul3A_628 = arith.muli %scan3A_388, %mul3A_627 : i32
      %swap3A_629 = arith.constant 14 : i32
      %swap3A_630 = arith.index_cast %swap3A_629 : i32 to index
      %swap3A_631 = arith.index_cast %mul3A_628 : i32 to index
      %swap3A_632 = tpu.vector_load %arg7[%swap3A_630, %swap3A_631] {strides = array<i32>} : memref<33x1024xf32, #tpu.memory_space<vmem>>, vector<16xf32>,
      tpu.vector_store %arg7[%swap3A_630, %swap3A_631], %gather3A_470 {strides = array<i32>} : memref<33x1024xf32, #tpu.memory_space<vmem>>, vector<16xf32>,
      %mul3A_633 = arith.constant 16 : i32
      %mul3A_634 = arith.muli %scan3A_388, %mul3A_633 : i32
      %swap3A_635 = arith.constant 15 : i32
      %swap3A_636 = arith.index_cast %swap3A_635 : i32 to index
      %swap3A_637 = arith.index_cast %mul3A_634 : i32 to index
      %swap3A_638 = tpu.vector_load %arg7[%swap3A_636, %swap3A_637] {strides = array<i32>} : memref<33x1024xf32, #tpu.memory_space<vmem>>, vector<16xf32>,
      tpu.vector_store %arg7[%swap3A_636, %swap3A_637], %gather3A_474 {strides = array<i32>} : memref<33x1024xf32, #tpu.memory_space<vmem>>, vector<16xf32>,
      %mul3A_639 = arith.constant 16 : i32
      %mul3A_640 = arith.muli %scan3A_388, %mul3A_639 : i32
      %swap3A_641 = arith.constant 16 : i32
      %swap3A_642 = arith.index_cast %swap3A_641 : i32 to index
      %swap3A_643 = arith.index_cast %mul3A_640 : i32 to index
      %swap3A_644 = tpu.vector_load %arg7[%swap3A_642, %swap3A_643] {strides = array<i32>} : memref<33x1024xf32, #tpu.memory_space<vmem>>, vector<16xf32>,
      tpu.vector_store %arg7[%swap3A_642, %swap3A_643], %gather3A_478 {strides = array<i32>} : memref<33x1024xf32, #tpu.memory_space<vmem>>, vector<16xf32>,
      %mul3A_645 = arith.constant 16 : i32
      %mul3A_646 = arith.muli %scan3A_388, %mul3A_645 : i32
      %swap3A_647 = arith.constant 17 : i32
      %swap3A_648 = arith.index_cast %swap3A_647 : i32 to index
      %swap3A_649 = arith.index_cast %mul3A_646 : i32 to index
      %swap3A_650 = tpu.vector_load %arg7[%swap3A_648, %swap3A_649] {strides = array<i32>} : memref<33x1024xf32, #tpu.memory_space<vmem>>, vector<16xf32>,
      tpu.vector_store %arg7[%swap3A_648, %swap3A_649], %gather3A_482 {strides = array<i32>} : memref<33x1024xf32, #tpu.memory_space<vmem>>, vector<16xf32>,
      %mul3A_651 = arith.constant 16 : i32
      %mul3A_652 = arith.muli %scan3A_388, %mul3A_651 : i32
      %swap3A_653 = arith.constant 18 : i32
      %swap3A_654 = arith.index_cast %swap3A_653 : i32 to index
      %swap3A_655 = arith.index_cast %mul3A_652 : i32 to index
      %swap3A_656 = tpu.vector_load %arg7[%swap3A_654, %swap3A_655] {strides = array<i32>} : memref<33x1024xf32, #tpu.memory_space<vmem>>, vector<16xf32>,
      tpu.vector_store %arg7[%swap3A_654, %swap3A_655], %gather3A_486 {strides = array<i32>} : memref<33x1024xf32, #tpu.memory_space<vmem>>, vector<16xf32>,
      %mul3A_657 = arith.constant 16 : i32
      %mul3A_658 = arith.muli %scan3A_388, %mul3A_657 : i32
      %swap3A_659 = arith.constant 19 : i32
      %swap3A_660 = arith.index_cast %swap3A_659 : i32 to index
      %swap3A_661 = arith.index_cast %mul3A_658 : i32 to index
      %swap3A_662 = tpu.vector_load %arg7[%swap3A_660, %swap3A_661] {strides = array<i32>} : memref<33x1024xf32, #tpu.memory_space<vmem>>, vector<16xf32>,
      tpu.vector_store %arg7[%swap3A_660, %swap3A_661], %gather3A_490 {strides = array<i32>} : memref<33x1024xf32, #tpu.memory_space<vmem>>, vector<16xf32>,
      %mul3A_663 = arith.constant 16 : i32
      %mul3A_664 = arith.muli %scan3A_388, %mul3A_663 : i32
      %swap3A_665 = arith.constant 20 : i32
      %swap3A_666 = arith.index_cast %swap3A_665 : i32 to index
      %swap3A_667 = arith.index_cast %mul3A_664 : i32 to index
      %swap3A_668 = tpu.vector_load %arg7[%swap3A_666, %swap3A_667] {strides = array<i32>} : memref<33x1024xf32, #tpu.memory_space<vmem>>, vector<16xf32>,
      tpu.vector_store %arg7[%swap3A_666, %swap3A_667], %gather3A_494 {strides = array<i32>} : memref<33x1024xf32, #tpu.memory_space<vmem>>, vector<16xf32>,
      %mul3A_669 = arith.constant 16 : i32
      %mul3A_670 = arith.muli %scan3A_388, %mul3A_669 : i32
      %swap3A_671 = arith.constant 21 : i32
      %swap3A_672 = arith.index_cast %swap3A_671 : i32 to index
      %swap3A_673 = arith.index_cast %mul3A_670 : i32 to index
      %swap3A_674 = tpu.vector_load %arg7[%swap3A_672, %swap3A_673] {strides = array<i32>} : memref<33x1024xf32, #tpu.memory_space<vmem>>, vector<16xf32>,
      tpu.vector_store %arg7[%swap3A_672, %swap3A_673], %gather3A_498 {strides = array<i32>} : memref<33x1024xf32, #tpu.memory_space<vmem>>, vector<16xf32>,
      %mul3A_675 = arith.constant 16 : i32
      %mul3A_676 = arith.muli %scan3A_388, %mul3A_675 : i32
      %swap3A_677 = arith.constant 22 : i32
      %swap3A_678 = arith.index_cast %swap3A_677 : i32 to index
      %swap3A_679 = arith.index_cast %mul3A_676 : i32 to index
      %swap3A_680 = tpu.vector_load %arg7[%swap3A_678, %swap3A_679] {strides = array<i32>} : memref<33x1024xf32, #tpu.memory_space<vmem>>, vector<16xf32>,
      tpu.vector_store %arg7[%swap3A_678, %swap3A_679], %gather3A_502 {strides = array<i32>} : memref<33x1024xf32, #tpu.memory_space<vmem>>, vector<16xf32>,
      %mul3A_681 = arith.constant 16 : i32
      %mul3A_682 = arith.muli %scan3A_388, %mul3A_681 : i32
      %swap3A_683 = arith.constant 23 : i32
      %swap3A_684 = arith.index_cast %swap3A_683 : i32 to index
      %swap3A_685 = arith.index_cast %mul3A_682 : i32 to index
      %swap3A_686 = tpu.vector_load %arg7[%swap3A_684, %swap3A_685] {strides = array<i32>} : memref<33x1024xf32, #tpu.memory_space<vmem>>, vector<16xf32>,
      tpu.vector_store %arg7[%swap3A_684, %swap3A_685], %gather3A_506 {strides = array<i32>} : memref<33x1024xf32, #tpu.memory_space<vmem>>, vector<16xf32>,
      %mul3A_687 = arith.constant 16 : i32
      %mul3A_688 = arith.muli %scan3A_388, %mul3A_687 : i32
      %swap3A_689 = arith.constant 24 : i32
      %swap3A_690 = arith.index_cast %swap3A_689 : i32 to index
      %swap3A_691 = arith.index_cast %mul3A_688 : i32 to index
      %swap3A_692 = tpu.vector_load %arg7[%swap3A_690, %swap3A_691] {strides = array<i32>} : memref<33x1024xf32, #tpu.memory_space<vmem>>, vector<16xf32>,
      tpu.vector_store %arg7[%swap3A_690, %swap3A_691], %gather3A_510 {strides = array<i32>} : memref<33x1024xf32, #tpu.memory_space<vmem>>, vector<16xf32>,
      %mul3A_693 = arith.constant 16 : i32
      %mul3A_694 = arith.muli %scan3A_388, %mul3A_693 : i32
      %swap3A_695 = arith.constant 25 : i32
      %swap3A_696 = arith.index_cast %swap3A_695 : i32 to index
      %swap3A_697 = arith.index_cast %mul3A_694 : i32 to index
      %swap3A_698 = tpu.vector_load %arg7[%swap3A_696, %swap3A_697] {strides = array<i32>} : memref<33x1024xf32, #tpu.memory_space<vmem>>, vector<16xf32>,
      tpu.vector_store %arg7[%swap3A_696, %swap3A_697], %gather3A_514 {strides = array<i32>} : memref<33x1024xf32, #tpu.memory_space<vmem>>, vector<16xf32>,
      %mul3A_699 = arith.constant 16 : i32
      %mul3A_700 = arith.muli %scan3A_388, %mul3A_699 : i32
      %swap3A_701 = arith.constant 26 : i32
      %swap3A_702 = arith.index_cast %swap3A_701 : i32 to index
      %swap3A_703 = arith.index_cast %mul3A_700 : i32 to index
      %swap3A_704 = tpu.vector_load %arg7[%swap3A_702, %swap3A_703] {strides = array<i32>} : memref<33x1024xf32, #tpu.memory_space<vmem>>, vector<16xf32>,
      tpu.vector_store %arg7[%swap3A_702, %swap3A_703], %gather3A_518 {strides = array<i32>} : memref<33x1024xf32, #tpu.memory_space<vmem>>, vector<16xf32>,
      %mul3A_705 = arith.constant 16 : i32
      %mul3A_706 = arith.muli %scan3A_388, %mul3A_705 : i32
      %swap3A_707 = arith.constant 27 : i32
      %swap3A_708 = arith.index_cast %swap3A_707 : i32 to index
      %swap3A_709 = arith.index_cast %mul3A_706 : i32 to index
      %swap3A_710 = tpu.vector_load %arg7[%swap3A_708, %swap3A_709] {strides = array<i32>} : memref<33x1024xf32, #tpu.memory_space<vmem>>, vector<16xf32>,
      tpu.vector_store %arg7[%swap3A_708, %swap3A_709], %gather3A_522 {strides = array<i32>} : memref<33x1024xf32, #tpu.memory_space<vmem>>, vector<16xf32>,
      %mul3A_711 = arith.constant 16 : i32
      %mul3A_712 = arith.muli %scan3A_388, %mul3A_711 : i32
      %swap3A_713 = arith.constant 28 : i32
      %swap3A_714 = arith.index_cast %swap3A_713 : i32 to index
      %swap3A_715 = arith.index_cast %mul3A_712 : i32 to index
      %swap3A_716 = tpu.vector_load %arg7[%swap3A_714, %swap3A_715] {strides = array<i32>} : memref<33x1024xf32, #tpu.memory_space<vmem>>, vector<16xf32>,
      tpu.vector_store %arg7[%swap3A_714, %swap3A_715], %gather3A_526 {strides = array<i32>} : memref<33x1024xf32, #tpu.memory_space<vmem>>, vector<16xf32>,
      %mul3A_717 = arith.constant 16 : i32
      %mul3A_718 = arith.muli %scan3A_388, %mul3A_717 : i32
      %swap3A_719 = arith.constant 29 : i32
      %swap3A_720 = arith.index_cast %swap3A_719 : i32 to index
      %swap3A_721 = arith.index_cast %mul3A_718 : i32 to index
      %swap3A_722 = tpu.vector_load %arg7[%swap3A_720, %swap3A_721] {strides = array<i32>} : memref<33x1024xf32, #tpu.memory_space<vmem>>, vector<16xf32>,
      tpu.vector_store %arg7[%swap3A_720, %swap3A_721], %gather3A_530 {strides = array<i32>} : memref<33x1024xf32, #tpu.memory_space<vmem>>, vector<16xf32>,
      %mul3A_723 = arith.constant 16 : i32
      %mul3A_724 = arith.muli %scan3A_388, %mul3A_723 : i32
      %swap3A_725 = arith.constant 30 : i32
      %swap3A_726 = arith.index_cast %swap3A_725 : i32 to index
      %swap3A_727 = arith.index_cast %mul3A_724 : i32 to index
      %swap3A_728 = tpu.vector_load %arg7[%swap3A_726, %swap3A_727] {strides = array<i32>} : memref<33x1024xf32, #tpu.memory_space<vmem>>, vector<16xf32>,
      tpu.vector_store %arg7[%swap3A_726, %swap3A_727], %gather3A_534 {strides = array<i32>} : memref<33x1024xf32, #tpu.memory_space<vmem>>, vector<16xf32>,
      %mul3A_729 = arith.constant 16 : i32
      %mul3A_730 = arith.muli %scan3A_388, %mul3A_729 : i32
      %swap3A_731 = arith.constant 31 : i32
      %swap3A_732 = arith.index_cast %swap3A_731 : i32 to index
      %swap3A_733 = arith.index_cast %mul3A_730 : i32 to index
      %swap3A_734 = tpu.vector_load %arg7[%swap3A_732, %swap3A_733] {strides = array<i32>} : memref<33x1024xf32, #tpu.memory_space<vmem>>, vector<16xf32>,
      tpu.vector_store %arg7[%swap3A_732, %swap3A_733], %gather3A_538 {strides = array<i32>} : memref<33x1024xf32, #tpu.memory_space<vmem>>, vector<16xf32>,
      %mul3A_735 = arith.constant 16 : i32
      %mul3A_736 = arith.muli %scan3A_388, %mul3A_735 : i32
      %swap3A_737 = arith.constant 32 : i32
      %swap3A_738 = arith.index_cast %swap3A_737 : i32 to index
      %swap3A_739 = arith.index_cast %mul3A_736 : i32 to index
      %swap3A_740 = tpu.vector_load %arg7[%swap3A_738, %swap3A_739] {strides = array<i32>} : memref<33x1024xf32, #tpu.memory_space<vmem>>, vector<16xf32>,
      tpu.vector_store %arg7[%swap3A_738, %swap3A_739], %gather3A_542 {strides = array<i32>} : memref<33x1024xf32, #tpu.memory_space<vmem>>, vector<16xf32>,
      %scan3A_741 = arith.constant 0 : i32
      scf.yield %scan3A_741 : i32
    }
    %scan3A_20 = arith.constant 64 : i32
    %add3A_21 = arith.constant 768 : i32
    %add3A_22 = arith.addi %add3A_21, %add3A : i32
    %mul3A_23 = arith.constant 1024 : i32
    %mul3A_24 = arith.muli %add3A_22, %mul3A_23 : i32
    %dma_start3A = arith.constant 0 : i32
    %dma_start3A_25 = tpu.memref_slice %arg4[%dma_start3A, %mul3A_24] : memref<33x819200xf32, #tpu.memory_space<hbm>> -> memref<33x1024xf32, #tpu.memory_space<hbm>>
    %dma_start3A_26 = arith.constant 0 : i32
    %dma_start3A_27 = tpu.memref_slice %arg4[%dma_start3A_26, %mul3A_24] : memref<33x819200xf32, #tpu.memory_space<hbm>> -> memref<33x1024xf32, #tpu.memory_space<hbm>>
    tpu.enqueue_dma source(%arg7 : memref<33x1024xf32, #tpu.memory_space<vmem>>) target(%dma_start3A_27 : memref<33x1024xf32, #tpu.memory_space<hbm>>) target_semaphore(%arg9 : memref<!tpu.dma_semaphore, #tpu.memory_space<semaphore_mem>>)
    %dma_wait3A_28 = arith.constant 0 : i32
    %dma_wait3A_29 = arith.constant 0 : i32
    %dma_wait3A_30 = tpu.memref_slice %arg4[%dma_wait3A_28, %dma_wait3A_29] : memref<33x819200xf32, #tpu.memory_space<hbm>> -> memref<33x1024xf32, #tpu.memory_space<hbm>>
    %dma_wait3A_31 = arith.constant 0 : i32
    %dma_wait3A_32 = arith.constant 0 : i32
    %dma_wait3A_33 = tpu.memref_slice %arg4[%dma_wait3A_31, %dma_wait3A_32] : memref<33x819200xf32, #tpu.memory_space<hbm>> -> memref<33x1024xf32, #tpu.memory_space<hbm>>
    tpu.wait_dma2 semaphore(%arg9 : memref<!tpu.dma_semaphore, #tpu.memory_space<semaphore_mem>>) src(%dma_wait3A_33 : memref<33x1024xf32, #tpu.memory_space<hbm>>) dst(%arg7 : memref<33x1024xf32, #tpu.memory_space<vmem>>)
    %dma_wait3A_34 = arith.constant 0 : i32
    %dma_wait3A_35 = arith.constant 0 : i32
    %dma_wait3A_36 = tpu.memref_slice %arg4[%dma_wait3A_34, %dma_wait3A_35] : memref<33x819200xf32, #tpu.memory_space<hbm>> -> memref<33x1024xf32, #tpu.memory_space<hbm>>
    %dma_wait3A_37 = arith.constant 0 : i32
    %dma_wait3A_38 = arith.constant 0 : i32
    %dma_wait3A_39 = tpu.memref_slice %arg4[%dma_wait3A_37, %dma_wait3A_38] : memref<33x819200xf32, #tpu.memory_space<hbm>> -> memref<33x1024xf32, #tpu.memory_space<hbm>>
    tpu.wait_dma2 semaphore(%arg10 : memref<!tpu.dma_semaphore, #tpu.memory_space<semaphore_mem>>) src(%dma_wait3A_39 : memref<33x1024xf32, #tpu.memory_space<hbm>>) dst(%arg8 : memref<33x1024xf32, #tpu.memory_space<vmem>>)
    return
  }
}

</mosaic_0001>

<sc_bundles>
// kernel: kernel.3.cloned.1.call-start
scs
__scs_entry_jumppad:
0x0: {  	(pc) =	sbr.rel $0x88, $3  }
0x1: {  	(tag) =	ssettag $0x0;
	lr =	simm.s32 $0x1  }
0x2: {  	[smem:$0x3F9F] =	sst lr;
	_ =	strace $0xD0000000  }
0x3: {  	_ = 	snop  }
0x4: {  	_ = 	snop  }
0x5: {  	_ = 	snop  }
0x6: {  	_ = 	snop  }
0x7: {  	_ = 	snop  }
__scs_overlays_trampoline_lowered:
0x8: {  	[smem:$0x3FAE] =	sst s0  }
0x9: {  	[smem:$0x3FAF] =	sst s1  }
0xa: {  	[smem:$0x3FB0] =	sst s2  }
0xb: {  	[smem:$0x3FB1] =	sst s3  }
0xc: {  	[smem:$0x3FB2] =	sst s4  }
0xd: {  	[smem:$0x3FB3] =	sst s5  }
0xe: {  	[smem:$0x3FB4] =	sst s6  }
0xf: {  	[smem:$0x3FB5] =	sst s7  }
0x10: {  	[smem:$0x3FB6] =	sst s8  }
0x11: {  	[smem:$0x3FB7] =	sst s9;
	s0 =	simm.s32 @!p0 $0x0  }
0x12: {  	s1 =	sld [smem:$0x3F9D];
	s0 =	simm.s32 @p0 $0x1  }
0x13: {  	[smem:$0x3FB8] =	sst s0;
	s0 =	simm.s32 @!p1 $0x0  }
0x14: {  	s2 =	sld [smem:$0x3F9C];
	s0 =	simm.s32 @p1 $0x1  }
0x15: {  	[smem:$0x3FB9] =	sst s0;
	s0 =	simm.s32 @!p2 $0x0  }
0x16: {  	s3 =	sld [smem:$0x3FDB];
	s0 =	simm.s32 @p2 $0x1  }
0x17: {  	s4 =	simm.s32 $0x1BF5;
	[smem:$0x3FBB] =	sst s0  }
0x18: {  	s0 =	sld [smem:$0x3F9E];
	_ =	swait.ge [sflag:s4], $0x0  }
0x19: {  	s7 =	sld [smem:$0x3F9F]  }
0x1a: {  	s8 =	sadd.s32 $0xFFFFE003, lr  }
0x1b: {  	s9 =	sadd.s32 $0xFFFFFEF7, lr;
	s5 =	simm.s32 $0xFFFFFFFF;
	p2 =	slt.u32 s8, $0xFFFFF086  }
0x1c: {  	p1 =	slt.u32 s9, $0xF7A;
	s5 =	simm.s32 @!p2 $0x0  }
0x1d: {  	s5 =	simm.s32 @p1 $0x1;
	p0 =	seq.s32 s7, s2  }
0x1e: {  	s7 =	smul.u32 @!p0 $0xF7A, s2;
	p2 =	seq.s32 @!p0 s5, $0x0  }
0x1f: {  	s9 =	smul.u32 $0xF7A, s1;
	s8 =	simm.s32 @!p0 $0x1BF5;
	p2 =	por !p2, p0  }
0x20: {  	[sflag:s8] =	ssyncset.s32 @!p0 $0xFFFFF086;
	s6 =	sadd.s32 @!p0 s3, s7;
	s7 =	simm.s32 @!p0 $0x108  }
0x21: {  	s3 =	sadd.s32 s3, s9;
	s6 =	sadd.s32 @!p0 $0x88, s6;
	s7 =	simm.s32 @p2 $0x1082  }
0x22: {  	[simem:s7], [sflag:s8] =	dma.local @!p0 [hbm:s6], $0xF7A  }
0x23: {  	s9 =	sor.u32 $0xD0000000, s2;
	s6 =	simm.s32 $0x108;
	_ =	swait.ge @!p0 [sflag:s8], $0x0  }
0x24: {  	s3 =	sadd.s32 $0x88, s3;
	s6 =	simm.s32 @!p1 $0x1082;
	[sflag:s4] =	ssyncset.s32 $0xFFFFF086  }
0x25: {  	[simem:s6], [sflag:s4] =	dma.local [hbm:s3], $0xF7A  }
0x26: {  	[smem:$0x3F9F] =	sst s1;
	(tag) =	ssettag s2;
	_ =	strace s9  }
0x27: {  	s1 =	sld [smem:$0x3FAF]  }
0x28: {  	s2 =	sld [smem:$0x3FB0]  }
0x29: {  	s4 =	sld [smem:$0x3FB2]  }
0x2a: {  	p0 =	seq.s32 s5, $0x0;
	s5 =	sld [smem:$0x3FB3]  }
0x2b: {  	s6 =	sld [smem:$0x3FB4]  }
0x2c: {  	s7 =	sld [smem:$0x3FB5]  }
0x2d: {  	s3 =	simm.s32 $0x108;
	s8 =	sld [smem:$0x3FB6]  }
0x2e: {  	s3 =	simm.s32 @!p0 $0x1082;
	s9 =	sld [smem:$0x3FB7]  }
0x2f: {  	lr =	sadd.s32 s0, s3;
	s0 =	sld [smem:$0x3FAE]  }
0x30: {  	s3 =	sld [smem:$0x3FB1]  }
0x31: {  	[smem:$0x3FBA] =	sst s10  }
0x32: {  	s10 =	sld [smem:$0x3FB8];
	_ =	sdelay $0x3  }
0x33: {  	p0 =	seq.s32 s10, $0x1;
	s10 =	sld [smem:$0x3FBA];
	_ =	sdelay $0x3  }
0x34: {  	[smem:$0x3FBA] =	sst s10  }
0x35: {  	s10 =	sld [smem:$0x3FB9];
	_ =	sdelay $0x3  }
0x36: {  	p1 =	seq.s32 s10, $0x1;
	s10 =	sld [smem:$0x3FBA];
	_ =	sdelay $0x3  }
0x37: {  	[smem:$0x3FBA] =	sst s10  }
0x38: {  	s10 =	sld [smem:$0x3FBB]  }
0x39: {  	_ = 	snop;
	(pc) =	sbr.ind lr, $3  }
0x3a: {  	_ = 	snop  }
0x3b: {  	_ = 	snop  }
0x3c: {  	p2 =	seq.s32 s10, $0x1;
	s10 =	sld [smem:$0x3FBA]  }
0x3d: {  	_ =	shalt  }
0x3e: {  	_ =	shalt  }
0x3f: {  	_ =	shalt  }
0x40: {  	_ =	shalt  }
0x41: {  	_ =	shalt  }
0x42: {  	_ =	shalt  }
0x43: {  	_ =	shalt  }
0x44: {  	_ =	shalt  }
0x45: {  	_ =	shalt  }
0x46: {  	_ =	shalt  }
0x47: {  	_ =	shalt  }
0x48: {  	_ =	shalt  }
0x49: {  	_ =	shalt  }
0x4a: {  	_ =	shalt  }
0x4b: {  	_ =	shalt  }
0x4c: {  	_ =	shalt  }
0x4d: {  	_ =	shalt  }
0x4e: {  	_ =	shalt  }
0x4f: {  	_ =	shalt  }
0x50: {  	_ =	shalt  }
0x51: {  	_ =	shalt  }
0x52: {  	_ =	shalt  }
0x53: {  	_ =	shalt  }
0x54: {  	_ =	shalt  }
0x55: {  	_ =	shalt  }
0x56: {  	_ =	shalt  }
0x57: {  	_ =	shalt  }
0x58: {  	_ =	shalt  }
0x59: {  	_ =	shalt  }
0x5a: {  	_ =	shalt  }
0x5b: {  	_ =	shalt  }
0x5c: {  	_ =	shalt  }
0x5d: {  	_ =	shalt  }
0x5e: {  	_ =	shalt  }
0x5f: {  	_ =	shalt  }
0x60: {  	_ =	shalt  }
0x61: {  	_ =	shalt  }
0x62: {  	_ =	shalt  }
0x63: {  	_ =	shalt  }
0x64: {  	_ =	shalt  }
0x65: {  	_ =	shalt  }
0x66: {  	_ =	shalt  }
0x67: {  	_ =	shalt  }
0x68: {  	_ =	shalt  }
0x69: {  	_ =	shalt  }
0x6a: {  	_ =	shalt  }
0x6b: {  	_ =	shalt  }
0x6c: {  	_ =	shalt  }
0x6d: {  	_ =	shalt  }
0x6e: {  	_ =	shalt  }
0x6f: {  	_ =	shalt  }
0x70: {  	_ =	shalt  }
0x71: {  	_ =	shalt  }
0x72: {  	_ =	shalt  }
0x73: {  	_ =	shalt  }
0x74: {  	_ =	shalt  }
0x75: {  	_ =	shalt  }
0x76: {  	_ =	shalt  }
0x77: {  	_ =	shalt  }
0x78: {  	_ =	shalt  }
0x79: {  	_ =	shalt  }
0x7a: {  	_ =	shalt  }
0x7b: {  	_ =	shalt  }
0x7c: {  	_ =	shalt  }
0x7d: {  	_ =	shalt  }
0x7e: {  	_ =	shalt  }
0x7f: {  	_ =	shalt  }
0x80: {  	_ =	shalt  }
0x81: {  	_ =	shalt  }
0x82: {  	_ =	shalt  }
0x83: {  	_ =	shalt  }
0x84: {  	_ =	shalt  }
0x85: {  	_ =	shalt  }
0x86: {  	_ =	shalt  }
0x87: {  	_ =	shalt  }
.Lfunc_end0:
.L_simem_size_0:
called_computation_lowered:
.L_overlay_start_0:
0x88: {  	s2 =	sld [smem:$0x3FD9]  }
0x89: {  	s3 =	sld [smem:$0x3FFE];
	_ =	sdelay $0x1  }
0x8a: {  	s1 =	srdreg.scid  }
0x8b: {  	s0 =	sand.u32 $0x1, s1  }
0x8c: {  	s17 =	sshll.u32 s0, $0xA;
	s2 =	sadd.s32 s3, s2  }
0x8d: {  	s2 =	sadd.s32 s2, s17  }
0x8e: {  	[smem:$0x3FC6] =	sst s2  }
0x8f: {  	_ = 	snop  }
0x90: {  	s2 =	sld [smem:$0x3FC9]  }
0x91: {  	s18 =	sld [smem:$0x3FD0];
	(tm) =	ssettm $0x1  }
0x92: {  	s4 =	sld [smem:$0x3FFB];
	_ =	sdelay $0x3  }
0x93: {  	_ =	strace s4  }
0x94: {  	s4 =	sld [smem:$0x3FFC];
	_ =	sdelay $0x3  }
0x95: {  	_ =	strace s4  }
0x96: {  	s4 =	sld [smem:$0x3FFD];
	_ =	sdelay $0x3  }
0x97: {  	_ =	strace s4  }
0x98: {  	_ =	strace $0x8FFFFFFF  }
0x99: {  	s19 =	sld [smem:$0x3FDB];
	_ =	sdelay $0x1  }
0x9a: {  	s5 =	simm.s32 $_scs_section_size  }
0x9b: {  	s6 =	simm.s32 $_size__tile_overlayer_lowered;
	s7 =	simm.s32 $_tile_overlayer_lowered  }
0x9c: {  	s22 =	simm.s32 $0x1BFF;
	s21 =	sshll.u32 s7, $0x1;
	s4 =	sadd.s32 s5, s19  }
0x9d: {  	s8 =	simm.s32 $0x0;
	s20 =	sshll.u32 s6, $0x1;
	s6 =	sadd.s32 s21, s4  }
0x9e: {  	[timem:s8], [sflag:s22] =	dma.local [hbm:s6], s20  }
0x9f: {  	_ =	swait.ge [sflag:s22], s20  }
0xa0: {  	s5 =	ssub.s32 $0x0, s20;
	[sflag:s22] =	ssyncset.done $0x0  }
0xa1: {  	[sflag:s22] =	ssyncadd.s32 s5;
	_ =	sdelay $0x1  }
0xa2: {  	s23 =	simm.s32 $0x1B8B  }
0xa3: {  	_ =	swait.ge [sflag:s23], $0x1  }
0xa4: {  	[sflag:s23] =	ssyncset.done $0x0  }
0xa5: {  	s25 =	simm.s32 $0x1B8E;
	s24 =	sld [smem:$0x3FFE];
	[sflag:s23] =	ssyncadd.s32 $0xFFFFFFFF  }
0xa6: {  	s26 =	simm.s32 $execute0_lowered;
	[smem:$0x3FD2] =	sst s25  }
0xa7: {  	s6 =	sshll.u32 s26, $0x1;
	_ =	strace $0x80000046;
	[dreg:$0x1] =	wrdreg $0xFFFFFFFF  }
0xa8: {  	s28 =	simm.s32 $_size_execute0_lowered;
	s4 =	sadd.s32 s4, s6;
	[dreg:$0x0] =	wrdreg $0x0  }
0xa9: {  	s6 =	sshll.u32 s28, $0x1;
	[dreg:$0x2] =	wrdreg s4  }
0xaa: {  	[dreg:$0x3] =	wrdreg s6  }
0xab: {  	[dreg:$0x4] =	wrdreg $0xC0  }
0xac: {  	_ =	task [dreg:s8], $0x5FFFF  }
0xad: {  	[dreg:$0x1] =	wrdreg $0xFFFFFFFF  }
0xae: {  	[dreg:$0x0] =	wrdreg $0x60  }
0xaf: {  	[dreg:$0x2] =	wrdreg s2  }
0xb0: {  	[dreg:$0x3] =	wrdreg s24  }
0xb1: {  	[dreg:$0x4] =	wrdreg s18  }
0xb2: {  	[dreg:$0x5] =	wrdreg $0x9  }
0xb3: {  	_ =	task.clear_ibuf [dreg:s8], $0x6FFFF;
	_ =	strace $0x90000046  }
0xb4: {  	s29 =	simm.s32 $0x9;
	_ =	strace $0x80000048  }
0xb5: {  	_ =	swait.ge [sflag:s29], $0x1  }
0xb6: {  	[sflag:s29] =	ssyncadd.s32 $0xFFFFFFFF  }
0xb7: {  	_ =	strace $0x90000048  }
0xb8: {  	_ =	sfence  }
0xb9: {  	s30 =	sld [smem:$0x0];
	_ =	sdelay $0x2  }
0xba: {  	s31 =	sshll.u32 s1, $0xD;
	s1 =	sshrl.u32 s1, $0x2  }
0xbb: {  	s3 =	sand.u32 $0x4000, s31;
	s1 =	sadd.s32 s1, s30  }
0xbc: {  	s0 =	sor.u32 s3, s0;
	s1 =	sshll.u32 s1, $0x11  }
0xbd: {  	s0 =	sor.u32 s1, s0  }
0xbe: {  	s0 =	sadd.s32 $0x8F2B, s0  }
0xbf: {  	[sflag:s0] =	ssyncadd.remote.s32 $0x1  }
0xc0: {  	_ =	sfence.sel $0xFFFF  }
0xc1: {  	[dreg:$0x0] =	wrdreg $0xFFFFFFFF;
	(pc) =	sbr.abs _section_cstart, $3  }
0xc2: {  	[dreg:$0x1] =	wrdreg $0xFFFFFFFF  }
0xc3: {  	_ =	task.clear_ibuf [dreg:s8], $0x2FFFF;
	_ =	strace $0x9FFFFFFF  }
0xc4: {  	(tm) =	ssettm $0x7FFFFFFF  }
0xc5: {  	_ =	shalt  }
tec
execute0_lowered:
.L_overlay_start_1:
0x0: {  	(tag) =	ssettag $0x1  }
0x1: {  	s4 =	rddreg [dreg:$0x0]  }
0x2: {  	s3 =	rddreg [dreg:$0x1]  }
0x3: {  	s5 =	rddreg [dreg:$0x2]  }
0x4: {  	s0 =	rddreg [dreg:$0x3]  }
0x5: {  	s2 =	simm.s32 $0x0;
	s6 =	srdreg.scid;
	s1 =	stileid.u32  }
0x6: {  	s10 =	simm.s32 $0x8000;
	s11 =	simm.s32 $0x8110;
	s12 =	simm.s32 $0xC8000  }
0x7: {  	s13 =	simm.s32 $0xE510;
	s14 =	simm.s32 $0x16910;
	s15 =	simm.s32 $0x1  }
0x8: {  	s16 =	simm.s32 $0x2;
	s17 =	simm.s32 $0x0;
	[smem:$0x7FF] =	sst s2  }
0x9: {  	s6 =	sand.u32 $0x1, s6;
	s8 =	sshll.u32 s1, $0x8;
	s3 =	sadd.s32 $0x400, s3  }
0xa: {  	_ =	strace $0x80000047;
	s7 =	ssub.s32 $0x2, s6;
	s6 =	sshll.u32 s6, $0x7  }
0xb: {  	s9 =	sshrl.u32 s7, $0x1;
	s6 =	sor.u32 s6, s8;
	s8 =	simm.s32 $0x3  }
0xc: {  	s7 =	ssub.s32 s7, s9;
	s4 =	sadd.s32 s4, s6;
	s5 =	sadd.s32 s5, s6  }
0xd: {  	s9 =	simm.s32 $0x400;
	s6 =	sadd.s32 $0x18000, s5;
	s7 =	smax.u32 s7, $0x1  }
.LBB2_1:
0xe: {  	[tilespmem:s2], [sflag:$0x3] =	stream.linear.gather [hbm4b:s3+s2], $0x8110, $0x38;
	[tilespmem:$0x1ED10] =	vst v63  }
0xf: {  	_ =	swait.ge [sflag:s8], $0x8110  }
0x10: {  	[sflag:s8] =	ssyncset.done $0x0  }
0x11: {  	[sflag:s8] =	ssyncadd.s32 $0xFFFF7EF0  }
0x12: {  	[tilespmem:s11], [sflag:$0x3] =	stream.strided.gather [hbm4b:s4+s9], $0x6400, s10, s9, $0x38;
	[tilespmem:$0x1ED10] =	vst v63  }
0x13: {  	_ =	swait.ge [sflag:s8], $0x6400  }
0x14: {  	s18 =	simm.s32 $0x8120;
	[sflag:s8] =	ssyncset.done $0x0  }
0x15: {  	s19 =	simm.s32 $0x8520;
	s20 =	simm.s32 $0x0;
	[sflag:s8] =	ssyncadd.s32 $0xFFFF9C00  }
.LBB2_2:
0x16: {  	p0 =	seq.s32 s20, $0x0  }
0x17: {  	v0 =	vmov s18;
	s21 =	simm.s32 @!p0 $0x1  }
0x18: {  	_ =	swait.ge @!p0 [sflag:s21], $0x8400  }
0x19: {  	s22 =	simm.s32 $0xFFFFFFFE;
	[sflag:s21] =	ssyncset.done @!p0 $0x0  }
0x1a: {  	s23 =	simm.s32 $0x0;
	[sflag:s21] =	ssyncadd.s32 @!p0 $0xFFFF7C00;
	s21 =	sshll.u32 s20, $0xD  }
.LBB2_3:
0x1b: {  	s24 =	sshra.s32 s23, $0x2  }
0x1c: {  	v1 =	vld.idx.msk [tilespmem:v0+s24+$0xFFFFFFF0 ss:$0x1], $0xffff;
	_ =	sdelay $0x4  }
0x1d: {  	v2 =	vmul.u32 $0x21, v1;
	_ =	sdelay $0x1  }
0x1e: {  	vm0 =	vlt.u32 v1, $0x3E8;
	v1 =	vadd.s32 $0x21, v2  }
0x1f: {  	v1 =	vnsel vm0, $0x0, v1  }
0x20: {  	v2 =	vadd.s32 $0x1, v1  }
0x21: {  	v3 =	vadd.s32 $0x2, v1  }
0x22: {  	v4 =	vadd.s32 $0x3, v1  }
0x23: {  	v5 =	vadd.s32 $0x4, v1  }
0x24: {  	v7 =	vadd.s32 $0x5, v1;
	v6 =	vld.idx.msk [tilespmem:v1+s2+$0x0], $0xffff  }
0x25: {  	v8 =	vadd.s32 $0x6, v1;
	v2 =	vld.idx.msk [tilespmem:v2+s2+$0x0], $0xffff  }
0x26: {  	v9 =	vadd.s32 $0x7, v1;
	v3 =	vld.idx.msk [tilespmem:v3+s2+$0x0], $0xffff  }
0x27: {  	v10 =	vadd.s32 $0x8, v1;
	v4 =	vld.idx.msk [tilespmem:v4+s2+$0x0], $0xffff  }
0x28: {  	v11 =	vadd.s32 $0x9, v1;
	v5 =	vld.idx.msk [tilespmem:v5+s2+$0x0], $0xffff  }
0x29: {  	v12 =	vadd.s32 $0xA, v1;
	v7 =	vld.idx.msk [tilespmem:v7+s2+$0x0], $0xffff  }
0x2a: {  	v13 =	vadd.s32 $0xB, v1;
	v8 =	vld.idx.msk [tilespmem:v8+s2+$0x0], $0xffff  }
0x2b: {  	v14 =	vadd.s32 $0xC, v1;
	v9 =	vld.idx.msk [tilespmem:v9+s2+$0x0], $0xffff  }
0x2c: {  	v15 =	vadd.s32 $0xD, v1;
	v10 =	vld.idx.msk [tilespmem:v10+s2+$0x0], $0xffff  }
0x2d: {  	v16 =	vadd.s32 $0xE, v1;
	v11 =	vld.idx.msk [tilespmem:v11+s2+$0x0], $0xffff  }
0x2e: {  	v17 =	vadd.s32 $0xF, v1;
	v12 =	vld.idx.msk [tilespmem:v12+s2+$0x0], $0xffff  }
0x2f: {  	v18 =	vadd.s32 $0x10, v1;
	v13 =	vld.idx.msk [tilespmem:v13+s2+$0x0], $0xffff  }
0x30: {  	v19 =	vadd.s32 $0x11, v1;
	v14 =	vld.idx.msk [tilespmem:v14+s2+$0x0], $0xffff  }
0x31: {  	v20 =	vadd.s32 $0x12, v1;
	v15 =	vld.idx.msk [tilespmem:v15+s2+$0x0], $0xffff  }
0x32: {  	v21 =	vadd.s32 $0x13, v1;
	v16 =	vld.idx.msk [tilespmem:v16+s2+$0x0], $0xffff  }
0x33: {  	v22 =	vadd.s32 $0x14, v1;
	v17 =	vld.idx.msk [tilespmem:v17+s2+$0x0], $0xffff  }
0x34: {  	v23 =	vadd.s32 $0x15, v1;
	v18 =	vld.idx.msk [tilespmem:v18+s2+$0x0], $0xffff  }
0x35: {  	v24 =	vadd.s32 $0x16, v1;
	v19 =	vld.idx.msk [tilespmem:v19+s2+$0x0], $0xffff  }
0x36: {  	v25 =	vadd.s32 $0x17, v1;
	v20 =	vld.idx.msk [tilespmem:v20+s2+$0x0], $0xffff  }
0x37: {  	v26 =	vadd.s32 $0x18, v1;
	v21 =	vld.idx.msk [tilespmem:v21+s2+$0x0], $0xffff  }
0x38: {  	v27 =	vadd.s32 $0x19, v1;
	v22 =	vld.idx.msk [tilespmem:v22+s2+$0x0], $0xffff  }
0x39: {  	v28 =	vadd.s32 $0x1A, v1;
	v23 =	vld.idx.msk [tilespmem:v23+s2+$0x0], $0xffff  }
0x3a: {  	v29 =	vadd.s32 $0x1B, v1;
	v24 =	vld.idx.msk [tilespmem:v24+s2+$0x0], $0xffff  }
0x3b: {  	v30 =	vadd.s32 $0x1C, v1;
	v25 =	vld.idx.msk [tilespmem:v25+s2+$0x0], $0xffff  }
0x3c: {  	v31 =	vadd.s32 $0x1D, v1;
	v26 =	vld.idx.msk [tilespmem:v26+s2+$0x0], $0xffff  }
0x3d: {  	v32 =	vadd.s32 $0x1E, v1;
	v27 =	vld.idx.msk [tilespmem:v27+s2+$0x0], $0xffff  }
0x3e: {  	v33 =	vadd.s32 $0x1F, v1;
	v28 =	vld.idx.msk [tilespmem:v28+s2+$0x0], $0xffff  }
0x3f: {  	v1 =	vadd.s32 $0x20, v1;
	v29 =	vld.idx.msk [tilespmem:v29+s2+$0x0], $0xffff  }
0x40: {  	v30 =	vld.idx.msk [tilespmem:v30+s2+$0x0], $0xffff  }
0x41: {  	v31 =	vld.idx.msk [tilespmem:v31+s2+$0x0], $0xffff  }
0x42: {  	v32 =	vld.idx.msk [tilespmem:v32+s2+$0x0], $0xffff  }
0x43: {  	v33 =	vld.idx.msk [tilespmem:v33+s2+$0x0], $0xffff  }
0x44: {  	v1 =	vld.idx.msk [tilespmem:v1+s2+$0x0], $0xffff;
	[tilespmem:s24+$0xE510] =	vst v6  }
0x45: {  	[tilespmem:s24+$0xE910] =	vst v2  }
0x46: {  	[tilespmem:s24+$0xED10] =	vst v3  }
0x47: {  	[tilespmem:s24+$0xF110] =	vst v4  }
0x48: {  	[tilespmem:s24+$0xF510] =	vst v5  }
0x49: {  	[tilespmem:s24+$0xF910] =	vst v7  }
0x4a: {  	[tilespmem:s24+$0xFD10] =	vst v8  }
0x4b: {  	[tilespmem:s24+$0x10110] =	vst v9  }
0x4c: {  	[tilespmem:s24+$0x10510] =	vst v10  }
0x4d: {  	[tilespmem:s24+$0x10910] =	vst v11  }
0x4e: {  	[tilespmem:s24+$0x10D10] =	vst v12  }
0x4f: {  	[tilespmem:s24+$0x11110] =	vst v13  }
0x50: {  	[tilespmem:s24+$0x11510] =	vst v14  }
0x51: {  	[tilespmem:s24+$0x11910] =	vst v15  }
0x52: {  	[tilespmem:s24+$0x11D10] =	vst v16  }
0x53: {  	[tilespmem:s24+$0x12110] =	vst v17  }
0x54: {  	[tilespmem:s24+$0x12510] =	vst v18  }
0x55: {  	[tilespmem:s24+$0x12910] =	vst v19  }
0x56: {  	[tilespmem:s24+$0x12D10] =	vst v20  }
0x57: {  	[tilespmem:s24+$0x13110] =	vst v21  }
0x58: {  	[tilespmem:s24+$0x13510] =	vst v22  }
0x59: {  	[tilespmem:s24+$0x13910] =	vst v23  }
0x5a: {  	[tilespmem:s24+$0x13D10] =	vst v24  }
0x5b: {  	[tilespmem:s24+$0x14110] =	vst v25  }
0x5c: {  	[tilespmem:s24+$0x14510] =	vst v26  }
0x5d: {  	[tilespmem:s24+$0x14910] =	vst v27  }
0x5e: {  	[tilespmem:s24+$0x14D10] =	vst v28  }
0x5f: {  	[tilespmem:s24+$0x15110] =	vst v29  }
0x60: {  	[tilespmem:s24+$0x15510] =	vst v30  }
0x61: {  	[tilespmem:s24+$0x15910] =	vst v31  }
0x62: {  	[tilespmem:s24+$0x15D10] =	vst v32  }
0x63: {  	[tilespmem:s24+$0x16110] =	vst v33  }
0x64: {  	[tilespmem:s24+$0x16510] =	vst v1  }
0x65: {  	v1 =	vld.idx.msk [tilespmem:v0+s24+$0x0 ss:$0x1], $0xffff;
	_ =	sdelay $0x4  }
0x66: {  	v2 =	vmul.u32 $0x21, v1;
	_ =	sdelay $0x1  }
0x67: {  	vm15 =	vlt.u32 v1, $0x3E8;
	v1 =	vadd.s32 $0x21, v2  }
0x68: {  	v1 =	vnsel vm15, $0x0, v1  }
0x69: {  	v2 =	vadd.s32 $0x1, v1  }
0x6a: {  	v3 =	vadd.s32 $0x2, v1  }
0x6b: {  	v35 =	vadd.s32 $0x3, v1  }
0x6c: {  	v36 =	vadd.s32 $0x4, v1  }
0x6d: {  	v37 =	vadd.s32 $0x5, v1;
	v6 =	vld.idx.msk [tilespmem:v1+s2+$0x0], $0xffff  }
0x6e: {  	v38 =	vadd.s32 $0x6, v1;
	v2 =	vld.idx.msk [tilespmem:v2+s2+$0x0], $0xffff  }
0x6f: {  	v39 =	vadd.s32 $0x7, v1;
	v3 =	vld.idx.msk [tilespmem:v3+s2+$0x0], $0xffff  }
0x70: {  	v40 =	vadd.s32 $0x8, v1;
	v4 =	vld.idx.msk [tilespmem:v35+s2+$0x0], $0xffff  }
0x71: {  	v41 =	vadd.s32 $0x9, v1;
	v5 =	vld.idx.msk [tilespmem:v36+s2+$0x0], $0xffff  }
0x72: {  	v42 =	vadd.s32 $0xA, v1;
	v7 =	vld.idx.msk [tilespmem:v37+s2+$0x0], $0xffff  }
0x73: {  	v43 =	vadd.s32 $0xB, v1;
	v8 =	vld.idx.msk [tilespmem:v38+s2+$0x0], $0xffff  }
0x74: {  	v44 =	vadd.s32 $0xC, v1;
	v9 =	vld.idx.msk [tilespmem:v39+s2+$0x0], $0xffff  }
0x75: {  	v45 =	vadd.s32 $0xD, v1;
	v10 =	vld.idx.msk [tilespmem:v40+s2+$0x0], $0xffff  }
0x76: {  	v46 =	vadd.s32 $0xE, v1;
	v11 =	vld.idx.msk [tilespmem:v41+s2+$0x0], $0xffff  }
0x77: {  	v47 =	vadd.s32 $0xF, v1;
	v12 =	vld.idx.msk [tilespmem:v42+s2+$0x0], $0xffff  }
0x78: {  	v48 =	vadd.s32 $0x10, v1;
	v13 =	vld.idx.msk [tilespmem:v43+s2+$0x0], $0xffff  }
0x79: {  	v49 =	vadd.s32 $0x11, v1;
	v14 =	vld.idx.msk [tilespmem:v44+s2+$0x0], $0xffff  }
0x7a: {  	v50 =	vadd.s32 $0x12, v1;
	v15 =	vld.idx.msk [tilespmem:v45+s2+$0x0], $0xffff  }
0x7b: {  	v51 =	vadd.s32 $0x13, v1;
	v16 =	vld.idx.msk [tilespmem:v46+s2+$0x0], $0xffff  }
0x7c: {  	v52 =	vadd.s32 $0x14, v1;
	v17 =	vld.idx.msk [tilespmem:v47+s2+$0x0], $0xffff  }
0x7d: {  	v53 =	vadd.s32 $0x15, v1;
	v18 =	vld.idx.msk [tilespmem:v48+s2+$0x0], $0xffff  }
0x7e: {  	v54 =	vadd.s32 $0x16, v1;
	v19 =	vld.idx.msk [tilespmem:v49+s2+$0x0], $0xffff  }
0x7f: {  	v55 =	vadd.s32 $0x17, v1;
	v20 =	vld.idx.msk [tilespmem:v50+s2+$0x0], $0xffff  }
0x80: {  	v56 =	vadd.s32 $0x18, v1;
	v21 =	vld.idx.msk [tilespmem:v51+s2+$0x0], $0xffff  }
0x81: {  	v57 =	vadd.s32 $0x19, v1;
	v22 =	vld.idx.msk [tilespmem:v52+s2+$0x0], $0xffff  }
0x82: {  	v58 =	vadd.s32 $0x1A, v1;
	v23 =	vld.idx.msk [tilespmem:v53+s2+$0x0], $0xffff  }
0x83: {  	v59 =	vadd.s32 $0x1B, v1;
	v24 =	vld.idx.msk [tilespmem:v54+s2+$0x0], $0xffff  }
0x84: {  	v60 =	vadd.s32 $0x1C, v1;
	v25 =	vld.idx.msk [tilespmem:v55+s2+$0x0], $0xffff  }
0x85: {  	v61 =	vadd.s32 $0x1D, v1;
	v26 =	vld.idx.msk [tilespmem:v56+s2+$0x0], $0xffff  }
0x86: {  	v62 =	vadd.s32 $0x1E, v1;
	v27 =	vld.idx.msk [tilespmem:v57+s2+$0x0], $0xffff  }
0x87: {  	v63 =	vadd.s32 $0x1F, v1;
	v28 =	vld.idx.msk [tilespmem:v58+s2+$0x0], $0xffff  }
0x88: {  	v1 =	vadd.s32 $0x20, v1;
	v29 =	vld.idx.msk [tilespmem:v59+s2+$0x0], $0xffff  }
0x89: {  	v30 =	vld.idx.msk [tilespmem:v60+s2+$0x0], $0xffff  }
0x8a: {  	v31 =	vld.idx.msk [tilespmem:v61+s2+$0x0], $0xffff  }
0x8b: {  	v32 =	vld.idx.msk [tilespmem:v62+s2+$0x0], $0xffff  }
0x8c: {  	v33 =	vld.idx.msk [tilespmem:v63+s2+$0x0], $0xffff  }
0x8d: {  	v1 =	vld.idx.msk [tilespmem:v1+s2+$0x0], $0xffff;
	[tilespmem:s24+$0xE520] =	vst v6  }
0x8e: {  	[tilespmem:s24+$0xE920] =	vst v2  }
0x8f: {  	[tilespmem:s24+$0xED20] =	vst v3  }
0x90: {  	[tilespmem:s24+$0xF120] =	vst v4  }
0x91: {  	[tilespmem:s24+$0xF520] =	vst v5  }
0x92: {  	[tilespmem:s24+$0xF920] =	vst v7  }
0x93: {  	[tilespmem:s24+$0xFD20] =	vst v8  }
0x94: {  	[tilespmem:s24+$0x10120] =	vst v9  }
0x95: {  	[tilespmem:s24+$0x10520] =	vst v10  }
0x96: {  	[tilespmem:s24+$0x10920] =	vst v11  }
0x97: {  	[tilespmem:s24+$0x10D20] =	vst v12  }
0x98: {  	[tilespmem:s24+$0x11120] =	vst v13  }
0x99: {  	[tilespmem:s24+$0x11520] =	vst v14  }
0x9a: {  	[tilespmem:s24+$0x11920] =	vst v15  }
0x9b: {  	[tilespmem:s24+$0x11D20] =	vst v16  }
0x9c: {  	[tilespmem:s24+$0x12120] =	vst v17  }
0x9d: {  	[tilespmem:s24+$0x12520] =	vst v18  }
0x9e: {  	[tilespmem:s24+$0x12920] =	vst v19  }
0x9f: {  	[tilespmem:s24+$0x12D20] =	vst v20  }
0xa0: {  	[tilespmem:s24+$0x13120] =	vst v21  }
0xa1: {  	[tilespmem:s24+$0x13520] =	vst v22  }
0xa2: {  	[tilespmem:s24+$0x13920] =	vst v23  }
0xa3: {  	[tilespmem:s24+$0x13D20] =	vst v24  }
0xa4: {  	[tilespmem:s24+$0x14120] =	vst v25  }
0xa5: {  	[tilespmem:s24+$0x14520] =	vst v26  }
0xa6: {  	[tilespmem:s24+$0x14920] =	vst v27  }
0xa7: {  	s22 =	sadd.s32 $0x2, s22;
	[tilespmem:s24+$0x14D20] =	vst v28  }
0xa8: {  	p1 =	slt.u32 s22, $0x3E;
	[tilespmem:s24+$0x15120] =	vst v29  }
.Ltmp0:
0xa9: {  	[tilespmem:s24+$0x15520] =	vst v30;
	(pc) =	sbr.rel @p1 .LBB2_3-.Ltmp0, $4  }
0xaa: {  	[tilespmem:s24+$0x15920] =	vst v31  }
0xab: {  	[tilespmem:s24+$0x15D20] =	vst v32  }
0xac: {  	[tilespmem:s24+$0x16120] =	vst v33  }
0xad: {  	s23 =	sadd.s32 $0x80, s23;
	[tilespmem:s24+$0x16520] =	vst v1  }
0xae: {  	s22 =	sadd.s32 s21, s5  }
0xaf: {  	[hbm4b:s22+s9] =	stream.strided.scatter [tilespmem:s13], [sflag:$0x1], $0x8400, s12, s9, $0x38;
	[tilespmem:$0x1ED10] =	vst v63  }
0xb0: {  	v0 =	vmov s19;
	s22 =	simm.s32 @!p0 $0x2  }
0xb1: {  	_ =	swait.ge @!p0 [sflag:s22], $0x8400  }
0xb2: {  	s21 =	sor.u32 $0x1000, s21;
	[sflag:s22] =	ssyncset.done @!p0 $0x0  }
0xb3: {  	s23 =	simm.s32 $0x0;
	[sflag:s22] =	ssyncadd.s32 @!p0 $0xFFFF7C00;
	s22 =	simm.s32 $0xFFFFFFFE  }
.LBB2_5:
0xb4: {  	s24 =	sshra.s32 s23, $0x2  }
0xb5: {  	v1 =	vld.idx.msk [tilespmem:v0+s24+$0xFFFFFFF0 ss:$0x1], $0xffff;
	_ =	sdelay $0x4  }
0xb6: {  	v2 =	vmul.u32 $0x21, v1;
	_ =	sdelay $0x1  }
0xb7: {  	vm0 =	vlt.u32 v1, $0x3E8;
	v1 =	vadd.s32 $0x21, v2  }
0xb8: {  	v1 =	vnsel vm0, $0x0, v1  }
0xb9: {  	v2 =	vadd.s32 $0x1, v1  }
0xba: {  	v3 =	vadd.s32 $0x2, v1  }
0xbb: {  	v4 =	vadd.s32 $0x3, v1  }
0xbc: {  	v5 =	vadd.s32 $0x4, v1  }
0xbd: {  	v7 =	vadd.s32 $0x5, v1;
	v6 =	vld.idx.msk [tilespmem:v1+s2+$0x0], $0xffff  }
0xbe: {  	v8 =	vadd.s32 $0x6, v1;
	v2 =	vld.idx.msk [tilespmem:v2+s2+$0x0], $0xffff  }
0xbf: {  	v9 =	vadd.s32 $0x7, v1;
	v3 =	vld.idx.msk [tilespmem:v3+s2+$0x0], $0xffff  }
0xc0: {  	v10 =	vadd.s32 $0x8, v1;
	v4 =	vld.idx.msk [tilespmem:v4+s2+$0x0], $0xffff  }
0xc1: {  	v11 =	vadd.s32 $0x9, v1;
	v5 =	vld.idx.msk [tilespmem:v5+s2+$0x0], $0xffff  }
0xc2: {  	v12 =	vadd.s32 $0xA, v1;
	v7 =	vld.idx.msk [tilespmem:v7+s2+$0x0], $0xffff  }
0xc3: {  	v13 =	vadd.s32 $0xB, v1;
	v8 =	vld.idx.msk [tilespmem:v8+s2+$0x0], $0xffff  }
0xc4: {  	v14 =	vadd.s32 $0xC, v1;
	v9 =	vld.idx.msk [tilespmem:v9+s2+$0x0], $0xffff  }
0xc5: {  	v15 =	vadd.s32 $0xD, v1;
	v10 =	vld.idx.msk [tilespmem:v10+s2+$0x0], $0xffff  }
0xc6: {  	v16 =	vadd.s32 $0xE, v1;
	v11 =	vld.idx.msk [tilespmem:v11+s2+$0x0], $0xffff  }
0xc7: {  	v17 =	vadd.s32 $0xF, v1;
	v12 =	vld.idx.msk [tilespmem:v12+s2+$0x0], $0xffff  }
0xc8: {  	v18 =	vadd.s32 $0x10, v1;
	v13 =	vld.idx.msk [tilespmem:v13+s2+$0x0], $0xffff  }
0xc9: {  	v19 =	vadd.s32 $0x11, v1;
	v14 =	vld.idx.msk [tilespmem:v14+s2+$0x0], $0xffff  }
0xca: {  	v20 =	vadd.s32 $0x12, v1;
	v15 =	vld.idx.msk [tilespmem:v15+s2+$0x0], $0xffff  }
0xcb: {  	v21 =	vadd.s32 $0x13, v1;
	v16 =	vld.idx.msk [tilespmem:v16+s2+$0x0], $0xffff  }
0xcc: {  	v22 =	vadd.s32 $0x14, v1;
	v17 =	vld.idx.msk [tilespmem:v17+s2+$0x0], $0xffff  }
0xcd: {  	v23 =	vadd.s32 $0x15, v1;
	v18 =	vld.idx.msk [tilespmem:v18+s2+$0x0], $0xffff  }
0xce: {  	v24 =	vadd.s32 $0x16, v1;
	v19 =	vld.idx.msk [tilespmem:v19+s2+$0x0], $0xffff  }
0xcf: {  	v25 =	vadd.s32 $0x17, v1;
	v20 =	vld.idx.msk [tilespmem:v20+s2+$0x0], $0xffff  }
0xd0: {  	v26 =	vadd.s32 $0x18, v1;
	v21 =	vld.idx.msk [tilespmem:v21+s2+$0x0], $0xffff  }
0xd1: {  	v27 =	vadd.s32 $0x19, v1;
	v22 =	vld.idx.msk [tilespmem:v22+s2+$0x0], $0xffff  }
0xd2: {  	v28 =	vadd.s32 $0x1A, v1;
	v23 =	vld.idx.msk [tilespmem:v23+s2+$0x0], $0xffff  }
0xd3: {  	v29 =	vadd.s32 $0x1B, v1;
	v24 =	vld.idx.msk [tilespmem:v24+s2+$0x0], $0xffff  }
0xd4: {  	v30 =	vadd.s32 $0x1C, v1;
	v25 =	vld.idx.msk [tilespmem:v25+s2+$0x0], $0xffff  }
0xd5: {  	v31 =	vadd.s32 $0x1D, v1;
	v26 =	vld.idx.msk [tilespmem:v26+s2+$0x0], $0xffff  }
0xd6: {  	v32 =	vadd.s32 $0x1E, v1;
	v27 =	vld.idx.msk [tilespmem:v27+s2+$0x0], $0xffff  }
0xd7: {  	v33 =	vadd.s32 $0x1F, v1;
	v28 =	vld.idx.msk [tilespmem:v28+s2+$0x0], $0xffff  }
0xd8: {  	v1 =	vadd.s32 $0x20, v1;
	v29 =	vld.idx.msk [tilespmem:v29+s2+$0x0], $0xffff  }
0xd9: {  	v30 =	vld.idx.msk [tilespmem:v30+s2+$0x0], $0xffff  }
0xda: {  	v31 =	vld.idx.msk [tilespmem:v31+s2+$0x0], $0xffff  }
0xdb: {  	v32 =	vld.idx.msk [tilespmem:v32+s2+$0x0], $0xffff  }
0xdc: {  	v33 =	vld.idx.msk [tilespmem:v33+s2+$0x0], $0xffff  }
0xdd: {  	v1 =	vld.idx.msk [tilespmem:v1+s2+$0x0], $0xffff;
	[tilespmem:s24+$0x16910] =	vst v6  }
0xde: {  	[tilespmem:s24+$0x16D10] =	vst v2  }
0xdf: {  	[tilespmem:s24+$0x17110] =	vst v3  }
0xe0: {  	[tilespmem:s24+$0x17510] =	vst v4  }
0xe1: {  	[tilespmem:s24+$0x17910] =	vst v5  }
0xe2: {  	[tilespmem:s24+$0x17D10] =	vst v7  }
0xe3: {  	[tilespmem:s24+$0x18110] =	vst v8  }
0xe4: {  	[tilespmem:s24+$0x18510] =	vst v9  }
0xe5: {  	[tilespmem:s24+$0x18910] =	vst v10  }
0xe6: {  	[tilespmem:s24+$0x18D10] =	vst v11  }
0xe7: {  	[tilespmem:s24+$0x19110] =	vst v12  }
0xe8: {  	[tilespmem:s24+$0x19510] =	vst v13  }
0xe9: {  	[tilespmem:s24+$0x19910] =	vst v14  }
0xea: {  	[tilespmem:s24+$0x19D10] =	vst v15  }
0xeb: {  	[tilespmem:s24+$0x1A110] =	vst v16  }
0xec: {  	[tilespmem:s24+$0x1A510] =	vst v17  }
0xed: {  	[tilespmem:s24+$0x1A910] =	vst v18  }
0xee: {  	[tilespmem:s24+$0x1AD10] =	vst v19  }
0xef: {  	[tilespmem:s24+$0x1B110] =	vst v20  }
0xf0: {  	[tilespmem:s24+$0x1B510] =	vst v21  }
0xf1: {  	[tilespmem:s24+$0x1B910] =	vst v22  }
0xf2: {  	[tilespmem:s24+$0x1BD10] =	vst v23  }
0xf3: {  	[tilespmem:s24+$0x1C110] =	vst v24  }
0xf4: {  	[tilespmem:s24+$0x1C510] =	vst v25  }
0xf5: {  	[tilespmem:s24+$0x1C910] =	vst v26  }
0xf6: {  	[tilespmem:s24+$0x1CD10] =	vst v27  }
0xf7: {  	[tilespmem:s24+$0x1D110] =	vst v28  }
0xf8: {  	[tilespmem:s24+$0x1D510] =	vst v29  }
0xf9: {  	[tilespmem:s24+$0x1D910] =	vst v30  }
0xfa: {  	[tilespmem:s24+$0x1DD10] =	vst v31  }
0xfb: {  	[tilespmem:s24+$0x1E110] =	vst v32  }
0xfc: {  	[tilespmem:s24+$0x1E510] =	vst v33  }
0xfd: {  	[tilespmem:s24+$0x1E910] =	vst v1  }
0xfe: {  	v1 =	vld.idx.msk [tilespmem:v0+s24+$0x0 ss:$0x1], $0xffff;
	_ =	sdelay $0x4  }
0xff: {  	v2 =	vmul.u32 $0x21, v1;
	_ =	sdelay $0x1  }
0x100: {  	vm15 =	vlt.u32 v1, $0x3E8;
	v1 =	vadd.s32 $0x21, v2  }
0x101: {  	v1 =	vnsel vm15, $0x0, v1  }
0x102: {  	v2 =	vadd.s32 $0x1, v1  }
0x103: {  	v3 =	vadd.s32 $0x2, v1  }
0x104: {  	v35 =	vadd.s32 $0x3, v1  }
0x105: {  	v36 =	vadd.s32 $0x4, v1  }
0x106: {  	v37 =	vadd.s32 $0x5, v1;
	v6 =	vld.idx.msk [tilespmem:v1+s2+$0x0], $0xffff  }
0x107: {  	v38 =	vadd.s32 $0x6, v1;
	v2 =	vld.idx.msk [tilespmem:v2+s2+$0x0], $0xffff  }
0x108: {  	v39 =	vadd.s32 $0x7, v1;
	v3 =	vld.idx.msk [tilespmem:v3+s2+$0x0], $0xffff  }
0x109: {  	v40 =	vadd.s32 $0x8, v1;
	v4 =	vld.idx.msk [tilespmem:v35+s2+$0x0], $0xffff  }
0x10a: {  	v41 =	vadd.s32 $0x9, v1;
	v5 =	vld.idx.msk [tilespmem:v36+s2+$0x0], $0xffff  }
0x10b: {  	v42 =	vadd.s32 $0xA, v1;
	v7 =	vld.idx.msk [tilespmem:v37+s2+$0x0], $0xffff  }
0x10c: {  	v43 =	vadd.s32 $0xB, v1;
	v8 =	vld.idx.msk [tilespmem:v38+s2+$0x0], $0xffff  }
0x10d: {  	v44 =	vadd.s32 $0xC, v1;
	v9 =	vld.idx.msk [tilespmem:v39+s2+$0x0], $0xffff  }
0x10e: {  	v45 =	vadd.s32 $0xD, v1;
	v10 =	vld.idx.msk [tilespmem:v40+s2+$0x0], $0xffff  }
0x10f: {  	v46 =	vadd.s32 $0xE, v1;
	v11 =	vld.idx.msk [tilespmem:v41+s2+$0x0], $0xffff  }
0x110: {  	v47 =	vadd.s32 $0xF, v1;
	v12 =	vld.idx.msk [tilespmem:v42+s2+$0x0], $0xffff  }
0x111: {  	v48 =	vadd.s32 $0x10, v1;
	v13 =	vld.idx.msk [tilespmem:v43+s2+$0x0], $0xffff  }
0x112: {  	v49 =	vadd.s32 $0x11, v1;
	v14 =	vld.idx.msk [tilespmem:v44+s2+$0x0], $0xffff  }
0x113: {  	v50 =	vadd.s32 $0x12, v1;
	v15 =	vld.idx.msk [tilespmem:v45+s2+$0x0], $0xffff  }
0x114: {  	v51 =	vadd.s32 $0x13, v1;
	v16 =	vld.idx.msk [tilespmem:v46+s2+$0x0], $0xffff  }
0x115: {  	v52 =	vadd.s32 $0x14, v1;
	v17 =	vld.idx.msk [tilespmem:v47+s2+$0x0], $0xffff  }
0x116: {  	v53 =	vadd.s32 $0x15, v1;
	v18 =	vld.idx.msk [tilespmem:v48+s2+$0x0], $0xffff  }
0x117: {  	v54 =	vadd.s32 $0x16, v1;
	v19 =	vld.idx.msk [tilespmem:v49+s2+$0x0], $0xffff  }
0x118: {  	v55 =	vadd.s32 $0x17, v1;
	v20 =	vld.idx.msk [tilespmem:v50+s2+$0x0], $0xffff  }
0x119: {  	v56 =	vadd.s32 $0x18, v1;
	v21 =	vld.idx.msk [tilespmem:v51+s2+$0x0], $0xffff  }
0x11a: {  	v57 =	vadd.s32 $0x19, v1;
	v22 =	vld.idx.msk [tilespmem:v52+s2+$0x0], $0xffff  }
0x11b: {  	v58 =	vadd.s32 $0x1A, v1;
	v23 =	vld.idx.msk [tilespmem:v53+s2+$0x0], $0xffff  }
0x11c: {  	v59 =	vadd.s32 $0x1B, v1;
	v24 =	vld.idx.msk [tilespmem:v54+s2+$0x0], $0xffff  }
0x11d: {  	v60 =	vadd.s32 $0x1C, v1;
	v25 =	vld.idx.msk [tilespmem:v55+s2+$0x0], $0xffff  }
0x11e: {  	v61 =	vadd.s32 $0x1D, v1;
	v26 =	vld.idx.msk [tilespmem:v56+s2+$0x0], $0xffff  }
0x11f: {  	v62 =	vadd.s32 $0x1E, v1;
	v27 =	vld.idx.msk [tilespmem:v57+s2+$0x0], $0xffff  }
0x120: {  	v63 =	vadd.s32 $0x1F, v1;
	v28 =	vld.idx.msk [tilespmem:v58+s2+$0x0], $0xffff  }
0x121: {  	v1 =	vadd.s32 $0x20, v1;
	v29 =	vld.idx.msk [tilespmem:v59+s2+$0x0], $0xffff  }
0x122: {  	v30 =	vld.idx.msk [tilespmem:v60+s2+$0x0], $0xffff  }
0x123: {  	v31 =	vld.idx.msk [tilespmem:v61+s2+$0x0], $0xffff  }
0x124: {  	v32 =	vld.idx.msk [tilespmem:v62+s2+$0x0], $0xffff  }
0x125: {  	v33 =	vld.idx.msk [tilespmem:v63+s2+$0x0], $0xffff  }
0x126: {  	v1 =	vld.idx.msk [tilespmem:v1+s2+$0x0], $0xffff;
	[tilespmem:s24+$0x16920] =	vst v6  }
0x127: {  	[tilespmem:s24+$0x16D20] =	vst v2  }
0x128: {  	[tilespmem:s24+$0x17120] =	vst v3  }
0x129: {  	[tilespmem:s24+$0x17520] =	vst v4  }
0x12a: {  	[tilespmem:s24+$0x17920] =	vst v5  }
0x12b: {  	[tilespmem:s24+$0x17D20] =	vst v7  }
0x12c: {  	[tilespmem:s24+$0x18120] =	vst v8  }
0x12d: {  	[tilespmem:s24+$0x18520] =	vst v9  }
0x12e: {  	[tilespmem:s24+$0x18920] =	vst v10  }
0x12f: {  	[tilespmem:s24+$0x18D20] =	vst v11  }
0x130: {  	[tilespmem:s24+$0x19120] =	vst v12  }
0x131: {  	[tilespmem:s24+$0x19520] =	vst v13  }
0x132: {  	[tilespmem:s24+$0x19920] =	vst v14  }
0x133: {  	[tilespmem:s24+$0x19D20] =	vst v15  }
0x134: {  	[tilespmem:s24+$0x1A120] =	vst v16  }
0x135: {  	[tilespmem:s24+$0x1A520] =	vst v17  }
0x136: {  	[tilespmem:s24+$0x1A920] =	vst v18  }
0x137: {  	[tilespmem:s24+$0x1AD20] =	vst v19  }
0x138: {  	[tilespmem:s24+$0x1B120] =	vst v20  }
0x139: {  	[tilespmem:s24+$0x1B520] =	vst v21  }
0x13a: {  	[tilespmem:s24+$0x1B920] =	vst v22  }
0x13b: {  	[tilespmem:s24+$0x1BD20] =	vst v23  }
0x13c: {  	[tilespmem:s24+$0x1C120] =	vst v24  }
0x13d: {  	[tilespmem:s24+$0x1C520] =	vst v25  }
0x13e: {  	[tilespmem:s24+$0x1C920] =	vst v26  }
0x13f: {  	[tilespmem:s24+$0x1CD20] =	vst v27  }
0x140: {  	s22 =	sadd.s32 $0x2, s22;
	[tilespmem:s24+$0x1D120] =	vst v28  }
0x141: {  	p0 =	slt.u32 s22, $0x3E;
	[tilespmem:s24+$0x1D520] =	vst v29  }
.Ltmp1:
0x142: {  	[tilespmem:s24+$0x1D920] =	vst v30;
	(pc) =	sbr.rel @p0 .LBB2_5-.Ltmp1, $4  }
0x143: {  	[tilespmem:s24+$0x1DD20] =	vst v31  }
0x144: {  	[tilespmem:s24+$0x1E120] =	vst v32  }
0x145: {  	[tilespmem:s24+$0x1E520] =	vst v33  }
0x146: {  	s23 =	sadd.s32 $0x80, s23;
	[tilespmem:s24+$0x1E920] =	vst v1  }
0x147: {  	s20 =	sadd.s32 $0x1, s20  }
0x148: {  	p0 =	sne.s32 s20, $0xC  }
.Ltmp2:
0x149: {  	_ = 	snop;
	(pc) =	sbr.rel @p0 .LBB2_2-.Ltmp2, $3  }
0x14a: {  	_ =	sdelay $0x1  }
0x14b: {  	s21 =	sadd.s32 s21, s5;
	s18 =	sadd.s32 $0x800, s18;
	s19 =	sadd.s32 $0x800, s19  }
0x14c: {  	[hbm4b:s21+s9] =	stream.strided.scatter [tilespmem:s14], [sflag:$0x2], $0x8400, s12, s9, $0x38;
	[tilespmem:$0x1ED10] =	vst v63  }
0x14d: {  	_ =	swait.ge [sflag:s15], $0x8400  }
0x14e: {  	[sflag:s15] =	ssyncset.done $0x0  }
0x14f: {  	s18 =	simm.s32 $0xFFFFFFFE;
	s19 =	simm.s32 $0x0;
	[sflag:s15] =	ssyncadd.s32 $0xFFFF7C00  }
.LBB2_8:
0x150: {  	s20 =	sshra.s32 s19, $0x2  }
0x151: {  	v0 =	vld [tilespmem:s20+$0xE110];
	_ =	sdelay $0x4  }
0x152: {  	v1 =	vmul.u32 $0x21, v0;
	_ =	sdelay $0x1  }
0x153: {  	vm0 =	vlt.u32 v0, $0x3E8;
	v19 =	vadd.s32 $0x21, v1  }
0x154: {  	v0 =	vnsel vm0, $0x0, v19  }
0x155: {  	v20 =	vadd.s32 $0x1, v0  }
0x156: {  	v2 =	vadd.s32 $0x2, v0  }
0x157: {  	v3 =	vadd.s32 $0x3, v0  }
0x158: {  	v4 =	vadd.s32 $0x4, v0  }
0x159: {  	v6 =	vadd.s32 $0x5, v0;
	v5 =	vld.idx.msk [tilespmem:v0+s2+$0x0], $0xffff  }
0x15a: {  	v7 =	vadd.s32 $0x6, v0;
	v1 =	vld.idx.msk [tilespmem:v20+s2+$0x0], $0xffff  }
0x15b: {  	v8 =	vadd.s32 $0x7, v0;
	v2 =	vld.idx.msk [tilespmem:v2+s2+$0x0], $0xffff  }
0x15c: {  	v9 =	vadd.s32 $0x8, v0;
	v3 =	vld.idx.msk [tilespmem:v3+s2+$0x0], $0xffff  }
0x15d: {  	v10 =	vadd.s32 $0x9, v0;
	v4 =	vld.idx.msk [tilespmem:v4+s2+$0x0], $0xffff  }
0x15e: {  	v11 =	vadd.s32 $0xA, v0;
	v6 =	vld.idx.msk [tilespmem:v6+s2+$0x0], $0xffff  }
0x15f: {  	v12 =	vadd.s32 $0xB, v0;
	v7 =	vld.idx.msk [tilespmem:v7+s2+$0x0], $0xffff  }
0x160: {  	v13 =	vadd.s32 $0xC, v0;
	v8 =	vld.idx.msk [tilespmem:v8+s2+$0x0], $0xffff  }
0x161: {  	v14 =	vadd.s32 $0xD, v0;
	v9 =	vld.idx.msk [tilespmem:v9+s2+$0x0], $0xffff  }
0x162: {  	v15 =	vadd.s32 $0xE, v0;
	v10 =	vld.idx.msk [tilespmem:v10+s2+$0x0], $0xffff  }
0x163: {  	v16 =	vadd.s32 $0xF, v0;
	v11 =	vld.idx.msk [tilespmem:v11+s2+$0x0], $0xffff  }
0x164: {  	v17 =	vadd.s32 $0x10, v0;
	v12 =	vld.idx.msk [tilespmem:v12+s2+$0x0], $0xffff  }
0x165: {  	v18 =	vadd.s32 $0x11, v0;
	v13 =	vld.idx.msk [tilespmem:v13+s2+$0x0], $0xffff  }
0x166: {  	v19 =	vadd.s32 $0x12, v0;
	v14 =	vld.idx.msk [tilespmem:v14+s2+$0x0], $0xffff  }
0x167: {  	v21 =	vadd.s32 $0x14, v0;
	v15 =	vld.idx.msk [tilespmem:v15+s2+$0x0], $0xffff  }
0x168: {  	v22 =	vadd.s32 $0x15, v0;
	v16 =	vld.idx.msk [tilespmem:v16+s2+$0x0], $0xffff  }
0x169: {  	v23 =	vadd.s32 $0x16, v0;
	v17 =	vld.idx.msk [tilespmem:v17+s2+$0x0], $0xffff  }
0x16a: {  	v24 =	vadd.s32 $0x17, v0;
	v18 =	vld.idx.msk [tilespmem:v18+s2+$0x0], $0xffff  }
0x16b: {  	v25 =	vadd.s32 $0x18, v0;
	v19 =	vld.idx.msk [tilespmem:v19+s2+$0x0], $0xffff  }
0x16c: {  	v26 =	vadd.s32 $0x19, v0;
	v21 =	vld.idx.msk [tilespmem:v21+s2+$0x0], $0xffff  }
0x16d: {  	v27 =	vadd.s32 $0x1A, v0;
	v22 =	vld.idx.msk [tilespmem:v22+s2+$0x0], $0xffff  }
0x16e: {  	v28 =	vadd.s32 $0x1B, v0;
	v23 =	vld.idx.msk [tilespmem:v23+s2+$0x0], $0xffff  }
0x16f: {  	v29 =	vadd.s32 $0x1C, v0;
	v24 =	vld.idx.msk [tilespmem:v24+s2+$0x0], $0xffff  }
0x170: {  	v30 =	vadd.s32 $0x1D, v0;
	v25 =	vld.idx.msk [tilespmem:v25+s2+$0x0], $0xffff  }
0x171: {  	v31 =	vadd.s32 $0x1E, v0;
	v26 =	vld.idx.msk [tilespmem:v26+s2+$0x0], $0xffff  }
0x172: {  	v32 =	vadd.s32 $0x1F, v0;
	v27 =	vld.idx.msk [tilespmem:v27+s2+$0x0], $0xffff  }
0x173: {  	v20 =	vadd.s32 $0x13, v0;
	v28 =	vld.idx.msk [tilespmem:v28+s2+$0x0], $0xffff  }
0x174: {  	v0 =	vadd.s32 $0x20, v0;
	v29 =	vld.idx.msk [tilespmem:v29+s2+$0x0], $0xffff  }
0x175: {  	v30 =	vld.idx.msk [tilespmem:v30+s2+$0x0], $0xffff  }
0x176: {  	v31 =	vld.idx.msk [tilespmem:v31+s2+$0x0], $0xffff  }
0x177: {  	v32 =	vld.idx.msk [tilespmem:v32+s2+$0x0], $0xffff  }
0x178: {  	v20 =	vld.idx.msk [tilespmem:v20+s2+$0x0], $0xffff  }
0x179: {  	v0 =	vld.idx.msk [tilespmem:v0+s2+$0x0], $0xffff;
	[tilespmem:s20+$0xE510] =	vst v5  }
0x17a: {  	[tilespmem:s20+$0xE910] =	vst v1  }
0x17b: {  	[tilespmem:s20+$0xED10] =	vst v2  }
0x17c: {  	[tilespmem:s20+$0xF110] =	vst v3  }
0x17d: {  	[tilespmem:s20+$0xF510] =	vst v4  }
0x17e: {  	[tilespmem:s20+$0xF910] =	vst v6  }
0x17f: {  	[tilespmem:s20+$0xFD10] =	vst v7  }
0x180: {  	[tilespmem:s20+$0x10110] =	vst v8  }
0x181: {  	[tilespmem:s20+$0x10510] =	vst v9  }
0x182: {  	[tilespmem:s20+$0x10910] =	vst v10  }
0x183: {  	[tilespmem:s20+$0x10D10] =	vst v11  }
0x184: {  	[tilespmem:s20+$0x11110] =	vst v12  }
0x185: {  	[tilespmem:s20+$0x11510] =	vst v13  }
0x186: {  	[tilespmem:s20+$0x11910] =	vst v14  }
0x187: {  	[tilespmem:s20+$0x11D10] =	vst v15  }
0x188: {  	[tilespmem:s20+$0x12110] =	vst v16  }
0x189: {  	[tilespmem:s20+$0x12510] =	vst v17  }
0x18a: {  	[tilespmem:s20+$0x12910] =	vst v18  }
0x18b: {  	[tilespmem:s20+$0x12D10] =	vst v19  }
0x18c: {  	[tilespmem:s20+$0x13510] =	vst v21  }
0x18d: {  	v21 =	vld [tilespmem:s20+$0xE120];
	[tilespmem:s20+$0x13910] =	vst v22  }
0x18e: {  	[tilespmem:s20+$0x13D10] =	vst v23  }
0x18f: {  	[tilespmem:s20+$0x14110] =	vst v24  }
0x190: {  	[tilespmem:s20+$0x14510] =	vst v25  }
0x191: {  	[tilespmem:s20+$0x14910] =	vst v26  }
0x192: {  	[tilespmem:s20+$0x14D10] =	vst v27;
	v26 =	vmul.u32 $0x21, v21  }
0x193: {  	[tilespmem:s20+$0x15110] =	vst v28  }
0x194: {  	[tilespmem:s20+$0x15510] =	vst v29;
	vm15 =	vlt.u32 v21, $0x3E8;
	v28 =	vadd.s32 $0x21, v26  }
0x195: {  	[tilespmem:s20+$0x15910] =	vst v30;
	v1 =	vnsel vm15, $0x0, v28  }
0x196: {  	[tilespmem:s20+$0x15D10] =	vst v31;
	v33 =	vadd.s32 $0x1, v1  }
0x197: {  	[tilespmem:s20+$0x16110] =	vst v32;
	v34 =	vadd.s32 $0x2, v1  }
0x198: {  	[tilespmem:s20+$0x13110] =	vst v20;
	v35 =	vadd.s32 $0x3, v1  }
0x199: {  	[tilespmem:s20+$0x16510] =	vst v0;
	v36 =	vadd.s32 $0x4, v1  }
0x19a: {  	v37 =	vadd.s32 $0x5, v1;
	v5 =	vld.idx.msk [tilespmem:v1+s2+$0x0], $0xffff  }
0x19b: {  	v38 =	vadd.s32 $0x6, v1;
	v2 =	vld.idx.msk [tilespmem:v33+s2+$0x0], $0xffff  }
0x19c: {  	v39 =	vadd.s32 $0x7, v1;
	v3 =	vld.idx.msk [tilespmem:v34+s2+$0x0], $0xffff  }
0x19d: {  	v40 =	vadd.s32 $0x8, v1;
	v4 =	vld.idx.msk [tilespmem:v35+s2+$0x0], $0xffff  }
0x19e: {  	v41 =	vadd.s32 $0x9, v1;
	v0 =	vld.idx.msk [tilespmem:v36+s2+$0x0], $0xffff  }
0x19f: {  	v42 =	vadd.s32 $0xA, v1;
	v6 =	vld.idx.msk [tilespmem:v37+s2+$0x0], $0xffff  }
0x1a0: {  	v43 =	vadd.s32 $0xB, v1;
	v7 =	vld.idx.msk [tilespmem:v38+s2+$0x0], $0xffff  }
0x1a1: {  	v44 =	vadd.s32 $0xC, v1;
	v8 =	vld.idx.msk [tilespmem:v39+s2+$0x0], $0xffff  }
0x1a2: {  	v45 =	vadd.s32 $0xD, v1;
	v9 =	vld.idx.msk [tilespmem:v40+s2+$0x0], $0xffff  }
0x1a3: {  	v46 =	vadd.s32 $0xE, v1;
	v10 =	vld.idx.msk [tilespmem:v41+s2+$0x0], $0xffff  }
0x1a4: {  	v47 =	vadd.s32 $0xF, v1;
	v11 =	vld.idx.msk [tilespmem:v42+s2+$0x0], $0xffff  }
0x1a5: {  	v48 =	vadd.s32 $0x10, v1;
	v12 =	vld.idx.msk [tilespmem:v43+s2+$0x0], $0xffff  }
0x1a6: {  	v49 =	vadd.s32 $0x11, v1;
	v13 =	vld.idx.msk [tilespmem:v44+s2+$0x0], $0xffff  }
0x1a7: {  	v50 =	vadd.s32 $0x12, v1;
	v14 =	vld.idx.msk [tilespmem:v45+s2+$0x0], $0xffff  }
0x1a8: {  	v51 =	vadd.s32 $0x13, v1;
	v15 =	vld.idx.msk [tilespmem:v46+s2+$0x0], $0xffff  }
0x1a9: {  	v52 =	vadd.s32 $0x14, v1;
	v16 =	vld.idx.msk [tilespmem:v47+s2+$0x0], $0xffff  }
0x1aa: {  	v53 =	vadd.s32 $0x15, v1;
	v17 =	vld.idx.msk [tilespmem:v48+s2+$0x0], $0xffff  }
0x1ab: {  	v54 =	vadd.s32 $0x16, v1;
	v18 =	vld.idx.msk [tilespmem:v49+s2+$0x0], $0xffff  }
0x1ac: {  	v55 =	vadd.s32 $0x17, v1;
	v19 =	vld.idx.msk [tilespmem:v50+s2+$0x0], $0xffff  }
0x1ad: {  	v56 =	vadd.s32 $0x18, v1;
	v20 =	vld.idx.msk [tilespmem:v51+s2+$0x0], $0xffff  }
0x1ae: {  	v57 =	vadd.s32 $0x19, v1;
	v21 =	vld.idx.msk [tilespmem:v52+s2+$0x0], $0xffff  }
0x1af: {  	v58 =	vadd.s32 $0x1A, v1;
	v22 =	vld.idx.msk [tilespmem:v53+s2+$0x0], $0xffff  }
0x1b0: {  	v59 =	vadd.s32 $0x1B, v1;
	v23 =	vld.idx.msk [tilespmem:v54+s2+$0x0], $0xffff  }
0x1b1: {  	v60 =	vadd.s32 $0x1C, v1;
	v24 =	vld.idx.msk [tilespmem:v55+s2+$0x0], $0xffff  }
0x1b2: {  	v61 =	vadd.s32 $0x1D, v1;
	v25 =	vld.idx.msk [tilespmem:v56+s2+$0x0], $0xffff  }
0x1b3: {  	v62 =	vadd.s32 $0x1E, v1;
	v26 =	vld.idx.msk [tilespmem:v57+s2+$0x0], $0xffff  }
0x1b4: {  	v63 =	vadd.s32 $0x1F, v1;
	v27 =	vld.idx.msk [tilespmem:v58+s2+$0x0], $0xffff  }
0x1b5: {  	v1 =	vadd.s32 $0x20, v1;
	v28 =	vld.idx.msk [tilespmem:v59+s2+$0x0], $0xffff  }
0x1b6: {  	v29 =	vld.idx.msk [tilespmem:v60+s2+$0x0], $0xffff  }
0x1b7: {  	v30 =	vld.idx.msk [tilespmem:v61+s2+$0x0], $0xffff  }
0x1b8: {  	v31 =	vld.idx.msk [tilespmem:v62+s2+$0x0], $0xffff  }
0x1b9: {  	v32 =	vld.idx.msk [tilespmem:v63+s2+$0x0], $0xffff  }
0x1ba: {  	v1 =	vld.idx.msk [tilespmem:v1+s2+$0x0], $0xffff;
	[tilespmem:s20+$0xE520] =	vst v5  }
0x1bb: {  	[tilespmem:s20+$0xE920] =	vst v2  }
0x1bc: {  	[tilespmem:s20+$0xED20] =	vst v3  }
0x1bd: {  	[tilespmem:s20+$0xF120] =	vst v4  }
0x1be: {  	[tilespmem:s20+$0xF520] =	vst v0  }
0x1bf: {  	[tilespmem:s20+$0xF920] =	vst v6  }
0x1c0: {  	[tilespmem:s20+$0xFD20] =	vst v7  }
0x1c1: {  	[tilespmem:s20+$0x10120] =	vst v8  }
0x1c2: {  	[tilespmem:s20+$0x10520] =	vst v9  }
0x1c3: {  	[tilespmem:s20+$0x10920] =	vst v10  }
0x1c4: {  	[tilespmem:s20+$0x10D20] =	vst v11  }
0x1c5: {  	[tilespmem:s20+$0x11120] =	vst v12  }
0x1c6: {  	[tilespmem:s20+$0x11520] =	vst v13  }
0x1c7: {  	[tilespmem:s20+$0x11920] =	vst v14  }
0x1c8: {  	[tilespmem:s20+$0x11D20] =	vst v15  }
0x1c9: {  	[tilespmem:s20+$0x12120] =	vst v16  }
0x1ca: {  	[tilespmem:s20+$0x12520] =	vst v17  }
0x1cb: {  	[tilespmem:s20+$0x12920] =	vst v18  }
0x1cc: {  	[tilespmem:s20+$0x12D20] =	vst v19  }
0x1cd: {  	[tilespmem:s20+$0x13120] =	vst v20  }
0x1ce: {  	[tilespmem:s20+$0x13520] =	vst v21  }
0x1cf: {  	[tilespmem:s20+$0x13920] =	vst v22  }
0x1d0: {  	[tilespmem:s20+$0x13D20] =	vst v23  }
0x1d1: {  	[tilespmem:s20+$0x14120] =	vst v24  }
0x1d2: {  	[tilespmem:s20+$0x14520] =	vst v25  }
0x1d3: {  	[tilespmem:s20+$0x14920] =	vst v26  }
0x1d4: {  	s18 =	sadd.s32 $0x2, s18;
	[tilespmem:s20+$0x14D20] =	vst v27  }
0x1d5: {  	p0 =	slt.u32 s18, $0x3E;
	[tilespmem:s20+$0x15120] =	vst v28  }
.Ltmp3:
0x1d6: {  	[tilespmem:s20+$0x15520] =	vst v29;
	(pc) =	sbr.rel @p0 .LBB2_8-.Ltmp3, $4  }
0x1d7: {  	[tilespmem:s20+$0x15920] =	vst v30  }
0x1d8: {  	[tilespmem:s20+$0x15D20] =	vst v31  }
0x1d9: {  	[tilespmem:s20+$0x16120] =	vst v32  }
0x1da: {  	s19 =	sadd.s32 $0x80, s19;
	[tilespmem:s20+$0x16520] =	vst v1  }
0x1db: {  	[hbm4b:s6+s9] =	stream.strided.scatter [tilespmem:s13], [sflag:$0x1], $0x8400, s12, s9, $0x38;
	[tilespmem:$0x1ED10] =	vst v63  }
0x1dc: {  	s17 =	sadd.s32 $0x1, s17  }
0x1dd: {  	_ =	swait.ge [sflag:s15], $0x8400;
	p0 =	sne.s32 s17, s7  }
.Ltmp4:
0x1de: {  	[sflag:s15] =	ssyncset.done $0x0;
	(pc) =	sbr.rel @p0 .LBB2_1-.Ltmp4, $4  }
0x1df: {  	[sflag:s15] =	ssyncadd.s32 $0xFFFF7C00  }
0x1e0: {  	_ =	swait.ge [sflag:s16], $0x8400  }
0x1e1: {  	[sflag:s16] =	ssyncset.done $0x0  }
0x1e2: {  	[sflag:s16] =	ssyncadd.s32 $0xFFFF7C00  }
0x1e3: {  	_ =	sfence.sel $0x180000  }
0x1e4: {  	[bflag:$0x0] =	sbarrier.arrive $0xFFFF  }
0x1e5: {  	p0 =	sne.s32 s1, $0x0;
	_ =	strace $0x90000047  }
0x1e6: {  	s0 =	sadd.s32 @!p0 $0x100000, s0;
	[bflag:$0x2] =	sbarrier.arrive $0xFFFF  }
0x1e7: {  	[sflag:s0] =	ssyncadd.tile.s32 @!p0 $0x1;
	_ =	shalt  }
.Lfunc_end2:
_tile_overlayer_lowered:
.L_overlay_start_2:
0x1e8: {  	(tag) =	ssettag $0x2  }
0x1e9: {  	s0 =	rddreg [dreg:$0x0];
	s2 =	stileid.u32  }
0x1ea: {  	s1 =	rddreg [dreg:$0x1];
	p0 =	sne.s32 s2, $0x0  }
0x1eb: {  	s3 =	rddreg [dreg:$0x2];
	[bflag:$0x3] =	sbarrier.arrive $0xFFFF;
	s2 =	simm.s32 @!p0 $0x1C03  }
0x1ec: {  	[timem:s3], [sflag:s2] =	dma.local @!p0 [hbm:s0], s1  }
0x1ed: {  	s0 =	simm.s32 @!p0 $0x3  }
0x1ee: {  	_ =	swait.ge @!p0 [sflag:s0], s1  }
0x1ef: {  	s1 =	ssub.s32 @!p0 $0x0, s1;
	[sflag:s0] =	ssyncset.done @!p0 $0x0  }
0x1f0: {  	[sflag:s0] =	ssyncadd.s32 @!p0 s1  }
0x1f1: {  	[bflag:$0x3] =	sbarrier.arrive $0xFFFF  }
0x1f2: {  	_ =	shalt  }

</sc_bundles>
